<compile_context>
chip_gen: v7x
topology: tpu7x:2x2x1
jax: 0.10.2.dev20260603
libtpu: 0.0.44.dev20260713+nightly
codegen_flags: <defaults>
</compile_context>

<pallas_src>
import jax
import jax.numpy as jnp
from jax import lax
from jax.experimental import pallas as pl
from jax.experimental.pallas import tpu as pltpu
from jax.experimental.pallas import tpu_sc as plsc

S = 320000
N = 10000
D = 128
NC = 2
NS = 16
LANES = 16


_MM_BS = 2560


def _mm_body(x_ref, w_ref, o_ref):
    o_ref[...] = jnp.dot(x_ref[...], w_ref[...],
                         preferred_element_type=jnp.float32)


def _matmul(x, w):
    return pl.pallas_call(
        _mm_body,
        grid=(S // _MM_BS,),
        in_specs=[
            pl.BlockSpec((_MM_BS, D), lambda i: (i, 0)),
            pl.BlockSpec((D, D), lambda i: (0, 0)),
        ],
        out_specs=pl.BlockSpec((_MM_BS, D), lambda i: (i, 0)),
        out_shape=jax.ShapeDtypeStruct((S, D), jnp.float32),
    )(x, w)



_SCAT = 80
_POOL_CHUNK = 160
_ROWS_PER_TILE = S // NS
_POOL_NCHUNK = _ROWS_PER_TILE // _POOL_CHUNK
_NP = 10240
_SEG_PER_TILE = _NP // NS


def _pool_body(x_hbm, idx_hbm, zeros_hbm, pool0_hbm, pool1_hbm,
               table, rows0, rows1, ia0, ia1, ib0, ib1,
               rsem0, rsem1, iasem0, iasem1, ibsem0, ibsem1,
               scsem0, scsem1):
    c = lax.axis_index("c")
    s = lax.axis_index("s")
    pltpu.sync_copy(zeros_hbm, table.at[pl.ds(s * _SEG_PER_TILE, _SEG_PER_TILE)])
    plsc.subcore_barrier()

    rows = (rows0, rows1)
    ia = (ia0, ia1)
    ib = (ib0, ib1)
    rsems = (rsem0, rsem1)
    iasems = (iasem0, iasem1)
    ibsems = (ibsem0, ibsem1)
    scsems = (scsem0, scsem1)

    def issue(g, slot):
        base = s * _ROWS_PER_TILE + g * _POOL_CHUNK
        pltpu.async_copy(x_hbm.at[pl.ds(base, _POOL_CHUNK)], rows[slot],
                         rsems[slot])
        pltpu.async_copy(idx_hbm.at[pl.ds(c * S + base, _SCAT)],
                         ia[slot], iasems[slot])
        pltpu.async_copy(idx_hbm.at[pl.ds(c * S + base + _SCAT, _SCAT)],
                         ib[slot], ibsems[slot])

    def process(g, slot):
        pltpu.make_async_copy(x_hbm.at[pl.ds(0, _POOL_CHUNK)],
                              rows[slot], rsems[slot]).wait()
        pltpu.make_async_copy(idx_hbm.at[pl.ds(0, _SCAT)],
                              ia[slot], iasems[slot]).wait()
        pltpu.make_async_copy(idx_hbm.at[pl.ds(0, _SCAT)],
                              ib[slot], ibsems[slot]).wait()
        cpa = pltpu.async_copy(rows[slot].at[pl.ds(0, _SCAT)],
                               table.at[ia[slot]], scsems[slot], add=True)
        pltpu.sync_copy(rows[slot].at[pl.ds(_SCAT, _SCAT)],
                        table.at[ib[slot]], add=True)
        cpa.wait()

    issue(0, 0)
    issue(1, 1)

    def pair(g2, carry):
        for slot in range(2):
            g = g2 * 2 + slot
            process(g, slot)

            @pl.when(g + 2 < _POOL_NCHUNK)
            def _():
                issue(g + 2, slot)
        return carry

    lax.fori_loop(0, _POOL_NCHUNK // 2, pair, 0)
    process(_POOL_NCHUNK - 1, 0)
    plsc.subcore_barrier()
    stripe = pl.ds(s * _SEG_PER_TILE, _SEG_PER_TILE)

    @pl.when(c == 0)
    def _():
        pltpu.sync_copy(table.at[stripe], pool0_hbm.at[stripe])

    @pl.when(c == 1)
    def _():
        pltpu.sync_copy(table.at[stripe], pool1_hbm.at[stripe])


def _pools(x, idx2, zeros):
    mesh = plsc.VectorSubcoreMesh(core_axis_name="c", subcore_axis_name="s")
    return pl.kernel(
        _pool_body,
        out_type=(
            jax.ShapeDtypeStruct((_NP, D), jnp.float32),
            jax.ShapeDtypeStruct((_NP, D), jnp.float32),
        ),
        mesh=mesh,
        scratch_types=(
            [pltpu.VMEM_SHARED((_NP, D), jnp.float32)]
            + [pltpu.VMEM((_POOL_CHUNK, D), jnp.float32)] * 2
            + [pltpu.VMEM((_SCAT,), jnp.int32)] * 4
            + [pltpu.SemaphoreType.DMA] * 8
        ),
    )(x, idx2, zeros)




def _tables_body(rp_ref, cp_ref, ncol_ref, nrow_ref, nall_ref,
                 w1_ref, w2_ref, w3_ref, p1_ref, p2_ref):
    rp = rp_ref[...][:N]
    cp = cp_ref[...][:N]
    allp = jnp.sum(rp, axis=0, keepdims=True) / nall_ref[...]
    p3 = jnp.dot(allp, w3_ref[...], preferred_element_type=jnp.float32)
    p1_ref[...] = jnp.dot(rp / ncol_ref[...], w1_ref[...],
                          preferred_element_type=jnp.float32) + p3
    p2_ref[...] = jnp.dot(cp / nrow_ref[...], w2_ref[...],
                          preferred_element_type=jnp.float32)


def _tables(row_pool, col_pool, ncol, nrow, nall, w1, w2, w3):
    return pl.pallas_call(
        _tables_body,
        out_shape=(
            jax.ShapeDtypeStruct((N, D), jnp.float32),
            jax.ShapeDtypeStruct((N, D), jnp.float32),
        ),
    )(row_pool, col_pool, ncol, nrow, nall, w1, w2, w3)



_OUT_CHUNK = 80
_ROWS_PER_WORKER = S // (NC * NS)
_OUT_NCHUNK = _ROWS_PER_WORKER // _OUT_CHUNK


def _fuse_body(t_hbm, ic_hbm, ir_hbm, p1_hbm, p2_hbm, out_hbm,
               t0, t1, t2, g10, g11, g12, g20, g21, g22,
               ic0, ic1, ic2, ir0, ir1, ir2,
               tsem0, tsem1, tsem2, icsem0, icsem1, icsem2,
               irsem0, irsem1, irsem2, g1sem0, g1sem1, g1sem2,
               g2sem0, g2sem1, g2sem2):
    c = lax.axis_index("c")
    s = lax.axis_index("s")
    w = s * NC + c
    tb = (t0, t1, t2)
    g1b = (g10, g11, g12)
    g2b = (g20, g21, g22)
    icb = (ic0, ic1, ic2)
    irb = (ir0, ir1, ir2)
    tsems = (tsem0, tsem1, tsem2)
    icsems = (icsem0, icsem1, icsem2)
    irsems = (irsem0, irsem1, irsem2)
    g1sems = (g1sem0, g1sem1, g1sem2)
    g2sems = (g2sem0, g2sem1, g2sem2)

    def issue_loads(g, slot):
        base = w * _ROWS_PER_WORKER + g * _OUT_CHUNK
        pltpu.async_copy(ic_hbm.at[pl.ds(base, _OUT_CHUNK)], icb[slot],
                         icsems[slot])
        pltpu.async_copy(ir_hbm.at[pl.ds(base, _OUT_CHUNK)], irb[slot],
                         irsems[slot])
        pltpu.async_copy(t_hbm.at[pl.ds(base, _OUT_CHUNK)], tb[slot],
                         tsems[slot])

    def wait_idx(slot):
        pltpu.make_async_copy(ic_hbm.at[pl.ds(0, _OUT_CHUNK)], icb[slot],
                              icsems[slot]).wait()
        pltpu.make_async_copy(ir_hbm.at[pl.ds(0, _OUT_CHUNK)], irb[slot],
                              irsems[slot]).wait()

    def issue_gathers(slot):
        pltpu.async_copy(p1_hbm.at[icb[slot]], g1b[slot], g1sems[slot])
        pltpu.async_copy(p2_hbm.at[irb[slot]], g2b[slot], g2sems[slot])

    def wait_idx_issue_gathers(slot):
        wait_idx(slot)
        issue_gathers(slot)

    def wait_gathers_t(slot):
        pltpu.make_async_copy(p1_hbm.at[pl.ds(0, _OUT_CHUNK)], g1b[slot],
                              g1sems[slot]).wait()
        pltpu.make_async_copy(p2_hbm.at[pl.ds(0, _OUT_CHUNK)], g2b[slot],
                              g2sems[slot]).wait()
        pltpu.make_async_copy(t_hbm.at[pl.ds(0, _OUT_CHUNK)], tb[slot],
                              tsems[slot]).wait()

    def compute_store(g, slot):
        def row(r, cc):
            for k in range(D // LANES):
                sl = pl.ds(k * LANES, LANES)
                plsc.addupdate(tb[slot].at[r, sl],
                               g1b[slot][r, sl] + g2b[slot][r, sl])
            return cc

        lax.fori_loop(0, _OUT_CHUNK, row, 0)
        base = w * _ROWS_PER_WORKER + g * _OUT_CHUNK
        pltpu.sync_copy(tb[slot], out_hbm.at[pl.ds(base, _OUT_CHUNK)])

    issue_loads(0, 0)
    issue_loads(1, 1)
    issue_loads(2, 2)
    wait_idx_issue_gathers(0)
    wait_idx_issue_gathers(1)

    def triple(g3_, carry):
        for slot in range(3):
            g = g3_ * 3 + slot
            wait_gathers_t(slot)
            compute_store(g, slot)

            @pl.when(g + 3 < _OUT_NCHUNK)
            def _():
                issue_loads(g + 3, slot)

            @pl.when(g + 2 < _OUT_NCHUNK)
            def _():
                wait_idx_issue_gathers((slot + 2) % 3)
        return carry

    lax.fori_loop(0, _OUT_NCHUNK // 3, triple, 0)
    wait_gathers_t(0)
    compute_store(_OUT_NCHUNK - 2, 0)
    wait_gathers_t(1)
    compute_store(_OUT_NCHUNK - 1, 1)


def _fuse(t, idx_col, idx_row, p1, p2):
    mesh = plsc.VectorSubcoreMesh(core_axis_name="c", subcore_axis_name="s")
    return pl.kernel(
        _fuse_body,
        out_type=jax.ShapeDtypeStruct((S, D), jnp.float32),
        mesh=mesh,
        scratch_types=(
            [pltpu.VMEM((_OUT_CHUNK, D), jnp.float32)] * 9
            + [pltpu.VMEM((_OUT_CHUNK,), jnp.int32)] * 6
            + [pltpu.SemaphoreType.DMA] * 15
        ),
    )(t, idx_col, idx_row, p1, p2)




def kernel(input_layer, idx_col, idx_col_norm, idx_row, idx_row_norm,
           idx_all, idx_all_norm, W):
    idx2 = jnp.concatenate([idx_col, idx_row])
    zeros = jnp.zeros((_SEG_PER_TILE, D), jnp.float32)
    pool0, pool1 = _pools(input_layer, idx2, zeros)
    p1, p2 = _tables(pool0, pool1,
                     idx_col_norm.reshape(N, 1), idx_row_norm.reshape(N, 1),
                     idx_all_norm.reshape(1, 1), W[1], W[2], W[3])
    t = _matmul(input_layer, W[0])
    return _fuse(t, idx_col, idx_row, p1, p2)

# --- scband reference (transcript-rebuilt; emitter-appended) ---
"""Pipeline reference for scband-geometric-layer-27797028339958 (READ-ONLY COPY).

The authoritative reference and input builder live on the scoring server;
editing this copy changes nothing except your own understanding.
"""

import jax, jax.numpy as jnp
import numpy as np

S = 320000
N = 10000
D = 128

def setup_inputs(seed: int = 0) -> dict:
    key = jax.random.key(seed)
    ks = jax.random.split(key, 5)
    input_layer = jax.random.normal(ks[0], (S, D), dtype=jnp.float32)
    idx_col = jax.random.randint(ks[1], (S,), 0, N, dtype=jnp.int32)
    idx_row = jax.random.randint(ks[2], (S,), 0, N, dtype=jnp.int32)
    idx_all = jnp.zeros((S,), dtype=jnp.int32)
    idx_col_norm = jnp.ones((N,), dtype=jnp.float32)
    idx_row_norm = jnp.ones((N,), dtype=jnp.float32)
    idx_all_norm = jnp.ones((1,), dtype=jnp.float32)
    stdv = 1.0 / np.sqrt(D)
    # mode=1, is_linear=False -> i_params_nonlinear = 4 weight matrices
    W = jax.random.uniform(ks[3], (4, D, D), minval=-stdv, maxval=stdv, dtype=jnp.float32)
    return {
        'input_layer': input_layer,
        'idx_col': idx_col,
        'idx_col_norm': idx_col_norm,
        'idx_row': idx_row,
        'idx_row_norm': idx_row_norm,
        'idx_all': idx_all,
        'idx_all_norm': idx_all_norm,
        'W': W,
    }

def _pool(X, idx, norm, num_segments):
    pooled = jax.ops.segment_sum(X, idx, num_segments=num_segments)
    return pooled / norm[:, None]

def reference(input_layer, idx_col, idx_col_norm, idx_row, idx_row_norm, idx_all, idx_all_norm, W):
    # GeometricLayer forward, mode=1 (incident), is_linear=False
    output = jnp.matmul(input_layer, W[0])
    row_pool = _pool(input_layer, idx_col, idx_col_norm, N)
    output = output + jnp.take(jnp.matmul(row_pool, W[1]), idx_col, axis=0)
    col_pool = _pool(input_layer, idx_row, idx_row_norm, N)
    output = output + jnp.take(jnp.matmul(col_pool, W[2]), idx_row, axis=0)
    all_pool = _pool(input_layer, idx_all, idx_all_norm, 1)
    output = output + jnp.take(jnp.matmul(all_pool, W[3]), idx_all, axis=0)
    return output

if __name__ == "__main__":
    import jax
    _d = setup_inputs()
    print(jax.jit(kernel)(*tuple(_d.values())))

</pallas_src>

<mosaic_0001>
#map = affine_map<(d0, d1) -> (0, 0)>
#map1 = affine_map<(d0, d1) -> (0)>
module attributes {stable_mosaic.version = 14 : i64} {
  func.func @_fuse_body(%arg0: i32, %arg1: i32, %arg2: memref<320000x128xf32, #tpu.memory_space<hbm>>, %arg3: memref<320000xi32, #tpu.memory_space<hbm>>, %arg4: memref<320000xi32, #tpu.memory_space<hbm>>, %arg5: memref<10000x128xf32, #tpu.memory_space<hbm>>, %arg6: memref<10000x128xf32, #tpu.memory_space<hbm>>, %arg7: memref<320000x128xf32, #tpu.memory_space<hbm>>, %arg8: memref<80x128xf32, #tpu.memory_space<vmem>>, %arg9: memref<80x128xf32, #tpu.memory_space<vmem>>, %arg10: memref<80x128xf32, #tpu.memory_space<vmem>>, %arg11: memref<80x128xf32, #tpu.memory_space<vmem>>, %arg12: memref<80x128xf32, #tpu.memory_space<vmem>>, %arg13: memref<80x128xf32, #tpu.memory_space<vmem>>, %arg14: memref<80x128xf32, #tpu.memory_space<vmem>>, %arg15: memref<80x128xf32, #tpu.memory_space<vmem>>, %arg16: memref<80x128xf32, #tpu.memory_space<vmem>>, %arg17: memref<80xi32, #tpu.memory_space<vmem>>, %arg18: memref<80xi32, #tpu.memory_space<vmem>>, %arg19: memref<80xi32, #tpu.memory_space<vmem>>, %arg20: memref<80xi32, #tpu.memory_space<vmem>>, %arg21: memref<80xi32, #tpu.memory_space<vmem>>, %arg22: memref<80xi32, #tpu.memory_space<vmem>>, %arg23: memref<!tpu.dma_semaphore, #tpu.memory_space<semaphore_mem>>, %arg24: memref<!tpu.dma_semaphore, #tpu.memory_space<semaphore_mem>>, %arg25: memref<!tpu.dma_semaphore, #tpu.memory_space<semaphore_mem>>, %arg26: memref<!tpu.dma_semaphore, #tpu.memory_space<semaphore_mem>>, %arg27: memref<!tpu.dma_semaphore, #tpu.memory_space<semaphore_mem>>, %arg28: memref<!tpu.dma_semaphore, #tpu.memory_space<semaphore_mem>>, %arg29: memref<!tpu.dma_semaphore, #tpu.memory_space<semaphore_mem>>, %arg30: memref<!tpu.dma_semaphore, #tpu.memory_space<semaphore_mem>>, %arg31: memref<!tpu.dma_semaphore, #tpu.memory_space<semaphore_mem>>, %arg32: memref<!tpu.dma_semaphore, #tpu.memory_space<semaphore_mem>>, %arg33: memref<!tpu.dma_semaphore, #tpu.memory_space<semaphore_mem>>, %arg34: memref<!tpu.dma_semaphore, #tpu.memory_space<semaphore_mem>>, %arg35: memref<!tpu.dma_semaphore, #tpu.memory_space<semaphore_mem>>, %arg36: memref<!tpu.dma_semaphore, #tpu.memory_space<semaphore_mem>>, %arg37: memref<!tpu.dma_semaphore, #tpu.memory_space<semaphore_mem>>) attributes {dimension_semantics = [#tpu.dimension_semantics<core_parallel>, #tpu.dimension_semantics<subcore_parallel>], iteration_bounds = array<i64: 2, 16>, scalar_prefetch = 0 : i64, scratch_operands = 30 : i64, tpu.core_type = #tpu.core_type<sc_vector_subcore>, window_params = [{transform_indices = #map}, {transform_indices = #map1}, {transform_indices = #map1}, {transform_indices = #map}, {transform_indices = #map}, {transform_indices = #map}]} {
    %mul3A = arith.constant 2 : i32
    %mul3A_0 = arith.muli %arg1, %mul3A : i32
    %add3A = arith.addi %mul3A_0, %arg0 : i32
    %mul3A_1 = arith.constant 10000 : i32
    %mul3A_2 = arith.muli %add3A, %mul3A_1 : i32
    %add3A_3 = arith.constant 0 : i32
    %add3A_4 = arith.addi %mul3A_2, %add3A_3 : i32
    %dma_start3A = tpu.memref_slice %arg3[%add3A_4] : memref<320000xi32, #tpu.memory_space<hbm>> -> memref<80xi32, #tpu.memory_space<hbm>>
    %dma_start3A_5 = tpu.memref_slice %arg3[%add3A_4] : memref<320000xi32, #tpu.memory_space<hbm>> -> memref<80xi32, #tpu.memory_space<hbm>>
    tpu.enqueue_dma source(%dma_start3A_5 : memref<80xi32, #tpu.memory_space<hbm>>) target(%arg17 : memref<80xi32, #tpu.memory_space<vmem>>) target_semaphore(%arg26 : memref<!tpu.dma_semaphore, #tpu.memory_space<semaphore_mem>>)
    %dma_start3A_6 = tpu.memref_slice %arg4[%add3A_4] : memref<320000xi32, #tpu.memory_space<hbm>> -> memref<80xi32, #tpu.memory_space<hbm>>
    %dma_start3A_7 = tpu.memref_slice %arg4[%add3A_4] : memref<320000xi32, #tpu.memory_space<hbm>> -> memref<80xi32, #tpu.memory_space<hbm>>
    tpu.enqueue_dma source(%dma_start3A_7 : memref<80xi32, #tpu.memory_space<hbm>>) target(%arg20 : memref<80xi32, #tpu.memory_space<vmem>>) target_semaphore(%arg29 : memref<!tpu.dma_semaphore, #tpu.memory_space<semaphore_mem>>)
    %dma_start3A_8 = arith.constant 0 : i32
    %dma_start3A_9 = tpu.memref_slice %arg2[%add3A_4, %dma_start3A_8] : memref<320000x128xf32, #tpu.memory_space<hbm>> -> memref<80x128xf32, #tpu.memory_space<hbm>>
    %dma_start3A_10 = arith.constant 0 : i32
    %dma_start3A_11 = tpu.memref_slice %arg2[%add3A_4, %dma_start3A_10] : memref<320000x128xf32, #tpu.memory_space<hbm>> -> memref<80x128xf32, #tpu.memory_space<hbm>>
    tpu.enqueue_dma source(%dma_start3A_11 : memref<80x128xf32, #tpu.memory_space<hbm>>) target(%arg8 : memref<80x128xf32, #tpu.memory_space<vmem>>) target_semaphore(%arg23 : memref<!tpu.dma_semaphore, #tpu.memory_space<semaphore_mem>>)
    %mul3A_12 = arith.constant 10000 : i32
    %mul3A_13 = arith.muli %add3A, %mul3A_12 : i32
    %add3A_14 = arith.constant 80 : i32
    %add3A_15 = arith.addi %mul3A_13, %add3A_14 : i32
    %dma_start3A_16 = tpu.memref_slice %arg3[%add3A_15] : memref<320000xi32, #tpu.memory_space<hbm>> -> memref<80xi32, #tpu.memory_space<hbm>>
    %dma_start3A_17 = tpu.memref_slice %arg3[%add3A_15] : memref<320000xi32, #tpu.memory_space<hbm>> -> memref<80xi32, #tpu.memory_space<hbm>>
    tpu.enqueue_dma source(%dma_start3A_17 : memref<80xi32, #tpu.memory_space<hbm>>) target(%arg18 : memref<80xi32, #tpu.memory_space<vmem>>) target_semaphore(%arg27 : memref<!tpu.dma_semaphore, #tpu.memory_space<semaphore_mem>>)
    %dma_start3A_18 = tpu.memref_slice %arg4[%add3A_15] : memref<320000xi32, #tpu.memory_space<hbm>> -> memref<80xi32, #tpu.memory_space<hbm>>
    %dma_start3A_19 = tpu.memref_slice %arg4[%add3A_15] : memref<320000xi32, #tpu.memory_space<hbm>> -> memref<80xi32, #tpu.memory_space<hbm>>
    tpu.enqueue_dma source(%dma_start3A_19 : memref<80xi32, #tpu.memory_space<hbm>>) target(%arg21 : memref<80xi32, #tpu.memory_space<vmem>>) target_semaphore(%arg30 : memref<!tpu.dma_semaphore, #tpu.memory_space<semaphore_mem>>)
    %dma_start3A_20 = arith.constant 0 : i32
    %dma_start3A_21 = tpu.memref_slice %arg2[%add3A_15, %dma_start3A_20] : memref<320000x128xf32, #tpu.memory_space<hbm>> -> memref<80x128xf32, #tpu.memory_space<hbm>>
    %dma_start3A_22 = arith.constant 0 : i32
    %dma_start3A_23 = tpu.memref_slice %arg2[%add3A_15, %dma_start3A_22] : memref<320000x128xf32, #tpu.memory_space<hbm>> -> memref<80x128xf32, #tpu.memory_space<hbm>>
    tpu.enqueue_dma source(%dma_start3A_23 : memref<80x128xf32, #tpu.memory_space<hbm>>) target(%arg9 : memref<80x128xf32, #tpu.memory_space<vmem>>) target_semaphore(%arg24 : memref<!tpu.dma_semaphore, #tpu.memory_space<semaphore_mem>>)
    %mul3A_24 = arith.constant 10000 : i32
    %mul3A_25 = arith.muli %add3A, %mul3A_24 : i32
    %add3A_26 = arith.constant 160 : i32
    %add3A_27 = arith.addi %mul3A_25, %add3A_26 : i32
    %dma_start3A_28 = tpu.memref_slice %arg3[%add3A_27] : memref<320000xi32, #tpu.memory_space<hbm>> -> memref<80xi32, #tpu.memory_space<hbm>>
    %dma_start3A_29 = tpu.memref_slice %arg3[%add3A_27] : memref<320000xi32, #tpu.memory_space<hbm>> -> memref<80xi32, #tpu.memory_space<hbm>>
    tpu.enqueue_dma source(%dma_start3A_29 : memref<80xi32, #tpu.memory_space<hbm>>) target(%arg19 : memref<80xi32, #tpu.memory_space<vmem>>) target_semaphore(%arg28 : memref<!tpu.dma_semaphore, #tpu.memory_space<semaphore_mem>>)
    %dma_start3A_30 = tpu.memref_slice %arg4[%add3A_27] : memref<320000xi32, #tpu.memory_space<hbm>> -> memref<80xi32, #tpu.memory_space<hbm>>
    %dma_start3A_31 = tpu.memref_slice %arg4[%add3A_27] : memref<320000xi32, #tpu.memory_space<hbm>> -> memref<80xi32, #tpu.memory_space<hbm>>
    tpu.enqueue_dma source(%dma_start3A_31 : memref<80xi32, #tpu.memory_space<hbm>>) target(%arg22 : memref<80xi32, #tpu.memory_space<vmem>>) target_semaphore(%arg31 : memref<!tpu.dma_semaphore, #tpu.memory_space<semaphore_mem>>)
    %dma_start3A_32 = arith.constant 0 : i32
    %dma_start3A_33 = tpu.memref_slice %arg2[%add3A_27, %dma_start3A_32] : memref<320000x128xf32, #tpu.memory_space<hbm>> -> memref<80x128xf32, #tpu.memory_space<hbm>>
    %dma_start3A_34 = arith.constant 0 : i32
    %dma_start3A_35 = tpu.memref_slice %arg2[%add3A_27, %dma_start3A_34] : memref<320000x128xf32, #tpu.memory_space<hbm>> -> memref<80x128xf32, #tpu.memory_space<hbm>>
    tpu.enqueue_dma source(%dma_start3A_35 : memref<80x128xf32, #tpu.memory_space<hbm>>) target(%arg10 : memref<80x128xf32, #tpu.memory_space<vmem>>) target_semaphore(%arg25 : memref<!tpu.dma_semaphore, #tpu.memory_space<semaphore_mem>>)
    %dma_wait3A = arith.constant 0 : i32
    %dma_wait3A_36 = tpu.memref_slice %arg3[%dma_wait3A] : memref<320000xi32, #tpu.memory_space<hbm>> -> memref<80xi32, #tpu.memory_space<hbm>>
    %dma_wait3A_37 = arith.constant 0 : i32
    %dma_wait3A_38 = tpu.memref_slice %arg3[%dma_wait3A_37] : memref<320000xi32, #tpu.memory_space<hbm>> -> memref<80xi32, #tpu.memory_space<hbm>>
    tpu.wait_dma2 semaphore(%arg26 : memref<!tpu.dma_semaphore, #tpu.memory_space<semaphore_mem>>) src(%dma_wait3A_38 : memref<80xi32, #tpu.memory_space<hbm>>) dst(%arg17 : memref<80xi32, #tpu.memory_space<vmem>>)
    %dma_wait3A_39 = arith.constant 0 : i32
    %dma_wait3A_40 = tpu.memref_slice %arg4[%dma_wait3A_39] : memref<320000xi32, #tpu.memory_space<hbm>> -> memref<80xi32, #tpu.memory_space<hbm>>
    %dma_wait3A_41 = arith.constant 0 : i32
    %dma_wait3A_42 = tpu.memref_slice %arg4[%dma_wait3A_41] : memref<320000xi32, #tpu.memory_space<hbm>> -> memref<80xi32, #tpu.memory_space<hbm>>
    tpu.wait_dma2 semaphore(%arg29 : memref<!tpu.dma_semaphore, #tpu.memory_space<semaphore_mem>>) src(%dma_wait3A_42 : memref<80xi32, #tpu.memory_space<hbm>>) dst(%arg20 : memref<80xi32, #tpu.memory_space<vmem>>)
    %dma_start3A_43 = arith.constant 0 : i32
    %dma_start3A_44 = arith.constant 0 : i32
    %dma_start3A_45 = tpu.memref_slice %arg5[%dma_start3A_43, %dma_start3A_44] : memref<10000x128xf32, #tpu.memory_space<hbm>> -> memref<10000x128xf32, #tpu.memory_space<hbm>>
    tpu.enqueue_indirect_dma source(%dma_start3A_45 : memref<10000x128xf32, #tpu.memory_space<hbm>>) target(%arg11 : memref<80x128xf32, #tpu.memory_space<vmem>>) offsets(%arg17 : memref<80xi32, #tpu.memory_space<vmem>>) semaphore(%arg32 : memref<!tpu.dma_semaphore, #tpu.memory_space<semaphore_mem>>)
    %dma_start3A_46 = arith.constant 0 : i32
    %dma_start3A_47 = arith.constant 0 : i32
    %dma_start3A_48 = tpu.memref_slice %arg6[%dma_start3A_46, %dma_start3A_47] : memref<10000x128xf32, #tpu.memory_space<hbm>> -> memref<10000x128xf32, #tpu.memory_space<hbm>>
    tpu.enqueue_indirect_dma source(%dma_start3A_48 : memref<10000x128xf32, #tpu.memory_space<hbm>>) target(%arg14 : memref<80x128xf32, #tpu.memory_space<vmem>>) offsets(%arg20 : memref<80xi32, #tpu.memory_space<vmem>>) semaphore(%arg35 : memref<!tpu.dma_semaphore, #tpu.memory_space<semaphore_mem>>)
    %dma_wait3A_49 = arith.constant 0 : i32
    %dma_wait3A_50 = tpu.memref_slice %arg3[%dma_wait3A_49] : memref<320000xi32, #tpu.memory_space<hbm>> -> memref<80xi32, #tpu.memory_space<hbm>>
    %dma_wait3A_51 = arith.constant 0 : i32
    %dma_wait3A_52 = tpu.memref_slice %arg3[%dma_wait3A_51] : memref<320000xi32, #tpu.memory_space<hbm>> -> memref<80xi32, #tpu.memory_space<hbm>>
    tpu.wait_dma2 semaphore(%arg27 : memref<!tpu.dma_semaphore, #tpu.memory_space<semaphore_mem>>) src(%dma_wait3A_52 : memref<80xi32, #tpu.memory_space<hbm>>) dst(%arg18 : memref<80xi32, #tpu.memory_space<vmem>>)
    %dma_wait3A_53 = arith.constant 0 : i32
    %dma_wait3A_54 = tpu.memref_slice %arg4[%dma_wait3A_53] : memref<320000xi32, #tpu.memory_space<hbm>> -> memref<80xi32, #tpu.memory_space<hbm>>
    %dma_wait3A_55 = arith.constant 0 : i32
    %dma_wait3A_56 = tpu.memref_slice %arg4[%dma_wait3A_55] : memref<320000xi32, #tpu.memory_space<hbm>> -> memref<80xi32, #tpu.memory_space<hbm>>
    tpu.wait_dma2 semaphore(%arg30 : memref<!tpu.dma_semaphore, #tpu.memory_space<semaphore_mem>>) src(%dma_wait3A_56 : memref<80xi32, #tpu.memory_space<hbm>>) dst(%arg21 : memref<80xi32, #tpu.memory_space<vmem>>)
    %dma_start3A_57 = arith.constant 0 : i32
    %dma_start3A_58 = arith.constant 0 : i32
    %dma_start3A_59 = tpu.memref_slice %arg5[%dma_start3A_57, %dma_start3A_58] : memref<10000x128xf32, #tpu.memory_space<hbm>> -> memref<10000x128xf32, #tpu.memory_space<hbm>>
    tpu.enqueue_indirect_dma source(%dma_start3A_59 : memref<10000x128xf32, #tpu.memory_space<hbm>>) target(%arg12 : memref<80x128xf32, #tpu.memory_space<vmem>>) offsets(%arg18 : memref<80xi32, #tpu.memory_space<vmem>>) semaphore(%arg33 : memref<!tpu.dma_semaphore, #tpu.memory_space<semaphore_mem>>)
    %dma_start3A_60 = arith.constant 0 : i32
    %dma_start3A_61 = arith.constant 0 : i32
    %dma_start3A_62 = tpu.memref_slice %arg6[%dma_start3A_60, %dma_start3A_61] : memref<10000x128xf32, #tpu.memory_space<hbm>> -> memref<10000x128xf32, #tpu.memory_space<hbm>>
    tpu.enqueue_indirect_dma source(%dma_start3A_62 : memref<10000x128xf32, #tpu.memory_space<hbm>>) target(%arg15 : memref<80x128xf32, #tpu.memory_space<vmem>>) offsets(%arg21 : memref<80xi32, #tpu.memory_space<vmem>>) semaphore(%arg36 : memref<!tpu.dma_semaphore, #tpu.memory_space<semaphore_mem>>)
    %scan3A = arith.constant 0 : i32
    %scan3A_63 = arith.constant 0 : i32
    %scan3A_64 = arith.constant 41 : i32
    %scan3A_65 = arith.addi %scan3A_63, %scan3A_64 : i32
    %scan3A_66 = arith.constant 1 : i32
    scf.for %scan3A_124 = %scan3A_63 to %scan3A_65 step %scan3A_66  : i32 {
      %mul3A_125 = arith.constant 3 : i32
      %mul3A_126 = arith.muli %scan3A_124, %mul3A_125 : i32
      %add3A_127 = arith.constant 0 : i32
      %add3A_128 = arith.addi %mul3A_126, %add3A_127 : i32
      %dma_wait3A_129 = arith.constant 0 : i32
      %dma_wait3A_130 = arith.constant 0 : i32
      %dma_wait3A_131 = tpu.memref_slice %arg5[%dma_wait3A_129, %dma_wait3A_130] : memref<10000x128xf32, #tpu.memory_space<hbm>> -> memref<80x128xf32, #tpu.memory_space<hbm>>
      %dma_wait3A_132 = arith.constant 0 : i32
      %dma_wait3A_133 = arith.constant 0 : i32
      %dma_wait3A_134 = tpu.memref_slice %arg5[%dma_wait3A_132, %dma_wait3A_133] : memref<10000x128xf32, #tpu.memory_space<hbm>> -> memref<80x128xf32, #tpu.memory_space<hbm>>
      tpu.wait_dma2 semaphore(%arg32 : memref<!tpu.dma_semaphore, #tpu.memory_space<semaphore_mem>>) src(%dma_wait3A_134 : memref<80x128xf32, #tpu.memory_space<hbm>>) dst(%arg11 : memref<80x128xf32, #tpu.memory_space<vmem>>)
      %dma_wait3A_135 = arith.constant 0 : i32
      %dma_wait3A_136 = arith.constant 0 : i32
      %dma_wait3A_137 = tpu.memref_slice %arg6[%dma_wait3A_135, %dma_wait3A_136] : memref<10000x128xf32, #tpu.memory_space<hbm>> -> memref<80x128xf32, #tpu.memory_space<hbm>>
      %dma_wait3A_138 = arith.constant 0 : i32
      %dma_wait3A_139 = arith.constant 0 : i32
      %dma_wait3A_140 = tpu.memref_slice %arg6[%dma_wait3A_138, %dma_wait3A_139] : memref<10000x128xf32, #tpu.memory_space<hbm>> -> memref<80x128xf32, #tpu.memory_space<hbm>>
      tpu.wait_dma2 semaphore(%arg35 : memref<!tpu.dma_semaphore, #tpu.memory_space<semaphore_mem>>) src(%dma_wait3A_140 : memref<80x128xf32, #tpu.memory_space<hbm>>) dst(%arg14 : memref<80x128xf32, #tpu.memory_space<vmem>>)
      %dma_wait3A_141 = arith.constant 0 : i32
      %dma_wait3A_142 = arith.constant 0 : i32
      %dma_wait3A_143 = tpu.memref_slice %arg2[%dma_wait3A_141, %dma_wait3A_142] : memref<320000x128xf32, #tpu.memory_space<hbm>> -> memref<80x128xf32, #tpu.memory_space<hbm>>
      %dma_wait3A_144 = arith.constant 0 : i32
      %dma_wait3A_145 = arith.constant 0 : i32
      %dma_wait3A_146 = tpu.memref_slice %arg2[%dma_wait3A_144, %dma_wait3A_145] : memref<320000x128xf32, #tpu.memory_space<hbm>> -> memref<80x128xf32, #tpu.memory_space<hbm>>
      tpu.wait_dma2 semaphore(%arg23 : memref<!tpu.dma_semaphore, #tpu.memory_space<semaphore_mem>>) src(%dma_wait3A_146 : memref<80x128xf32, #tpu.memory_space<hbm>>) dst(%arg8 : memref<80x128xf32, #tpu.memory_space<vmem>>)
      %scan3A_147 = arith.constant 0 : i32
      %scan3A_148 = arith.constant 0 : i32
      %scan3A_149 = arith.constant 80 : i32
      %scan3A_150 = arith.addi %scan3A_148, %scan3A_149 : i32
      %scan3A_151 = arith.constant 1 : i32
      scf.for %scan3A_263 = %scan3A_148 to %scan3A_150 step %scan3A_151  : i32 {
        %get3A = arith.index_cast %scan3A_263 : i32 to index
        %get3A_264 = arith.constant 0 : index
        %get3A_265 = tpu.vector_load %arg11[%get3A, %get3A_264] {strides = array<i32>} : memref<80x128xf32, #tpu.memory_space<vmem>>, vector<1x16xf32>,
        %get3A_266 = vector.shape_cast %get3A_265 : vector<1x16xf32> to vector<16xf32>
        %get3A_267 = arith.index_cast %scan3A_263 : i32 to index
        %get3A_268 = arith.constant 0 : index
        %get3A_269 = tpu.vector_load %arg14[%get3A_267, %get3A_268] {strides = array<i32>} : memref<80x128xf32, #tpu.memory_space<vmem>>, vector<1x16xf32>,
        %get3A_270 = vector.shape_cast %get3A_269 : vector<1x16xf32> to vector<16xf32>
        %add3A_271 = arith.addf %get3A_266, %get3A_270 : vector<16xf32>
        %swap3A = arith.index_cast %scan3A_263 : i32 to index
        %swap3A_272 = arith.constant 0 : index
        %swap3A_273 = tpu.vector_load %arg8[%swap3A, %swap3A_272] {strides = array<i32>} : memref<80x128xf32, #tpu.memory_space<vmem>>, vector<1x16xf32>,
        %swap3A_274 = vector.shape_cast %swap3A_273 : vector<1x16xf32> to vector<16xf32>
        %swap3A_275 = vector.shape_cast %add3A_271 : vector<16xf32> to vector<1x16xf32>
        tpu.vector_store %arg8[%swap3A, %swap3A_272], %swap3A_275 {add = true, strides = array<i32>} : memref<80x128xf32, #tpu.memory_space<vmem>>, vector<1x16xf32>,
        %get3A_276 = arith.index_cast %scan3A_263 : i32 to index
        %get3A_277 = arith.constant 16 : index
        %get3A_278 = tpu.vector_load %arg11[%get3A_276, %get3A_277] {strides = array<i32>} : memref<80x128xf32, #tpu.memory_space<vmem>>, vector<1x16xf32>,
        %get3A_279 = vector.shape_cast %get3A_278 : vector<1x16xf32> to vector<16xf32>
        %get3A_280 = arith.index_cast %scan3A_263 : i32 to index
        %get3A_281 = arith.constant 16 : index
        %get3A_282 = tpu.vector_load %arg14[%get3A_280, %get3A_281] {strides = array<i32>} : memref<80x128xf32, #tpu.memory_space<vmem>>, vector<1x16xf32>,
        %get3A_283 = vector.shape_cast %get3A_282 : vector<1x16xf32> to vector<16xf32>
        %add3A_284 = arith.addf %get3A_279, %get3A_283 : vector<16xf32>
        %swap3A_285 = arith.index_cast %scan3A_263 : i32 to index
        %swap3A_286 = arith.constant 16 : index
        %swap3A_287 = tpu.vector_load %arg8[%swap3A_285, %swap3A_286] {strides = array<i32>} : memref<80x128xf32, #tpu.memory_space<vmem>>, vector<1x16xf32>,
        %swap3A_288 = vector.shape_cast %swap3A_287 : vector<1x16xf32> to vector<16xf32>
        %swap3A_289 = vector.shape_cast %add3A_284 : vector<16xf32> to vector<1x16xf32>
        tpu.vector_store %arg8[%swap3A_285, %swap3A_286], %swap3A_289 {add = true, strides = array<i32>} : memref<80x128xf32, #tpu.memory_space<vmem>>, vector<1x16xf32>,
        %get3A_290 = arith.index_cast %scan3A_263 : i32 to index
        %get3A_291 = arith.constant 32 : index
        %get3A_292 = tpu.vector_load %arg11[%get3A_290, %get3A_291] {strides = array<i32>} : memref<80x128xf32, #tpu.memory_space<vmem>>, vector<1x16xf32>,
        %get3A_293 = vector.shape_cast %get3A_292 : vector<1x16xf32> to vector<16xf32>
        %get3A_294 = arith.index_cast %scan3A_263 : i32 to index
        %get3A_295 = arith.constant 32 : index
        %get3A_296 = tpu.vector_load %arg14[%get3A_294, %get3A_295] {strides = array<i32>} : memref<80x128xf32, #tpu.memory_space<vmem>>, vector<1x16xf32>,
        %get3A_297 = vector.shape_cast %get3A_296 : vector<1x16xf32> to vector<16xf32>
        %add3A_298 = arith.addf %get3A_293, %get3A_297 : vector<16xf32>
        %swap3A_299 = arith.index_cast %scan3A_263 : i32 to index
        %swap3A_300 = arith.constant 32 : index
        %swap3A_301 = tpu.vector_load %arg8[%swap3A_299, %swap3A_300] {strides = array<i32>} : memref<80x128xf32, #tpu.memory_space<vmem>>, vector<1x16xf32>,
        %swap3A_302 = vector.shape_cast %swap3A_301 : vector<1x16xf32> to vector<16xf32>
        %swap3A_303 = vector.shape_cast %add3A_298 : vector<16xf32> to vector<1x16xf32>
        tpu.vector_store %arg8[%swap3A_299, %swap3A_300], %swap3A_303 {add = true, strides = array<i32>} : memref<80x128xf32, #tpu.memory_space<vmem>>, vector<1x16xf32>,
        %get3A_304 = arith.index_cast %scan3A_263 : i32 to index
        %get3A_305 = arith.constant 48 : index
        %get3A_306 = tpu.vector_load %arg11[%get3A_304, %get3A_305] {strides = array<i32>} : memref<80x128xf32, #tpu.memory_space<vmem>>, vector<1x16xf32>,
        %get3A_307 = vector.shape_cast %get3A_306 : vector<1x16xf32> to vector<16xf32>
        %get3A_308 = arith.index_cast %scan3A_263 : i32 to index
        %get3A_309 = arith.constant 48 : index
        %get3A_310 = tpu.vector_load %arg14[%get3A_308, %get3A_309] {strides = array<i32>} : memref<80x128xf32, #tpu.memory_space<vmem>>, vector<1x16xf32>,
        %get3A_311 = vector.shape_cast %get3A_310 : vector<1x16xf32> to vector<16xf32>
        %add3A_312 = arith.addf %get3A_307, %get3A_311 : vector<16xf32>
        %swap3A_313 = arith.index_cast %scan3A_263 : i32 to index
        %swap3A_314 = arith.constant 48 : index
        %swap3A_315 = tpu.vector_load %arg8[%swap3A_313, %swap3A_314] {strides = array<i32>} : memref<80x128xf32, #tpu.memory_space<vmem>>, vector<1x16xf32>,
        %swap3A_316 = vector.shape_cast %swap3A_315 : vector<1x16xf32> to vector<16xf32>
        %swap3A_317 = vector.shape_cast %add3A_312 : vector<16xf32> to vector<1x16xf32>
        tpu.vector_store %arg8[%swap3A_313, %swap3A_314], %swap3A_317 {add = true, strides = array<i32>} : memref<80x128xf32, #tpu.memory_space<vmem>>, vector<1x16xf32>,
        %get3A_318 = arith.index_cast %scan3A_263 : i32 to index
        %get3A_319 = arith.constant 64 : index
        %get3A_320 = tpu.vector_load %arg11[%get3A_318, %get3A_319] {strides = array<i32>} : memref<80x128xf32, #tpu.memory_space<vmem>>, vector<1x16xf32>,
        %get3A_321 = vector.shape_cast %get3A_320 : vector<1x16xf32> to vector<16xf32>
        %get3A_322 = arith.index_cast %scan3A_263 : i32 to index
        %get3A_323 = arith.constant 64 : index
        %get3A_324 = tpu.vector_load %arg14[%get3A_322, %get3A_323] {strides = array<i32>} : memref<80x128xf32, #tpu.memory_space<vmem>>, vector<1x16xf32>,
        %get3A_325 = vector.shape_cast %get3A_324 : vector<1x16xf32> to vector<16xf32>
        %add3A_326 = arith.addf %get3A_321, %get3A_325 : vector<16xf32>
        %swap3A_327 = arith.index_cast %scan3A_263 : i32 to index
        %swap3A_328 = arith.constant 64 : index
        %swap3A_329 = tpu.vector_load %arg8[%swap3A_327, %swap3A_328] {strides = array<i32>} : memref<80x128xf32, #tpu.memory_space<vmem>>, vector<1x16xf32>,
        %swap3A_330 = vector.shape_cast %swap3A_329 : vector<1x16xf32> to vector<16xf32>
        %swap3A_331 = vector.shape_cast %add3A_326 : vector<16xf32> to vector<1x16xf32>
        tpu.vector_store %arg8[%swap3A_327, %swap3A_328], %swap3A_331 {add = true, strides = array<i32>} : memref<80x128xf32, #tpu.memory_space<vmem>>, vector<1x16xf32>,
        %get3A_332 = arith.index_cast %scan3A_263 : i32 to index
        %get3A_333 = arith.constant 80 : index
        %get3A_334 = tpu.vector_load %arg11[%get3A_332, %get3A_333] {strides = array<i32>} : memref<80x128xf32, #tpu.memory_space<vmem>>, vector<1x16xf32>,
        %get3A_335 = vector.shape_cast %get3A_334 : vector<1x16xf32> to vector<16xf32>
        %get3A_336 = arith.index_cast %scan3A_263 : i32 to index
        %get3A_337 = arith.constant 80 : index
        %get3A_338 = tpu.vector_load %arg14[%get3A_336, %get3A_337] {strides = array<i32>} : memref<80x128xf32, #tpu.memory_space<vmem>>, vector<1x16xf32>,
        %get3A_339 = vector.shape_cast %get3A_338 : vector<1x16xf32> to vector<16xf32>
        %add3A_340 = arith.addf %get3A_335, %get3A_339 : vector<16xf32>
        %swap3A_341 = arith.index_cast %scan3A_263 : i32 to index
        %swap3A_342 = arith.constant 80 : index
        %swap3A_343 = tpu.vector_load %arg8[%swap3A_341, %swap3A_342] {strides = array<i32>} : memref<80x128xf32, #tpu.memory_space<vmem>>, vector<1x16xf32>,
        %swap3A_344 = vector.shape_cast %swap3A_343 : vector<1x16xf32> to vector<16xf32>
        %swap3A_345 = vector.shape_cast %add3A_340 : vector<16xf32> to vector<1x16xf32>
        tpu.vector_store %arg8[%swap3A_341, %swap3A_342], %swap3A_345 {add = true, strides = array<i32>} : memref<80x128xf32, #tpu.memory_space<vmem>>, vector<1x16xf32>,
        %get3A_346 = arith.index_cast %scan3A_263 : i32 to index
        %get3A_347 = arith.constant 96 : index
        %get3A_348 = tpu.vector_load %arg11[%get3A_346, %get3A_347] {strides = array<i32>} : memref<80x128xf32, #tpu.memory_space<vmem>>, vector<1x16xf32>,
        %get3A_349 = vector.shape_cast %get3A_348 : vector<1x16xf32> to vector<16xf32>
        %get3A_350 = arith.index_cast %scan3A_263 : i32 to index
        %get3A_351 = arith.constant 96 : index
        %get3A_352 = tpu.vector_load %arg14[%get3A_350, %get3A_351] {strides = array<i32>} : memref<80x128xf32, #tpu.memory_space<vmem>>, vector<1x16xf32>,
        %get3A_353 = vector.shape_cast %get3A_352 : vector<1x16xf32> to vector<16xf32>
        %add3A_354 = arith.addf %get3A_349, %get3A_353 : vector<16xf32>
        %swap3A_355 = arith.index_cast %scan3A_263 : i32 to index
        %swap3A_356 = arith.constant 96 : index
        %swap3A_357 = tpu.vector_load %arg8[%swap3A_355, %swap3A_356] {strides = array<i32>} : memref<80x128xf32, #tpu.memory_space<vmem>>, vector<1x16xf32>,
        %swap3A_358 = vector.shape_cast %swap3A_357 : vector<1x16xf32> to vector<16xf32>
        %swap3A_359 = vector.shape_cast %add3A_354 : vector<16xf32> to vector<1x16xf32>
        tpu.vector_store %arg8[%swap3A_355, %swap3A_356], %swap3A_359 {add = true, strides = array<i32>} : memref<80x128xf32, #tpu.memory_space<vmem>>, vector<1x16xf32>,
        %get3A_360 = arith.index_cast %scan3A_263 : i32 to index
        %get3A_361 = arith.constant 112 : index
        %get3A_362 = tpu.vector_load %arg11[%get3A_360, %get3A_361] {strides = array<i32>} : memref<80x128xf32, #tpu.memory_space<vmem>>, vector<1x16xf32>,
        %get3A_363 = vector.shape_cast %get3A_362 : vector<1x16xf32> to vector<16xf32>
        %get3A_364 = arith.index_cast %scan3A_263 : i32 to index
        %get3A_365 = arith.constant 112 : index
        %get3A_366 = tpu.vector_load %arg14[%get3A_364, %get3A_365] {strides = array<i32>} : memref<80x128xf32, #tpu.memory_space<vmem>>, vector<1x16xf32>,
        %get3A_367 = vector.shape_cast %get3A_366 : vector<1x16xf32> to vector<16xf32>
        %add3A_368 = arith.addf %get3A_363, %get3A_367 : vector<16xf32>
        %swap3A_369 = arith.index_cast %scan3A_263 : i32 to index
        %swap3A_370 = arith.constant 112 : index
        %swap3A_371 = tpu.vector_load %arg8[%swap3A_369, %swap3A_370] {strides = array<i32>} : memref<80x128xf32, #tpu.memory_space<vmem>>, vector<1x16xf32>,
        %swap3A_372 = vector.shape_cast %swap3A_371 : vector<1x16xf32> to vector<16xf32>
        %swap3A_373 = vector.shape_cast %add3A_368 : vector<16xf32> to vector<1x16xf32>
        tpu.vector_store %arg8[%swap3A_369, %swap3A_370], %swap3A_373 {add = true, strides = array<i32>} : memref<80x128xf32, #tpu.memory_space<vmem>>, vector<1x16xf32>,
      }
      %scan3A_152 = arith.constant 80 : i32
      %mul3A_153 = arith.constant 10000 : i32
      %mul3A_154 = arith.muli %add3A, %mul3A_153 : i32
      %mul3A_155 = arith.constant 80 : i32
      %mul3A_156 = arith.muli %add3A_128, %mul3A_155 : i32
      %add3A_157 = arith.addi %mul3A_154, %mul3A_156 : i32
      "tpu.region"() ({
        %run_scoped3A = tpu.sem_alloc : memref<!tpu.dma_semaphore, #tpu.memory_space<semaphore_mem>>
        %dma_start3A_263 = arith.constant 0 : i32
        %dma_start3A_264 = tpu.memref_slice %arg7[%add3A_157, %dma_start3A_263] : memref<320000x128xf32, #tpu.memory_space<hbm>> -> memref<80x128xf32, #tpu.memory_space<hbm>>
        %dma_start3A_265 = arith.constant 0 : i32
        %dma_start3A_266 = tpu.memref_slice %arg7[%add3A_157, %dma_start3A_265] : memref<320000x128xf32, #tpu.memory_space<hbm>> -> memref<80x128xf32, #tpu.memory_space<hbm>>
        tpu.enqueue_dma source(%arg8 : memref<80x128xf32, #tpu.memory_space<vmem>>) target(%dma_start3A_266 : memref<80x128xf32, #tpu.memory_space<hbm>>) target_semaphore(%run_scoped3A : memref<!tpu.dma_semaphore, #tpu.memory_space<semaphore_mem>>)
        %dma_wait3A_267 = arith.constant 0 : i32
        %dma_wait3A_268 = tpu.memref_slice %arg7[%add3A_157, %dma_wait3A_267] : memref<320000x128xf32, #tpu.memory_space<hbm>> -> memref<80x128xf32, #tpu.memory_space<hbm>>
        %dma_wait3A_269 = arith.constant 0 : i32
        %dma_wait3A_270 = tpu.memref_slice %arg7[%add3A_157, %dma_wait3A_269] : memref<320000x128xf32, #tpu.memory_space<hbm>> -> memref<80x128xf32, #tpu.memory_space<hbm>>
        tpu.wait_dma2 semaphore(%run_scoped3A : memref<!tpu.dma_semaphore, #tpu.memory_space<semaphore_mem>>) src(%arg8 : memref<80x128xf32, #tpu.memory_space<vmem>>) dst(%dma_wait3A_270 : memref<80x128xf32, #tpu.memory_space<hbm>>)
        tpu.yield
      }) : () -> ()
      %add3A_158 = arith.constant 3 : i32
      %add3A_159 = arith.addi %add3A_128, %add3A_158 : i32
      %lt3A = arith.constant 125 : i32
      %lt3A_160 = arith.cmpi slt, %add3A_159, %lt3A : i32
      %convert_element_type3A = arith.extui %lt3A_160 : i1 to i32
      %cond3A = arith.constant 0 : i32
      %cond3A_161 = arith.cmpi ne, %convert_element_type3A, %cond3A : i32
      scf.if %cond3A_161 {
        %add3A_263 = arith.constant 3 : i32
        %add3A_264 = arith.addi %add3A_128, %add3A_263 : i32
        %mul3A_265 = arith.constant 10000 : i32
        %mul3A_266 = arith.muli %add3A, %mul3A_265 : i32
        %mul3A_267 = arith.constant 80 : i32
        %mul3A_268 = arith.muli %add3A_264, %mul3A_267 : i32
        %add3A_269 = arith.addi %mul3A_266, %mul3A_268 : i32
        %dma_start3A_270 = tpu.memref_slice %arg3[%add3A_269] : memref<320000xi32, #tpu.memory_space<hbm>> -> memref<80xi32, #tpu.memory_space<hbm>>
        %dma_start3A_271 = tpu.memref_slice %arg3[%add3A_269] : memref<320000xi32, #tpu.memory_space<hbm>> -> memref<80xi32, #tpu.memory_space<hbm>>
        tpu.enqueue_dma source(%dma_start3A_271 : memref<80xi32, #tpu.memory_space<hbm>>) target(%arg17 : memref<80xi32, #tpu.memory_space<vmem>>) target_semaphore(%arg26 : memref<!tpu.dma_semaphore, #tpu.memory_space<semaphore_mem>>)
        %dma_start3A_272 = tpu.memref_slice %arg4[%add3A_269] : memref<320000xi32, #tpu.memory_space<hbm>> -> memref<80xi32, #tpu.memory_space<hbm>>
        %dma_start3A_273 = tpu.memref_slice %arg4[%add3A_269] : memref<320000xi32, #tpu.memory_space<hbm>> -> memref<80xi32, #tpu.memory_space<hbm>>
        tpu.enqueue_dma source(%dma_start3A_273 : memref<80xi32, #tpu.memory_space<hbm>>) target(%arg20 : memref<80xi32, #tpu.memory_space<vmem>>) target_semaphore(%arg29 : memref<!tpu.dma_semaphore, #tpu.memory_space<semaphore_mem>>)
        %dma_start3A_274 = arith.constant 0 : i32
        %dma_start3A_275 = tpu.memref_slice %arg2[%add3A_269, %dma_start3A_274] : memref<320000x128xf32, #tpu.memory_space<hbm>> -> memref<80x128xf32, #tpu.memory_space<hbm>>
        %dma_start3A_276 = arith.constant 0 : i32
        %dma_start3A_277 = tpu.memref_slice %arg2[%add3A_269, %dma_start3A_276] : memref<320000x128xf32, #tpu.memory_space<hbm>> -> memref<80x128xf32, #tpu.memory_space<hbm>>
        tpu.enqueue_dma source(%dma_start3A_277 : memref<80x128xf32, #tpu.memory_space<hbm>>) target(%arg8 : memref<80x128xf32, #tpu.memory_space<vmem>>) target_semaphore(%arg23 : memref<!tpu.dma_semaphore, #tpu.memory_space<semaphore_mem>>)
      } else {
      }
      %add3A_162 = arith.constant 2 : i32
      %add3A_163 = arith.addi %add3A_128, %add3A_162 : i32
      %lt3A_164 = arith.constant 125 : i32
      %lt3A_165 = arith.cmpi slt, %add3A_163, %lt3A_164 : i32
      %convert_element_type3A_166 = arith.extui %lt3A_165 : i1 to i32
      %cond3A_167 = arith.constant 0 : i32
      %cond3A_168 = arith.cmpi ne, %convert_element_type3A_166, %cond3A_167 : i32
      scf.if %cond3A_168 {
        %dma_wait3A_263 = arith.constant 0 : i32
        %dma_wait3A_264 = tpu.memref_slice %arg3[%dma_wait3A_263] : memref<320000xi32, #tpu.memory_space<hbm>> -> memref<80xi32, #tpu.memory_space<hbm>>
        %dma_wait3A_265 = arith.constant 0 : i32
        %dma_wait3A_266 = tpu.memref_slice %arg3[%dma_wait3A_265] : memref<320000xi32, #tpu.memory_space<hbm>> -> memref<80xi32, #tpu.memory_space<hbm>>
        tpu.wait_dma2 semaphore(%arg28 : memref<!tpu.dma_semaphore, #tpu.memory_space<semaphore_mem>>) src(%dma_wait3A_266 : memref<80xi32, #tpu.memory_space<hbm>>) dst(%arg19 : memref<80xi32, #tpu.memory_space<vmem>>)
        %dma_wait3A_267 = arith.constant 0 : i32
        %dma_wait3A_268 = tpu.memref_slice %arg4[%dma_wait3A_267] : memref<320000xi32, #tpu.memory_space<hbm>> -> memref<80xi32, #tpu.memory_space<hbm>>
        %dma_wait3A_269 = arith.constant 0 : i32
        %dma_wait3A_270 = tpu.memref_slice %arg4[%dma_wait3A_269] : memref<320000xi32, #tpu.memory_space<hbm>> -> memref<80xi32, #tpu.memory_space<hbm>>
        tpu.wait_dma2 semaphore(%arg31 : memref<!tpu.dma_semaphore, #tpu.memory_space<semaphore_mem>>) src(%dma_wait3A_270 : memref<80xi32, #tpu.memory_space<hbm>>) dst(%arg22 : memref<80xi32, #tpu.memory_space<vmem>>)
        %dma_start3A_271 = arith.constant 0 : i32
        %dma_start3A_272 = arith.constant 0 : i32
        %dma_start3A_273 = tpu.memref_slice %arg5[%dma_start3A_271, %dma_start3A_272] : memref<10000x128xf32, #tpu.memory_space<hbm>> -> memref<10000x128xf32, #tpu.memory_space<hbm>>
        tpu.enqueue_indirect_dma source(%dma_start3A_273 : memref<10000x128xf32, #tpu.memory_space<hbm>>) target(%arg13 : memref<80x128xf32, #tpu.memory_space<vmem>>) offsets(%arg19 : memref<80xi32, #tpu.memory_space<vmem>>) semaphore(%arg34 : memref<!tpu.dma_semaphore, #tpu.memory_space<semaphore_mem>>)
        %dma_start3A_274 = arith.constant 0 : i32
        %dma_start3A_275 = arith.constant 0 : i32
        %dma_start3A_276 = tpu.memref_slice %arg6[%dma_start3A_274, %dma_start3A_275] : memref<10000x128xf32, #tpu.memory_space<hbm>> -> memref<10000x128xf32, #tpu.memory_space<hbm>>
        tpu.enqueue_indirect_dma source(%dma_start3A_276 : memref<10000x128xf32, #tpu.memory_space<hbm>>) target(%arg16 : memref<80x128xf32, #tpu.memory_space<vmem>>) offsets(%arg22 : memref<80xi32, #tpu.memory_space<vmem>>) semaphore(%arg37 : memref<!tpu.dma_semaphore, #tpu.memory_space<semaphore_mem>>)
      } else {
      }
      %mul3A_169 = arith.constant 3 : i32
      %mul3A_170 = arith.muli %scan3A_124, %mul3A_169 : i32
      %add3A_171 = arith.constant 1 : i32
      %add3A_172 = arith.addi %mul3A_170, %add3A_171 : i32
      %dma_wait3A_173 = arith.constant 0 : i32
      %dma_wait3A_174 = arith.constant 0 : i32
      %dma_wait3A_175 = tpu.memref_slice %arg5[%dma_wait3A_173, %dma_wait3A_174] : memref<10000x128xf32, #tpu.memory_space<hbm>> -> memref<80x128xf32, #tpu.memory_space<hbm>>
      %dma_wait3A_176 = arith.constant 0 : i32
      %dma_wait3A_177 = arith.constant 0 : i32
      %dma_wait3A_178 = tpu.memref_slice %arg5[%dma_wait3A_176, %dma_wait3A_177] : memref<10000x128xf32, #tpu.memory_space<hbm>> -> memref<80x128xf32, #tpu.memory_space<hbm>>
      tpu.wait_dma2 semaphore(%arg33 : memref<!tpu.dma_semaphore, #tpu.memory_space<semaphore_mem>>) src(%dma_wait3A_178 : memref<80x128xf32, #tpu.memory_space<hbm>>) dst(%arg12 : memref<80x128xf32, #tpu.memory_space<vmem>>)
      %dma_wait3A_179 = arith.constant 0 : i32
      %dma_wait3A_180 = arith.constant 0 : i32
      %dma_wait3A_181 = tpu.memref_slice %arg6[%dma_wait3A_179, %dma_wait3A_180] : memref<10000x128xf32, #tpu.memory_space<hbm>> -> memref<80x128xf32, #tpu.memory_space<hbm>>
      %dma_wait3A_182 = arith.constant 0 : i32
      %dma_wait3A_183 = arith.constant 0 : i32
      %dma_wait3A_184 = tpu.memref_slice %arg6[%dma_wait3A_182, %dma_wait3A_183] : memref<10000x128xf32, #tpu.memory_space<hbm>> -> memref<80x128xf32, #tpu.memory_space<hbm>>
      tpu.wait_dma2 semaphore(%arg36 : memref<!tpu.dma_semaphore, #tpu.memory_space<semaphore_mem>>) src(%dma_wait3A_184 : memref<80x128xf32, #tpu.memory_space<hbm>>) dst(%arg15 : memref<80x128xf32, #tpu.memory_space<vmem>>)
      %dma_wait3A_185 = arith.constant 0 : i32
      %dma_wait3A_186 = arith.constant 0 : i32
      %dma_wait3A_187 = tpu.memref_slice %arg2[%dma_wait3A_185, %dma_wait3A_186] : memref<320000x128xf32, #tpu.memory_space<hbm>> -> memref<80x128xf32, #tpu.memory_space<hbm>>
      %dma_wait3A_188 = arith.constant 0 : i32
      %dma_wait3A_189 = arith.constant 0 : i32
      %dma_wait3A_190 = tpu.memref_slice %arg2[%dma_wait3A_188, %dma_wait3A_189] : memref<320000x128xf32, #tpu.memory_space<hbm>> -> memref<80x128xf32, #tpu.memory_space<hbm>>
      tpu.wait_dma2 semaphore(%arg24 : memref<!tpu.dma_semaphore, #tpu.memory_space<semaphore_mem>>) src(%dma_wait3A_190 : memref<80x128xf32, #tpu.memory_space<hbm>>) dst(%arg9 : memref<80x128xf32, #tpu.memory_space<vmem>>)
      %scan3A_191 = arith.constant 0 : i32
      %scan3A_192 = arith.constant 0 : i32
      %scan3A_193 = arith.constant 80 : i32
      %scan3A_194 = arith.addi %scan3A_192, %scan3A_193 : i32
      %scan3A_195 = arith.constant 1 : i32
      scf.for %scan3A_263 = %scan3A_192 to %scan3A_194 step %scan3A_195  : i32 {
        %get3A = arith.index_cast %scan3A_263 : i32 to index
        %get3A_264 = arith.constant 0 : index
        %get3A_265 = tpu.vector_load %arg12[%get3A, %get3A_264] {strides = array<i32>} : memref<80x128xf32, #tpu.memory_space<vmem>>, vector<1x16xf32>,
        %get3A_266 = vector.shape_cast %get3A_265 : vector<1x16xf32> to vector<16xf32>
        %get3A_267 = arith.index_cast %scan3A_263 : i32 to index
        %get3A_268 = arith.constant 0 : index
        %get3A_269 = tpu.vector_load %arg15[%get3A_267, %get3A_268] {strides = array<i32>} : memref<80x128xf32, #tpu.memory_space<vmem>>, vector<1x16xf32>,
        %get3A_270 = vector.shape_cast %get3A_269 : vector<1x16xf32> to vector<16xf32>
        %add3A_271 = arith.addf %get3A_266, %get3A_270 : vector<16xf32>
        %swap3A = arith.index_cast %scan3A_263 : i32 to index
        %swap3A_272 = arith.constant 0 : index
        %swap3A_273 = tpu.vector_load %arg9[%swap3A, %swap3A_272] {strides = array<i32>} : memref<80x128xf32, #tpu.memory_space<vmem>>, vector<1x16xf32>,
        %swap3A_274 = vector.shape_cast %swap3A_273 : vector<1x16xf32> to vector<16xf32>
        %swap3A_275 = vector.shape_cast %add3A_271 : vector<16xf32> to vector<1x16xf32>
        tpu.vector_store %arg9[%swap3A, %swap3A_272], %swap3A_275 {add = true, strides = array<i32>} : memref<80x128xf32, #tpu.memory_space<vmem>>, vector<1x16xf32>,
        %get3A_276 = arith.index_cast %scan3A_263 : i32 to index
        %get3A_277 = arith.constant 16 : index
        %get3A_278 = tpu.vector_load %arg12[%get3A_276, %get3A_277] {strides = array<i32>} : memref<80x128xf32, #tpu.memory_space<vmem>>, vector<1x16xf32>,
        %get3A_279 = vector.shape_cast %get3A_278 : vector<1x16xf32> to vector<16xf32>
        %get3A_280 = arith.index_cast %scan3A_263 : i32 to index
        %get3A_281 = arith.constant 16 : index
        %get3A_282 = tpu.vector_load %arg15[%get3A_280, %get3A_281] {strides = array<i32>} : memref<80x128xf32, #tpu.memory_space<vmem>>, vector<1x16xf32>,
        %get3A_283 = vector.shape_cast %get3A_282 : vector<1x16xf32> to vector<16xf32>
        %add3A_284 = arith.addf %get3A_279, %get3A_283 : vector<16xf32>
        %swap3A_285 = arith.index_cast %scan3A_263 : i32 to index
        %swap3A_286 = arith.constant 16 : index
        %swap3A_287 = tpu.vector_load %arg9[%swap3A_285, %swap3A_286] {strides = array<i32>} : memref<80x128xf32, #tpu.memory_space<vmem>>, vector<1x16xf32>,
        %swap3A_288 = vector.shape_cast %swap3A_287 : vector<1x16xf32> to vector<16xf32>
        %swap3A_289 = vector.shape_cast %add3A_284 : vector<16xf32> to vector<1x16xf32>
        tpu.vector_store %arg9[%swap3A_285, %swap3A_286], %swap3A_289 {add = true, strides = array<i32>} : memref<80x128xf32, #tpu.memory_space<vmem>>, vector<1x16xf32>,
        %get3A_290 = arith.index_cast %scan3A_263 : i32 to index
        %get3A_291 = arith.constant 32 : index
        %get3A_292 = tpu.vector_load %arg12[%get3A_290, %get3A_291] {strides = array<i32>} : memref<80x128xf32, #tpu.memory_space<vmem>>, vector<1x16xf32>,
        %get3A_293 = vector.shape_cast %get3A_292 : vector<1x16xf32> to vector<16xf32>
        %get3A_294 = arith.index_cast %scan3A_263 : i32 to index
        %get3A_295 = arith.constant 32 : index
        %get3A_296 = tpu.vector_load %arg15[%get3A_294, %get3A_295] {strides = array<i32>} : memref<80x128xf32, #tpu.memory_space<vmem>>, vector<1x16xf32>,
        %get3A_297 = vector.shape_cast %get3A_296 : vector<1x16xf32> to vector<16xf32>
        %add3A_298 = arith.addf %get3A_293, %get3A_297 : vector<16xf32>
        %swap3A_299 = arith.index_cast %scan3A_263 : i32 to index
        %swap3A_300 = arith.constant 32 : index
        %swap3A_301 = tpu.vector_load %arg9[%swap3A_299, %swap3A_300] {strides = array<i32>} : memref<80x128xf32, #tpu.memory_space<vmem>>, vector<1x16xf32>,
        %swap3A_302 = vector.shape_cast %swap3A_301 : vector<1x16xf32> to vector<16xf32>
        %swap3A_303 = vector.shape_cast %add3A_298 : vector<16xf32> to vector<1x16xf32>
        tpu.vector_store %arg9[%swap3A_299, %swap3A_300], %swap3A_303 {add = true, strides = array<i32>} : memref<80x128xf32, #tpu.memory_space<vmem>>, vector<1x16xf32>,
        %get3A_304 = arith.index_cast %scan3A_263 : i32 to index
        %get3A_305 = arith.constant 48 : index
        %get3A_306 = tpu.vector_load %arg12[%get3A_304, %get3A_305] {strides = array<i32>} : memref<80x128xf32, #tpu.memory_space<vmem>>, vector<1x16xf32>,
        %get3A_307 = vector.shape_cast %get3A_306 : vector<1x16xf32> to vector<16xf32>
        %get3A_308 = arith.index_cast %scan3A_263 : i32 to index
        %get3A_309 = arith.constant 48 : index
        %get3A_310 = tpu.vector_load %arg15[%get3A_308, %get3A_309] {strides = array<i32>} : memref<80x128xf32, #tpu.memory_space<vmem>>, vector<1x16xf32>,
        %get3A_311 = vector.shape_cast %get3A_310 : vector<1x16xf32> to vector<16xf32>
        %add3A_312 = arith.addf %get3A_307, %get3A_311 : vector<16xf32>
        %swap3A_313 = arith.index_cast %scan3A_263 : i32 to index
        %swap3A_314 = arith.constant 48 : index
        %swap3A_315 = tpu.vector_load %arg9[%swap3A_313, %swap3A_314] {strides = array<i32>} : memref<80x128xf32, #tpu.memory_space<vmem>>, vector<1x16xf32>,
        %swap3A_316 = vector.shape_cast %swap3A_315 : vector<1x16xf32> to vector<16xf32>
        %swap3A_317 = vector.shape_cast %add3A_312 : vector<16xf32> to vector<1x16xf32>
        tpu.vector_store %arg9[%swap3A_313, %swap3A_314], %swap3A_317 {add = true, strides = array<i32>} : memref<80x128xf32, #tpu.memory_space<vmem>>, vector<1x16xf32>,
        %get3A_318 = arith.index_cast %scan3A_263 : i32 to index
        %get3A_319 = arith.constant 64 : index
        %get3A_320 = tpu.vector_load %arg12[%get3A_318, %get3A_319] {strides = array<i32>} : memref<80x128xf32, #tpu.memory_space<vmem>>, vector<1x16xf32>,
        %get3A_321 = vector.shape_cast %get3A_320 : vector<1x16xf32> to vector<16xf32>
        %get3A_322 = arith.index_cast %scan3A_263 : i32 to index
        %get3A_323 = arith.constant 64 : index
        %get3A_324 = tpu.vector_load %arg15[%get3A_322, %get3A_323] {strides = array<i32>} : memref<80x128xf32, #tpu.memory_space<vmem>>, vector<1x16xf32>,
        %get3A_325 = vector.shape_cast %get3A_324 : vector<1x16xf32> to vector<16xf32>
        %add3A_326 = arith.addf %get3A_321, %get3A_325 : vector<16xf32>
        %swap3A_327 = arith.index_cast %scan3A_263 : i32 to index
        %swap3A_328 = arith.constant 64 : index
        %swap3A_329 = tpu.vector_load %arg9[%swap3A_327, %swap3A_328] {strides = array<i32>} : memref<80x128xf32, #tpu.memory_space<vmem>>, vector<1x16xf32>,
        %swap3A_330 = vector.shape_cast %swap3A_329 : vector<1x16xf32> to vector<16xf32>
        %swap3A_331 = vector.shape_cast %add3A_326 : vector<16xf32> to vector<1x16xf32>
        tpu.vector_store %arg9[%swap3A_327, %swap3A_328], %swap3A_331 {add = true, strides = array<i32>} : memref<80x128xf32, #tpu.memory_space<vmem>>, vector<1x16xf32>,
        %get3A_332 = arith.index_cast %scan3A_263 : i32 to index
        %get3A_333 = arith.constant 80 : index
        %get3A_334 = tpu.vector_load %arg12[%get3A_332, %get3A_333] {strides = array<i32>} : memref<80x128xf32, #tpu.memory_space<vmem>>, vector<1x16xf32>,
        %get3A_335 = vector.shape_cast %get3A_334 : vector<1x16xf32> to vector<16xf32>
        %get3A_336 = arith.index_cast %scan3A_263 : i32 to index
        %get3A_337 = arith.constant 80 : index
        %get3A_338 = tpu.vector_load %arg15[%get3A_336, %get3A_337] {strides = array<i32>} : memref<80x128xf32, #tpu.memory_space<vmem>>, vector<1x16xf32>,
        %get3A_339 = vector.shape_cast %get3A_338 : vector<1x16xf32> to vector<16xf32>
        %add3A_340 = arith.addf %get3A_335, %get3A_339 : vector<16xf32>
        %swap3A_341 = arith.index_cast %scan3A_263 : i32 to index
        %swap3A_342 = arith.constant 80 : index
        %swap3A_343 = tpu.vector_load %arg9[%swap3A_341, %swap3A_342] {strides = array<i32>} : memref<80x128xf32, #tpu.memory_space<vmem>>, vector<1x16xf32>,
        %swap3A_344 = vector.shape_cast %swap3A_343 : vector<1x16xf32> to vector<16xf32>
        %swap3A_345 = vector.shape_cast %add3A_340 : vector<16xf32> to vector<1x16xf32>
        tpu.vector_store %arg9[%swap3A_341, %swap3A_342], %swap3A_345 {add = true, strides = array<i32>} : memref<80x128xf32, #tpu.memory_space<vmem>>, vector<1x16xf32>,
        %get3A_346 = arith.index_cast %scan3A_263 : i32 to index
        %get3A_347 = arith.constant 96 : index
        %get3A_348 = tpu.vector_load %arg12[%get3A_346, %get3A_347] {strides = array<i32>} : memref<80x128xf32, #tpu.memory_space<vmem>>, vector<1x16xf32>,
        %get3A_349 = vector.shape_cast %get3A_348 : vector<1x16xf32> to vector<16xf32>
        %get3A_350 = arith.index_cast %scan3A_263 : i32 to index
        %get3A_351 = arith.constant 96 : index
        %get3A_352 = tpu.vector_load %arg15[%get3A_350, %get3A_351] {strides = array<i32>} : memref<80x128xf32, #tpu.memory_space<vmem>>, vector<1x16xf32>,
        %get3A_353 = vector.shape_cast %get3A_352 : vector<1x16xf32> to vector<16xf32>
        %add3A_354 = arith.addf %get3A_349, %get3A_353 : vector<16xf32>
        %swap3A_355 = arith.index_cast %scan3A_263 : i32 to index
        %swap3A_356 = arith.constant 96 : index
        %swap3A_357 = tpu.vector_load %arg9[%swap3A_355, %swap3A_356] {strides = array<i32>} : memref<80x128xf32, #tpu.memory_space<vmem>>, vector<1x16xf32>,
        %swap3A_358 = vector.shape_cast %swap3A_357 : vector<1x16xf32> to vector<16xf32>
        %swap3A_359 = vector.shape_cast %add3A_354 : vector<16xf32> to vector<1x16xf32>
        tpu.vector_store %arg9[%swap3A_355, %swap3A_356], %swap3A_359 {add = true, strides = array<i32>} : memref<80x128xf32, #tpu.memory_space<vmem>>, vector<1x16xf32>,
        %get3A_360 = arith.index_cast %scan3A_263 : i32 to index
        %get3A_361 = arith.constant 112 : index
        %get3A_362 = tpu.vector_load %arg12[%get3A_360, %get3A_361] {strides = array<i32>} : memref<80x128xf32, #tpu.memory_space<vmem>>, vector<1x16xf32>,
        %get3A_363 = vector.shape_cast %get3A_362 : vector<1x16xf32> to vector<16xf32>
        %get3A_364 = arith.index_cast %scan3A_263 : i32 to index
        %get3A_365 = arith.constant 112 : index
        %get3A_366 = tpu.vector_load %arg15[%get3A_364, %get3A_365] {strides = array<i32>} : memref<80x128xf32, #tpu.memory_space<vmem>>, vector<1x16xf32>,
        %get3A_367 = vector.shape_cast %get3A_366 : vector<1x16xf32> to vector<16xf32>
        %add3A_368 = arith.addf %get3A_363, %get3A_367 : vector<16xf32>
        %swap3A_369 = arith.index_cast %scan3A_263 : i32 to index
        %swap3A_370 = arith.constant 112 : index
        %swap3A_371 = tpu.vector_load %arg9[%swap3A_369, %swap3A_370] {strides = array<i32>} : memref<80x128xf32, #tpu.memory_space<vmem>>, vector<1x16xf32>,
        %swap3A_372 = vector.shape_cast %swap3A_371 : vector<1x16xf32> to vector<16xf32>
        %swap3A_373 = vector.shape_cast %add3A_368 : vector<16xf32> to vector<1x16xf32>
        tpu.vector_store %arg9[%swap3A_369, %swap3A_370], %swap3A_373 {add = true, strides = array<i32>} : memref<80x128xf32, #tpu.memory_space<vmem>>, vector<1x16xf32>,
      }
      %scan3A_196 = arith.constant 80 : i32
      %mul3A_197 = arith.constant 10000 : i32
      %mul3A_198 = arith.muli %add3A, %mul3A_197 : i32
      %mul3A_199 = arith.constant 80 : i32
      %mul3A_200 = arith.muli %add3A_172, %mul3A_199 : i32
      %add3A_201 = arith.addi %mul3A_198, %mul3A_200 : i32
      "tpu.region"() ({
        %run_scoped3A = tpu.sem_alloc : memref<!tpu.dma_semaphore, #tpu.memory_space<semaphore_mem>>
        %dma_start3A_263 = arith.constant 0 : i32
        %dma_start3A_264 = tpu.memref_slice %arg7[%add3A_201, %dma_start3A_263] : memref<320000x128xf32, #tpu.memory_space<hbm>> -> memref<80x128xf32, #tpu.memory_space<hbm>>
        %dma_start3A_265 = arith.constant 0 : i32
        %dma_start3A_266 = tpu.memref_slice %arg7[%add3A_201, %dma_start3A_265] : memref<320000x128xf32, #tpu.memory_space<hbm>> -> memref<80x128xf32, #tpu.memory_space<hbm>>
        tpu.enqueue_dma source(%arg9 : memref<80x128xf32, #tpu.memory_space<vmem>>) target(%dma_start3A_266 : memref<80x128xf32, #tpu.memory_space<hbm>>) target_semaphore(%run_scoped3A : memref<!tpu.dma_semaphore, #tpu.memory_space<semaphore_mem>>)
        %dma_wait3A_267 = arith.constant 0 : i32
        %dma_wait3A_268 = tpu.memref_slice %arg7[%add3A_201, %dma_wait3A_267] : memref<320000x128xf32, #tpu.memory_space<hbm>> -> memref<80x128xf32, #tpu.memory_space<hbm>>
        %dma_wait3A_269 = arith.constant 0 : i32
        %dma_wait3A_270 = tpu.memref_slice %arg7[%add3A_201, %dma_wait3A_269] : memref<320000x128xf32, #tpu.memory_space<hbm>> -> memref<80x128xf32, #tpu.memory_space<hbm>>
        tpu.wait_dma2 semaphore(%run_scoped3A : memref<!tpu.dma_semaphore, #tpu.memory_space<semaphore_mem>>) src(%arg9 : memref<80x128xf32, #tpu.memory_space<vmem>>) dst(%dma_wait3A_270 : memref<80x128xf32, #tpu.memory_space<hbm>>)
        tpu.yield
      }) : () -> ()
      %add3A_202 = arith.constant 3 : i32
      %add3A_203 = arith.addi %add3A_172, %add3A_202 : i32
      %lt3A_204 = arith.constant 125 : i32
      %lt3A_205 = arith.cmpi slt, %add3A_203, %lt3A_204 : i32
      %convert_element_type3A_206 = arith.extui %lt3A_205 : i1 to i32
      %cond3A_207 = arith.constant 0 : i32
      %cond3A_208 = arith.cmpi ne, %convert_element_type3A_206, %cond3A_207 : i32
      scf.if %cond3A_208 {
        %add3A_263 = arith.constant 3 : i32
        %add3A_264 = arith.addi %add3A_172, %add3A_263 : i32
        %mul3A_265 = arith.constant 10000 : i32
        %mul3A_266 = arith.muli %add3A, %mul3A_265 : i32
        %mul3A_267 = arith.constant 80 : i32
        %mul3A_268 = arith.muli %add3A_264, %mul3A_267 : i32
        %add3A_269 = arith.addi %mul3A_266, %mul3A_268 : i32
        %dma_start3A_270 = tpu.memref_slice %arg3[%add3A_269] : memref<320000xi32, #tpu.memory_space<hbm>> -> memref<80xi32, #tpu.memory_space<hbm>>
        %dma_start3A_271 = tpu.memref_slice %arg3[%add3A_269] : memref<320000xi32, #tpu.memory_space<hbm>> -> memref<80xi32, #tpu.memory_space<hbm>>
        tpu.enqueue_dma source(%dma_start3A_271 : memref<80xi32, #tpu.memory_space<hbm>>) target(%arg18 : memref<80xi32, #tpu.memory_space<vmem>>) target_semaphore(%arg27 : memref<!tpu.dma_semaphore, #tpu.memory_space<semaphore_mem>>)
        %dma_start3A_272 = tpu.memref_slice %arg4[%add3A_269] : memref<320000xi32, #tpu.memory_space<hbm>> -> memref<80xi32, #tpu.memory_space<hbm>>
        %dma_start3A_273 = tpu.memref_slice %arg4[%add3A_269] : memref<320000xi32, #tpu.memory_space<hbm>> -> memref<80xi32, #tpu.memory_space<hbm>>
        tpu.enqueue_dma source(%dma_start3A_273 : memref<80xi32, #tpu.memory_space<hbm>>) target(%arg21 : memref<80xi32, #tpu.memory_space<vmem>>) target_semaphore(%arg30 : memref<!tpu.dma_semaphore, #tpu.memory_space<semaphore_mem>>)
        %dma_start3A_274 = arith.constant 0 : i32
        %dma_start3A_275 = tpu.memref_slice %arg2[%add3A_269, %dma_start3A_274] : memref<320000x128xf32, #tpu.memory_space<hbm>> -> memref<80x128xf32, #tpu.memory_space<hbm>>
        %dma_start3A_276 = arith.constant 0 : i32
        %dma_start3A_277 = tpu.memref_slice %arg2[%add3A_269, %dma_start3A_276] : memref<320000x128xf32, #tpu.memory_space<hbm>> -> memref<80x128xf32, #tpu.memory_space<hbm>>
        tpu.enqueue_dma source(%dma_start3A_277 : memref<80x128xf32, #tpu.memory_space<hbm>>) target(%arg9 : memref<80x128xf32, #tpu.memory_space<vmem>>) target_semaphore(%arg24 : memref<!tpu.dma_semaphore, #tpu.memory_space<semaphore_mem>>)
      } else {
      }
      %add3A_209 = arith.constant 2 : i32
      %add3A_210 = arith.addi %add3A_172, %add3A_209 : i32
      %lt3A_211 = arith.constant 125 : i32
      %lt3A_212 = arith.cmpi slt, %add3A_210, %lt3A_211 : i32
      %convert_element_type3A_213 = arith.extui %lt3A_212 : i1 to i32
      %cond3A_214 = arith.constant 0 : i32
      %cond3A_215 = arith.cmpi ne, %convert_element_type3A_213, %cond3A_214 : i32
      scf.if %cond3A_215 {
        %dma_wait3A_263 = arith.constant 0 : i32
        %dma_wait3A_264 = tpu.memref_slice %arg3[%dma_wait3A_263] : memref<320000xi32, #tpu.memory_space<hbm>> -> memref<80xi32, #tpu.memory_space<hbm>>
        %dma_wait3A_265 = arith.constant 0 : i32
        %dma_wait3A_266 = tpu.memref_slice %arg3[%dma_wait3A_265] : memref<320000xi32, #tpu.memory_space<hbm>> -> memref<80xi32, #tpu.memory_space<hbm>>
        tpu.wait_dma2 semaphore(%arg26 : memref<!tpu.dma_semaphore, #tpu.memory_space<semaphore_mem>>) src(%dma_wait3A_266 : memref<80xi32, #tpu.memory_space<hbm>>) dst(%arg17 : memref<80xi32, #tpu.memory_space<vmem>>)
        %dma_wait3A_267 = arith.constant 0 : i32
        %dma_wait3A_268 = tpu.memref_slice %arg4[%dma_wait3A_267] : memref<320000xi32, #tpu.memory_space<hbm>> -> memref<80xi32, #tpu.memory_space<hbm>>
        %dma_wait3A_269 = arith.constant 0 : i32
        %dma_wait3A_270 = tpu.memref_slice %arg4[%dma_wait3A_269] : memref<320000xi32, #tpu.memory_space<hbm>> -> memref<80xi32, #tpu.memory_space<hbm>>
        tpu.wait_dma2 semaphore(%arg29 : memref<!tpu.dma_semaphore, #tpu.memory_space<semaphore_mem>>) src(%dma_wait3A_270 : memref<80xi32, #tpu.memory_space<hbm>>) dst(%arg20 : memref<80xi32, #tpu.memory_space<vmem>>)
        %dma_start3A_271 = arith.constant 0 : i32
        %dma_start3A_272 = arith.constant 0 : i32
        %dma_start3A_273 = tpu.memref_slice %arg5[%dma_start3A_271, %dma_start3A_272] : memref<10000x128xf32, #tpu.memory_space<hbm>> -> memref<10000x128xf32, #tpu.memory_space<hbm>>
        tpu.enqueue_indirect_dma source(%dma_start3A_273 : memref<10000x128xf32, #tpu.memory_space<hbm>>) target(%arg11 : memref<80x128xf32, #tpu.memory_space<vmem>>) offsets(%arg17 : memref<80xi32, #tpu.memory_space<vmem>>) semaphore(%arg32 : memref<!tpu.dma_semaphore, #tpu.memory_space<semaphore_mem>>)
        %dma_start3A_274 = arith.constant 0 : i32
        %dma_start3A_275 = arith.constant 0 : i32
        %dma_start3A_276 = tpu.memref_slice %arg6[%dma_start3A_274, %dma_start3A_275] : memref<10000x128xf32, #tpu.memory_space<hbm>> -> memref<10000x128xf32, #tpu.memory_space<hbm>>
        tpu.enqueue_indirect_dma source(%dma_start3A_276 : memref<10000x128xf32, #tpu.memory_space<hbm>>) target(%arg14 : memref<80x128xf32, #tpu.memory_space<vmem>>) offsets(%arg20 : memref<80xi32, #tpu.memory_space<vmem>>) semaphore(%arg35 : memref<!tpu.dma_semaphore, #tpu.memory_space<semaphore_mem>>)
      } else {
      }
      %mul3A_216 = arith.constant 3 : i32
      %mul3A_217 = arith.muli %scan3A_124, %mul3A_216 : i32
      %add3A_218 = arith.constant 2 : i32
      %add3A_219 = arith.addi %mul3A_217, %add3A_218 : i32
      %dma_wait3A_220 = arith.constant 0 : i32
      %dma_wait3A_221 = arith.constant 0 : i32
      %dma_wait3A_222 = tpu.memref_slice %arg5[%dma_wait3A_220, %dma_wait3A_221] : memref<10000x128xf32, #tpu.memory_space<hbm>> -> memref<80x128xf32, #tpu.memory_space<hbm>>
      %dma_wait3A_223 = arith.constant 0 : i32
      %dma_wait3A_224 = arith.constant 0 : i32
      %dma_wait3A_225 = tpu.memref_slice %arg5[%dma_wait3A_223, %dma_wait3A_224] : memref<10000x128xf32, #tpu.memory_space<hbm>> -> memref<80x128xf32, #tpu.memory_space<hbm>>
      tpu.wait_dma2 semaphore(%arg34 : memref<!tpu.dma_semaphore, #tpu.memory_space<semaphore_mem>>) src(%dma_wait3A_225 : memref<80x128xf32, #tpu.memory_space<hbm>>) dst(%arg13 : memref<80x128xf32, #tpu.memory_space<vmem>>)
      %dma_wait3A_226 = arith.constant 0 : i32
      %dma_wait3A_227 = arith.constant 0 : i32
      %dma_wait3A_228 = tpu.memref_slice %arg6[%dma_wait3A_226, %dma_wait3A_227] : memref<10000x128xf32, #tpu.memory_space<hbm>> -> memref<80x128xf32, #tpu.memory_space<hbm>>
      %dma_wait3A_229 = arith.constant 0 : i32
      %dma_wait3A_230 = arith.constant 0 : i32
      %dma_wait3A_231 = tpu.memref_slice %arg6[%dma_wait3A_229, %dma_wait3A_230] : memref<10000x128xf32, #tpu.memory_space<hbm>> -> memref<80x128xf32, #tpu.memory_space<hbm>>
      tpu.wait_dma2 semaphore(%arg37 : memref<!tpu.dma_semaphore, #tpu.memory_space<semaphore_mem>>) src(%dma_wait3A_231 : memref<80x128xf32, #tpu.memory_space<hbm>>) dst(%arg16 : memref<80x128xf32, #tpu.memory_space<vmem>>)
      %dma_wait3A_232 = arith.constant 0 : i32
      %dma_wait3A_233 = arith.constant 0 : i32
      %dma_wait3A_234 = tpu.memref_slice %arg2[%dma_wait3A_232, %dma_wait3A_233] : memref<320000x128xf32, #tpu.memory_space<hbm>> -> memref<80x128xf32, #tpu.memory_space<hbm>>
      %dma_wait3A_235 = arith.constant 0 : i32
      %dma_wait3A_236 = arith.constant 0 : i32
      %dma_wait3A_237 = tpu.memref_slice %arg2[%dma_wait3A_235, %dma_wait3A_236] : memref<320000x128xf32, #tpu.memory_space<hbm>> -> memref<80x128xf32, #tpu.memory_space<hbm>>
      tpu.wait_dma2 semaphore(%arg25 : memref<!tpu.dma_semaphore, #tpu.memory_space<semaphore_mem>>) src(%dma_wait3A_237 : memref<80x128xf32, #tpu.memory_space<hbm>>) dst(%arg10 : memref<80x128xf32, #tpu.memory_space<vmem>>)
      %scan3A_238 = arith.constant 0 : i32
      %scan3A_239 = arith.constant 0 : i32
      %scan3A_240 = arith.constant 80 : i32
      %scan3A_241 = arith.addi %scan3A_239, %scan3A_240 : i32
      %scan3A_242 = arith.constant 1 : i32
      scf.for %scan3A_263 = %scan3A_239 to %scan3A_241 step %scan3A_242  : i32 {
        %get3A = arith.index_cast %scan3A_263 : i32 to index
        %get3A_264 = arith.constant 0 : index
        %get3A_265 = tpu.vector_load %arg13[%get3A, %get3A_264] {strides = array<i32>} : memref<80x128xf32, #tpu.memory_space<vmem>>, vector<1x16xf32>,
        %get3A_266 = vector.shape_cast %get3A_265 : vector<1x16xf32> to vector<16xf32>
        %get3A_267 = arith.index_cast %scan3A_263 : i32 to index
        %get3A_268 = arith.constant 0 : index
        %get3A_269 = tpu.vector_load %arg16[%get3A_267, %get3A_268] {strides = array<i32>} : memref<80x128xf32, #tpu.memory_space<vmem>>, vector<1x16xf32>,
        %get3A_270 = vector.shape_cast %get3A_269 : vector<1x16xf32> to vector<16xf32>
        %add3A_271 = arith.addf %get3A_266, %get3A_270 : vector<16xf32>
        %swap3A = arith.index_cast %scan3A_263 : i32 to index
        %swap3A_272 = arith.constant 0 : index
        %swap3A_273 = tpu.vector_load %arg10[%swap3A, %swap3A_272] {strides = array<i32>} : memref<80x128xf32, #tpu.memory_space<vmem>>, vector<1x16xf32>,
        %swap3A_274 = vector.shape_cast %swap3A_273 : vector<1x16xf32> to vector<16xf32>
        %swap3A_275 = vector.shape_cast %add3A_271 : vector<16xf32> to vector<1x16xf32>
        tpu.vector_store %arg10[%swap3A, %swap3A_272], %swap3A_275 {add = true, strides = array<i32>} : memref<80x128xf32, #tpu.memory_space<vmem>>, vector<1x16xf32>,
        %get3A_276 = arith.index_cast %scan3A_263 : i32 to index
        %get3A_277 = arith.constant 16 : index
        %get3A_278 = tpu.vector_load %arg13[%get3A_276, %get3A_277] {strides = array<i32>} : memref<80x128xf32, #tpu.memory_space<vmem>>, vector<1x16xf32>,
        %get3A_279 = vector.shape_cast %get3A_278 : vector<1x16xf32> to vector<16xf32>
        %get3A_280 = arith.index_cast %scan3A_263 : i32 to index
        %get3A_281 = arith.constant 16 : index
        %get3A_282 = tpu.vector_load %arg16[%get3A_280, %get3A_281] {strides = array<i32>} : memref<80x128xf32, #tpu.memory_space<vmem>>, vector<1x16xf32>,
        %get3A_283 = vector.shape_cast %get3A_282 : vector<1x16xf32> to vector<16xf32>
        %add3A_284 = arith.addf %get3A_279, %get3A_283 : vector<16xf32>
        %swap3A_285 = arith.index_cast %scan3A_263 : i32 to index
        %swap3A_286 = arith.constant 16 : index
        %swap3A_287 = tpu.vector_load %arg10[%swap3A_285, %swap3A_286] {strides = array<i32>} : memref<80x128xf32, #tpu.memory_space<vmem>>, vector<1x16xf32>,
        %swap3A_288 = vector.shape_cast %swap3A_287 : vector<1x16xf32> to vector<16xf32>
        %swap3A_289 = vector.shape_cast %add3A_284 : vector<16xf32> to vector<1x16xf32>
        tpu.vector_store %arg10[%swap3A_285, %swap3A_286], %swap3A_289 {add = true, strides = array<i32>} : memref<80x128xf32, #tpu.memory_space<vmem>>, vector<1x16xf32>,
        %get3A_290 = arith.index_cast %scan3A_263 : i32 to index
        %get3A_291 = arith.constant 32 : index
        %get3A_292 = tpu.vector_load %arg13[%get3A_290, %get3A_291] {strides = array<i32>} : memref<80x128xf32, #tpu.memory_space<vmem>>, vector<1x16xf32>,
        %get3A_293 = vector.shape_cast %get3A_292 : vector<1x16xf32> to vector<16xf32>
        %get3A_294 = arith.index_cast %scan3A_263 : i32 to index
        %get3A_295 = arith.constant 32 : index
        %get3A_296 = tpu.vector_load %arg16[%get3A_294, %get3A_295] {strides = array<i32>} : memref<80x128xf32, #tpu.memory_space<vmem>>, vector<1x16xf32>,
        %get3A_297 = vector.shape_cast %get3A_296 : vector<1x16xf32> to vector<16xf32>
        %add3A_298 = arith.addf %get3A_293, %get3A_297 : vector<16xf32>
        %swap3A_299 = arith.index_cast %scan3A_263 : i32 to index
        %swap3A_300 = arith.constant 32 : index
        %swap3A_301 = tpu.vector_load %arg10[%swap3A_299, %swap3A_300] {strides = array<i32>} : memref<80x128xf32, #tpu.memory_space<vmem>>, vector<1x16xf32>,
        %swap3A_302 = vector.shape_cast %swap3A_301 : vector<1x16xf32> to vector<16xf32>
        %swap3A_303 = vector.shape_cast %add3A_298 : vector<16xf32> to vector<1x16xf32>
        tpu.vector_store %arg10[%swap3A_299, %swap3A_300], %swap3A_303 {add = true, strides = array<i32>} : memref<80x128xf32, #tpu.memory_space<vmem>>, vector<1x16xf32>,
        %get3A_304 = arith.index_cast %scan3A_263 : i32 to index
        %get3A_305 = arith.constant 48 : index
        %get3A_306 = tpu.vector_load %arg13[%get3A_304, %get3A_305] {strides = array<i32>} : memref<80x128xf32, #tpu.memory_space<vmem>>, vector<1x16xf32>,
        %get3A_307 = vector.shape_cast %get3A_306 : vector<1x16xf32> to vector<16xf32>
        %get3A_308 = arith.index_cast %scan3A_263 : i32 to index
        %get3A_309 = arith.constant 48 : index
        %get3A_310 = tpu.vector_load %arg16[%get3A_308, %get3A_309] {strides = array<i32>} : memref<80x128xf32, #tpu.memory_space<vmem>>, vector<1x16xf32>,
        %get3A_311 = vector.shape_cast %get3A_310 : vector<1x16xf32> to vector<16xf32>
        %add3A_312 = arith.addf %get3A_307, %get3A_311 : vector<16xf32>
        %swap3A_313 = arith.index_cast %scan3A_263 : i32 to index
        %swap3A_314 = arith.constant 48 : index
        %swap3A_315 = tpu.vector_load %arg10[%swap3A_313, %swap3A_314] {strides = array<i32>} : memref<80x128xf32, #tpu.memory_space<vmem>>, vector<1x16xf32>,
        %swap3A_316 = vector.shape_cast %swap3A_315 : vector<1x16xf32> to vector<16xf32>
        %swap3A_317 = vector.shape_cast %add3A_312 : vector<16xf32> to vector<1x16xf32>
        tpu.vector_store %arg10[%swap3A_313, %swap3A_314], %swap3A_317 {add = true, strides = array<i32>} : memref<80x128xf32, #tpu.memory_space<vmem>>, vector<1x16xf32>,
        %get3A_318 = arith.index_cast %scan3A_263 : i32 to index
        %get3A_319 = arith.constant 64 : index
        %get3A_320 = tpu.vector_load %arg13[%get3A_318, %get3A_319] {strides = array<i32>} : memref<80x128xf32, #tpu.memory_space<vmem>>, vector<1x16xf32>,
        %get3A_321 = vector.shape_cast %get3A_320 : vector<1x16xf32> to vector<16xf32>
        %get3A_322 = arith.index_cast %scan3A_263 : i32 to index
        %get3A_323 = arith.constant 64 : index
        %get3A_324 = tpu.vector_load %arg16[%get3A_322, %get3A_323] {strides = array<i32>} : memref<80x128xf32, #tpu.memory_space<vmem>>, vector<1x16xf32>,
        %get3A_325 = vector.shape_cast %get3A_324 : vector<1x16xf32> to vector<16xf32>
        %add3A_326 = arith.addf %get3A_321, %get3A_325 : vector<16xf32>
        %swap3A_327 = arith.index_cast %scan3A_263 : i32 to index
        %swap3A_328 = arith.constant 64 : index
        %swap3A_329 = tpu.vector_load %arg10[%swap3A_327, %swap3A_328] {strides = array<i32>} : memref<80x128xf32, #tpu.memory_space<vmem>>, vector<1x16xf32>,
        %swap3A_330 = vector.shape_cast %swap3A_329 : vector<1x16xf32> to vector<16xf32>
        %swap3A_331 = vector.shape_cast %add3A_326 : vector<16xf32> to vector<1x16xf32>
        tpu.vector_store %arg10[%swap3A_327, %swap3A_328], %swap3A_331 {add = true, strides = array<i32>} : memref<80x128xf32, #tpu.memory_space<vmem>>, vector<1x16xf32>,
        %get3A_332 = arith.index_cast %scan3A_263 : i32 to index
        %get3A_333 = arith.constant 80 : index
        %get3A_334 = tpu.vector_load %arg13[%get3A_332, %get3A_333] {strides = array<i32>} : memref<80x128xf32, #tpu.memory_space<vmem>>, vector<1x16xf32>,
        %get3A_335 = vector.shape_cast %get3A_334 : vector<1x16xf32> to vector<16xf32>
        %get3A_336 = arith.index_cast %scan3A_263 : i32 to index
        %get3A_337 = arith.constant 80 : index
        %get3A_338 = tpu.vector_load %arg16[%get3A_336, %get3A_337] {strides = array<i32>} : memref<80x128xf32, #tpu.memory_space<vmem>>, vector<1x16xf32>,
        %get3A_339 = vector.shape_cast %get3A_338 : vector<1x16xf32> to vector<16xf32>
        %add3A_340 = arith.addf %get3A_335, %get3A_339 : vector<16xf32>
        %swap3A_341 = arith.index_cast %scan3A_263 : i32 to index
        %swap3A_342 = arith.constant 80 : index
        %swap3A_343 = tpu.vector_load %arg10[%swap3A_341, %swap3A_342] {strides = array<i32>} : memref<80x128xf32, #tpu.memory_space<vmem>>, vector<1x16xf32>,
        %swap3A_344 = vector.shape_cast %swap3A_343 : vector<1x16xf32> to vector<16xf32>
        %swap3A_345 = vector.shape_cast %add3A_340 : vector<16xf32> to vector<1x16xf32>
        tpu.vector_store %arg10[%swap3A_341, %swap3A_342], %swap3A_345 {add = true, strides = array<i32>} : memref<80x128xf32, #tpu.memory_space<vmem>>, vector<1x16xf32>,
        %get3A_346 = arith.index_cast %scan3A_263 : i32 to index
        %get3A_347 = arith.constant 96 : index
        %get3A_348 = tpu.vector_load %arg13[%get3A_346, %get3A_347] {strides = array<i32>} : memref<80x128xf32, #tpu.memory_space<vmem>>, vector<1x16xf32>,
        %get3A_349 = vector.shape_cast %get3A_348 : vector<1x16xf32> to vector<16xf32>
        %get3A_350 = arith.index_cast %scan3A_263 : i32 to index
        %get3A_351 = arith.constant 96 : index
        %get3A_352 = tpu.vector_load %arg16[%get3A_350, %get3A_351] {strides = array<i32>} : memref<80x128xf32, #tpu.memory_space<vmem>>, vector<1x16xf32>,
        %get3A_353 = vector.shape_cast %get3A_352 : vector<1x16xf32> to vector<16xf32>
        %add3A_354 = arith.addf %get3A_349, %get3A_353 : vector<16xf32>
        %swap3A_355 = arith.index_cast %scan3A_263 : i32 to index
        %swap3A_356 = arith.constant 96 : index
        %swap3A_357 = tpu.vector_load %arg10[%swap3A_355, %swap3A_356] {strides = array<i32>} : memref<80x128xf32, #tpu.memory_space<vmem>>, vector<1x16xf32>,
        %swap3A_358 = vector.shape_cast %swap3A_357 : vector<1x16xf32> to vector<16xf32>
        %swap3A_359 = vector.shape_cast %add3A_354 : vector<16xf32> to vector<1x16xf32>
        tpu.vector_store %arg10[%swap3A_355, %swap3A_356], %swap3A_359 {add = true, strides = array<i32>} : memref<80x128xf32, #tpu.memory_space<vmem>>, vector<1x16xf32>,
        %get3A_360 = arith.index_cast %scan3A_263 : i32 to index
        %get3A_361 = arith.constant 112 : index
        %get3A_362 = tpu.vector_load %arg13[%get3A_360, %get3A_361] {strides = array<i32>} : memref<80x128xf32, #tpu.memory_space<vmem>>, vector<1x16xf32>,
        %get3A_363 = vector.shape_cast %get3A_362 : vector<1x16xf32> to vector<16xf32>
        %get3A_364 = arith.index_cast %scan3A_263 : i32 to index
        %get3A_365 = arith.constant 112 : index
        %get3A_366 = tpu.vector_load %arg16[%get3A_364, %get3A_365] {strides = array<i32>} : memref<80x128xf32, #tpu.memory_space<vmem>>, vector<1x16xf32>,
        %get3A_367 = vector.shape_cast %get3A_366 : vector<1x16xf32> to vector<16xf32>
        %add3A_368 = arith.addf %get3A_363, %get3A_367 : vector<16xf32>
        %swap3A_369 = arith.index_cast %scan3A_263 : i32 to index
        %swap3A_370 = arith.constant 112 : index
        %swap3A_371 = tpu.vector_load %arg10[%swap3A_369, %swap3A_370] {strides = array<i32>} : memref<80x128xf32, #tpu.memory_space<vmem>>, vector<1x16xf32>,
        %swap3A_372 = vector.shape_cast %swap3A_371 : vector<1x16xf32> to vector<16xf32>
        %swap3A_373 = vector.shape_cast %add3A_368 : vector<16xf32> to vector<1x16xf32>
        tpu.vector_store %arg10[%swap3A_369, %swap3A_370], %swap3A_373 {add = true, strides = array<i32>} : memref<80x128xf32, #tpu.memory_space<vmem>>, vector<1x16xf32>,
      }
      %scan3A_243 = arith.constant 80 : i32
      %mul3A_244 = arith.constant 10000 : i32
      %mul3A_245 = arith.muli %add3A, %mul3A_244 : i32
      %mul3A_246 = arith.constant 80 : i32
      %mul3A_247 = arith.muli %add3A_219, %mul3A_246 : i32
      %add3A_248 = arith.addi %mul3A_245, %mul3A_247 : i32
      "tpu.region"() ({
        %run_scoped3A = tpu.sem_alloc : memref<!tpu.dma_semaphore, #tpu.memory_space<semaphore_mem>>
        %dma_start3A_263 = arith.constant 0 : i32
        %dma_start3A_264 = tpu.memref_slice %arg7[%add3A_248, %dma_start3A_263] : memref<320000x128xf32, #tpu.memory_space<hbm>> -> memref<80x128xf32, #tpu.memory_space<hbm>>
        %dma_start3A_265 = arith.constant 0 : i32
        %dma_start3A_266 = tpu.memref_slice %arg7[%add3A_248, %dma_start3A_265] : memref<320000x128xf32, #tpu.memory_space<hbm>> -> memref<80x128xf32, #tpu.memory_space<hbm>>
        tpu.enqueue_dma source(%arg10 : memref<80x128xf32, #tpu.memory_space<vmem>>) target(%dma_start3A_266 : memref<80x128xf32, #tpu.memory_space<hbm>>) target_semaphore(%run_scoped3A : memref<!tpu.dma_semaphore, #tpu.memory_space<semaphore_mem>>)
        %dma_wait3A_267 = arith.constant 0 : i32
        %dma_wait3A_268 = tpu.memref_slice %arg7[%add3A_248, %dma_wait3A_267] : memref<320000x128xf32, #tpu.memory_space<hbm>> -> memref<80x128xf32, #tpu.memory_space<hbm>>
        %dma_wait3A_269 = arith.constant 0 : i32
        %dma_wait3A_270 = tpu.memref_slice %arg7[%add3A_248, %dma_wait3A_269] : memref<320000x128xf32, #tpu.memory_space<hbm>> -> memref<80x128xf32, #tpu.memory_space<hbm>>
        tpu.wait_dma2 semaphore(%run_scoped3A : memref<!tpu.dma_semaphore, #tpu.memory_space<semaphore_mem>>) src(%arg10 : memref<80x128xf32, #tpu.memory_space<vmem>>) dst(%dma_wait3A_270 : memref<80x128xf32, #tpu.memory_space<hbm>>)
        tpu.yield
      }) : () -> ()
      %add3A_249 = arith.constant 3 : i32
      %add3A_250 = arith.addi %add3A_219, %add3A_249 : i32
      %lt3A_251 = arith.constant 125 : i32
      %lt3A_252 = arith.cmpi slt, %add3A_250, %lt3A_251 : i32
      %convert_element_type3A_253 = arith.extui %lt3A_252 : i1 to i32
      %cond3A_254 = arith.constant 0 : i32
      %cond3A_255 = arith.cmpi ne, %convert_element_type3A_253, %cond3A_254 : i32
      scf.if %cond3A_255 {
        %add3A_263 = arith.constant 3 : i32
        %add3A_264 = arith.addi %add3A_219, %add3A_263 : i32
        %mul3A_265 = arith.constant 10000 : i32
        %mul3A_266 = arith.muli %add3A, %mul3A_265 : i32
        %mul3A_267 = arith.constant 80 : i32
        %mul3A_268 = arith.muli %add3A_264, %mul3A_267 : i32
        %add3A_269 = arith.addi %mul3A_266, %mul3A_268 : i32
        %dma_start3A_270 = tpu.memref_slice %arg3[%add3A_269] : memref<320000xi32, #tpu.memory_space<hbm>> -> memref<80xi32, #tpu.memory_space<hbm>>
        %dma_start3A_271 = tpu.memref_slice %arg3[%add3A_269] : memref<320000xi32, #tpu.memory_space<hbm>> -> memref<80xi32, #tpu.memory_space<hbm>>
        tpu.enqueue_dma source(%dma_start3A_271 : memref<80xi32, #tpu.memory_space<hbm>>) target(%arg19 : memref<80xi32, #tpu.memory_space<vmem>>) target_semaphore(%arg28 : memref<!tpu.dma_semaphore, #tpu.memory_space<semaphore_mem>>)
        %dma_start3A_272 = tpu.memref_slice %arg4[%add3A_269] : memref<320000xi32, #tpu.memory_space<hbm>> -> memref<80xi32, #tpu.memory_space<hbm>>
        %dma_start3A_273 = tpu.memref_slice %arg4[%add3A_269] : memref<320000xi32, #tpu.memory_space<hbm>> -> memref<80xi32, #tpu.memory_space<hbm>>
        tpu.enqueue_dma source(%dma_start3A_273 : memref<80xi32, #tpu.memory_space<hbm>>) target(%arg22 : memref<80xi32, #tpu.memory_space<vmem>>) target_semaphore(%arg31 : memref<!tpu.dma_semaphore, #tpu.memory_space<semaphore_mem>>)
        %dma_start3A_274 = arith.constant 0 : i32
        %dma_start3A_275 = tpu.memref_slice %arg2[%add3A_269, %dma_start3A_274] : memref<320000x128xf32, #tpu.memory_space<hbm>> -> memref<80x128xf32, #tpu.memory_space<hbm>>
        %dma_start3A_276 = arith.constant 0 : i32
        %dma_start3A_277 = tpu.memref_slice %arg2[%add3A_269, %dma_start3A_276] : memref<320000x128xf32, #tpu.memory_space<hbm>> -> memref<80x128xf32, #tpu.memory_space<hbm>>
        tpu.enqueue_dma source(%dma_start3A_277 : memref<80x128xf32, #tpu.memory_space<hbm>>) target(%arg10 : memref<80x128xf32, #tpu.memory_space<vmem>>) target_semaphore(%arg25 : memref<!tpu.dma_semaphore, #tpu.memory_space<semaphore_mem>>)
      } else {
      }
      %add3A_256 = arith.constant 2 : i32
      %add3A_257 = arith.addi %add3A_219, %add3A_256 : i32
      %lt3A_258 = arith.constant 125 : i32
      %lt3A_259 = arith.cmpi slt, %add3A_257, %lt3A_258 : i32
      %convert_element_type3A_260 = arith.extui %lt3A_259 : i1 to i32
      %cond3A_261 = arith.constant 0 : i32
      %cond3A_262 = arith.cmpi ne, %convert_element_type3A_260, %cond3A_261 : i32
      scf.if %cond3A_262 {
        %dma_wait3A_263 = arith.constant 0 : i32
        %dma_wait3A_264 = tpu.memref_slice %arg3[%dma_wait3A_263] : memref<320000xi32, #tpu.memory_space<hbm>> -> memref<80xi32, #tpu.memory_space<hbm>>
        %dma_wait3A_265 = arith.constant 0 : i32
        %dma_wait3A_266 = tpu.memref_slice %arg3[%dma_wait3A_265] : memref<320000xi32, #tpu.memory_space<hbm>> -> memref<80xi32, #tpu.memory_space<hbm>>
        tpu.wait_dma2 semaphore(%arg27 : memref<!tpu.dma_semaphore, #tpu.memory_space<semaphore_mem>>) src(%dma_wait3A_266 : memref<80xi32, #tpu.memory_space<hbm>>) dst(%arg18 : memref<80xi32, #tpu.memory_space<vmem>>)
        %dma_wait3A_267 = arith.constant 0 : i32
        %dma_wait3A_268 = tpu.memref_slice %arg4[%dma_wait3A_267] : memref<320000xi32, #tpu.memory_space<hbm>> -> memref<80xi32, #tpu.memory_space<hbm>>
        %dma_wait3A_269 = arith.constant 0 : i32
        %dma_wait3A_270 = tpu.memref_slice %arg4[%dma_wait3A_269] : memref<320000xi32, #tpu.memory_space<hbm>> -> memref<80xi32, #tpu.memory_space<hbm>>
        tpu.wait_dma2 semaphore(%arg30 : memref<!tpu.dma_semaphore, #tpu.memory_space<semaphore_mem>>) src(%dma_wait3A_270 : memref<80xi32, #tpu.memory_space<hbm>>) dst(%arg21 : memref<80xi32, #tpu.memory_space<vmem>>)
        %dma_start3A_271 = arith.constant 0 : i32
        %dma_start3A_272 = arith.constant 0 : i32
        %dma_start3A_273 = tpu.memref_slice %arg5[%dma_start3A_271, %dma_start3A_272] : memref<10000x128xf32, #tpu.memory_space<hbm>> -> memref<10000x128xf32, #tpu.memory_space<hbm>>
        tpu.enqueue_indirect_dma source(%dma_start3A_273 : memref<10000x128xf32, #tpu.memory_space<hbm>>) target(%arg12 : memref<80x128xf32, #tpu.memory_space<vmem>>) offsets(%arg18 : memref<80xi32, #tpu.memory_space<vmem>>) semaphore(%arg33 : memref<!tpu.dma_semaphore, #tpu.memory_space<semaphore_mem>>)
        %dma_start3A_274 = arith.constant 0 : i32
        %dma_start3A_275 = arith.constant 0 : i32
        %dma_start3A_276 = tpu.memref_slice %arg6[%dma_start3A_274, %dma_start3A_275] : memref<10000x128xf32, #tpu.memory_space<hbm>> -> memref<10000x128xf32, #tpu.memory_space<hbm>>
        tpu.enqueue_indirect_dma source(%dma_start3A_276 : memref<10000x128xf32, #tpu.memory_space<hbm>>) target(%arg15 : memref<80x128xf32, #tpu.memory_space<vmem>>) offsets(%arg21 : memref<80xi32, #tpu.memory_space<vmem>>) semaphore(%arg36 : memref<!tpu.dma_semaphore, #tpu.memory_space<semaphore_mem>>)
      } else {
      }
    }
    %scan3A_67 = arith.constant 41 : i32
    %dma_wait3A_68 = arith.constant 0 : i32
    %dma_wait3A_69 = arith.constant 0 : i32
    %dma_wait3A_70 = tpu.memref_slice %arg5[%dma_wait3A_68, %dma_wait3A_69] : memref<10000x128xf32, #tpu.memory_space<hbm>> -> memref<80x128xf32, #tpu.memory_space<hbm>>
    %dma_wait3A_71 = arith.constant 0 : i32
    %dma_wait3A_72 = arith.constant 0 : i32
    %dma_wait3A_73 = tpu.memref_slice %arg5[%dma_wait3A_71, %dma_wait3A_72] : memref<10000x128xf32, #tpu.memory_space<hbm>> -> memref<80x128xf32, #tpu.memory_space<hbm>>
    tpu.wait_dma2 semaphore(%arg32 : memref<!tpu.dma_semaphore, #tpu.memory_space<semaphore_mem>>) src(%dma_wait3A_73 : memref<80x128xf32, #tpu.memory_space<hbm>>) dst(%arg11 : memref<80x128xf32, #tpu.memory_space<vmem>>)
    %dma_wait3A_74 = arith.constant 0 : i32
    %dma_wait3A_75 = arith.constant 0 : i32
    %dma_wait3A_76 = tpu.memref_slice %arg6[%dma_wait3A_74, %dma_wait3A_75] : memref<10000x128xf32, #tpu.memory_space<hbm>> -> memref<80x128xf32, #tpu.memory_space<hbm>>
    %dma_wait3A_77 = arith.constant 0 : i32
    %dma_wait3A_78 = arith.constant 0 : i32
    %dma_wait3A_79 = tpu.memref_slice %arg6[%dma_wait3A_77, %dma_wait3A_78] : memref<10000x128xf32, #tpu.memory_space<hbm>> -> memref<80x128xf32, #tpu.memory_space<hbm>>
    tpu.wait_dma2 semaphore(%arg35 : memref<!tpu.dma_semaphore, #tpu.memory_space<semaphore_mem>>) src(%dma_wait3A_79 : memref<80x128xf32, #tpu.memory_space<hbm>>) dst(%arg14 : memref<80x128xf32, #tpu.memory_space<vmem>>)
    %dma_wait3A_80 = arith.constant 0 : i32
    %dma_wait3A_81 = arith.constant 0 : i32
    %dma_wait3A_82 = tpu.memref_slice %arg2[%dma_wait3A_80, %dma_wait3A_81] : memref<320000x128xf32, #tpu.memory_space<hbm>> -> memref<80x128xf32, #tpu.memory_space<hbm>>
    %dma_wait3A_83 = arith.constant 0 : i32
    %dma_wait3A_84 = arith.constant 0 : i32
    %dma_wait3A_85 = tpu.memref_slice %arg2[%dma_wait3A_83, %dma_wait3A_84] : memref<320000x128xf32, #tpu.memory_space<hbm>> -> memref<80x128xf32, #tpu.memory_space<hbm>>
    tpu.wait_dma2 semaphore(%arg23 : memref<!tpu.dma_semaphore, #tpu.memory_space<semaphore_mem>>) src(%dma_wait3A_85 : memref<80x128xf32, #tpu.memory_space<hbm>>) dst(%arg8 : memref<80x128xf32, #tpu.memory_space<vmem>>)
    %scan3A_86 = arith.constant 0 : i32
    %scan3A_87 = arith.constant 0 : i32
    %scan3A_88 = arith.constant 80 : i32
    %scan3A_89 = arith.addi %scan3A_87, %scan3A_88 : i32
    %scan3A_90 = arith.constant 1 : i32
    scf.for %scan3A_124 = %scan3A_87 to %scan3A_89 step %scan3A_90  : i32 {
      %get3A = arith.index_cast %scan3A_124 : i32 to index
      %get3A_125 = arith.constant 0 : index
      %get3A_126 = tpu.vector_load %arg11[%get3A, %get3A_125] {strides = array<i32>} : memref<80x128xf32, #tpu.memory_space<vmem>>, vector<1x16xf32>,
      %get3A_127 = vector.shape_cast %get3A_126 : vector<1x16xf32> to vector<16xf32>
      %get3A_128 = arith.index_cast %scan3A_124 : i32 to index
      %get3A_129 = arith.constant 0 : index
      %get3A_130 = tpu.vector_load %arg14[%get3A_128, %get3A_129] {strides = array<i32>} : memref<80x128xf32, #tpu.memory_space<vmem>>, vector<1x16xf32>,
      %get3A_131 = vector.shape_cast %get3A_130 : vector<1x16xf32> to vector<16xf32>
      %add3A_132 = arith.addf %get3A_127, %get3A_131 : vector<16xf32>
      %swap3A = arith.index_cast %scan3A_124 : i32 to index
      %swap3A_133 = arith.constant 0 : index
      %swap3A_134 = tpu.vector_load %arg8[%swap3A, %swap3A_133] {strides = array<i32>} : memref<80x128xf32, #tpu.memory_space<vmem>>, vector<1x16xf32>,
      %swap3A_135 = vector.shape_cast %swap3A_134 : vector<1x16xf32> to vector<16xf32>
      %swap3A_136 = vector.shape_cast %add3A_132 : vector<16xf32> to vector<1x16xf32>
      tpu.vector_store %arg8[%swap3A, %swap3A_133], %swap3A_136 {add = true, strides = array<i32>} : memref<80x128xf32, #tpu.memory_space<vmem>>, vector<1x16xf32>,
      %get3A_137 = arith.index_cast %scan3A_124 : i32 to index
      %get3A_138 = arith.constant 16 : index
      %get3A_139 = tpu.vector_load %arg11[%get3A_137, %get3A_138] {strides = array<i32>} : memref<80x128xf32, #tpu.memory_space<vmem>>, vector<1x16xf32>,
      %get3A_140 = vector.shape_cast %get3A_139 : vector<1x16xf32> to vector<16xf32>
      %get3A_141 = arith.index_cast %scan3A_124 : i32 to index
      %get3A_142 = arith.constant 16 : index
      %get3A_143 = tpu.vector_load %arg14[%get3A_141, %get3A_142] {strides = array<i32>} : memref<80x128xf32, #tpu.memory_space<vmem>>, vector<1x16xf32>,
      %get3A_144 = vector.shape_cast %get3A_143 : vector<1x16xf32> to vector<16xf32>
      %add3A_145 = arith.addf %get3A_140, %get3A_144 : vector<16xf32>
      %swap3A_146 = arith.index_cast %scan3A_124 : i32 to index
      %swap3A_147 = arith.constant 16 : index
      %swap3A_148 = tpu.vector_load %arg8[%swap3A_146, %swap3A_147] {strides = array<i32>} : memref<80x128xf32, #tpu.memory_space<vmem>>, vector<1x16xf32>,
      %swap3A_149 = vector.shape_cast %swap3A_148 : vector<1x16xf32> to vector<16xf32>
      %swap3A_150 = vector.shape_cast %add3A_145 : vector<16xf32> to vector<1x16xf32>
      tpu.vector_store %arg8[%swap3A_146, %swap3A_147], %swap3A_150 {add = true, strides = array<i32>} : memref<80x128xf32, #tpu.memory_space<vmem>>, vector<1x16xf32>,
      %get3A_151 = arith.index_cast %scan3A_124 : i32 to index
      %get3A_152 = arith.constant 32 : index
      %get3A_153 = tpu.vector_load %arg11[%get3A_151, %get3A_152] {strides = array<i32>} : memref<80x128xf32, #tpu.memory_space<vmem>>, vector<1x16xf32>,
      %get3A_154 = vector.shape_cast %get3A_153 : vector<1x16xf32> to vector<16xf32>
      %get3A_155 = arith.index_cast %scan3A_124 : i32 to index
      %get3A_156 = arith.constant 32 : index
      %get3A_157 = tpu.vector_load %arg14[%get3A_155, %get3A_156] {strides = array<i32>} : memref<80x128xf32, #tpu.memory_space<vmem>>, vector<1x16xf32>,
      %get3A_158 = vector.shape_cast %get3A_157 : vector<1x16xf32> to vector<16xf32>
      %add3A_159 = arith.addf %get3A_154, %get3A_158 : vector<16xf32>
      %swap3A_160 = arith.index_cast %scan3A_124 : i32 to index
      %swap3A_161 = arith.constant 32 : index
      %swap3A_162 = tpu.vector_load %arg8[%swap3A_160, %swap3A_161] {strides = array<i32>} : memref<80x128xf32, #tpu.memory_space<vmem>>, vector<1x16xf32>,
      %swap3A_163 = vector.shape_cast %swap3A_162 : vector<1x16xf32> to vector<16xf32>
      %swap3A_164 = vector.shape_cast %add3A_159 : vector<16xf32> to vector<1x16xf32>
      tpu.vector_store %arg8[%swap3A_160, %swap3A_161], %swap3A_164 {add = true, strides = array<i32>} : memref<80x128xf32, #tpu.memory_space<vmem>>, vector<1x16xf32>,
      %get3A_165 = arith.index_cast %scan3A_124 : i32 to index
      %get3A_166 = arith.constant 48 : index
      %get3A_167 = tpu.vector_load %arg11[%get3A_165, %get3A_166] {strides = array<i32>} : memref<80x128xf32, #tpu.memory_space<vmem>>, vector<1x16xf32>,
      %get3A_168 = vector.shape_cast %get3A_167 : vector<1x16xf32> to vector<16xf32>
      %get3A_169 = arith.index_cast %scan3A_124 : i32 to index
      %get3A_170 = arith.constant 48 : index
      %get3A_171 = tpu.vector_load %arg14[%get3A_169, %get3A_170] {strides = array<i32>} : memref<80x128xf32, #tpu.memory_space<vmem>>, vector<1x16xf32>,
      %get3A_172 = vector.shape_cast %get3A_171 : vector<1x16xf32> to vector<16xf32>
      %add3A_173 = arith.addf %get3A_168, %get3A_172 : vector<16xf32>
      %swap3A_174 = arith.index_cast %scan3A_124 : i32 to index
      %swap3A_175 = arith.constant 48 : index
      %swap3A_176 = tpu.vector_load %arg8[%swap3A_174, %swap3A_175] {strides = array<i32>} : memref<80x128xf32, #tpu.memory_space<vmem>>, vector<1x16xf32>,
      %swap3A_177 = vector.shape_cast %swap3A_176 : vector<1x16xf32> to vector<16xf32>
      %swap3A_178 = vector.shape_cast %add3A_173 : vector<16xf32> to vector<1x16xf32>
      tpu.vector_store %arg8[%swap3A_174, %swap3A_175], %swap3A_178 {add = true, strides = array<i32>} : memref<80x128xf32, #tpu.memory_space<vmem>>, vector<1x16xf32>,
      %get3A_179 = arith.index_cast %scan3A_124 : i32 to index
      %get3A_180 = arith.constant 64 : index
      %get3A_181 = tpu.vector_load %arg11[%get3A_179, %get3A_180] {strides = array<i32>} : memref<80x128xf32, #tpu.memory_space<vmem>>, vector<1x16xf32>,
      %get3A_182 = vector.shape_cast %get3A_181 : vector<1x16xf32> to vector<16xf32>
      %get3A_183 = arith.index_cast %scan3A_124 : i32 to index
      %get3A_184 = arith.constant 64 : index
      %get3A_185 = tpu.vector_load %arg14[%get3A_183, %get3A_184] {strides = array<i32>} : memref<80x128xf32, #tpu.memory_space<vmem>>, vector<1x16xf32>,
      %get3A_186 = vector.shape_cast %get3A_185 : vector<1x16xf32> to vector<16xf32>
      %add3A_187 = arith.addf %get3A_182, %get3A_186 : vector<16xf32>
      %swap3A_188 = arith.index_cast %scan3A_124 : i32 to index
      %swap3A_189 = arith.constant 64 : index
      %swap3A_190 = tpu.vector_load %arg8[%swap3A_188, %swap3A_189] {strides = array<i32>} : memref<80x128xf32, #tpu.memory_space<vmem>>, vector<1x16xf32>,
      %swap3A_191 = vector.shape_cast %swap3A_190 : vector<1x16xf32> to vector<16xf32>
      %swap3A_192 = vector.shape_cast %add3A_187 : vector<16xf32> to vector<1x16xf32>
      tpu.vector_store %arg8[%swap3A_188, %swap3A_189], %swap3A_192 {add = true, strides = array<i32>} : memref<80x128xf32, #tpu.memory_space<vmem>>, vector<1x16xf32>,
      %get3A_193 = arith.index_cast %scan3A_124 : i32 to index
      %get3A_194 = arith.constant 80 : index
      %get3A_195 = tpu.vector_load %arg11[%get3A_193, %get3A_194] {strides = array<i32>} : memref<80x128xf32, #tpu.memory_space<vmem>>, vector<1x16xf32>,
      %get3A_196 = vector.shape_cast %get3A_195 : vector<1x16xf32> to vector<16xf32>
      %get3A_197 = arith.index_cast %scan3A_124 : i32 to index
      %get3A_198 = arith.constant 80 : index
      %get3A_199 = tpu.vector_load %arg14[%get3A_197, %get3A_198] {strides = array<i32>} : memref<80x128xf32, #tpu.memory_space<vmem>>, vector<1x16xf32>,
      %get3A_200 = vector.shape_cast %get3A_199 : vector<1x16xf32> to vector<16xf32>
      %add3A_201 = arith.addf %get3A_196, %get3A_200 : vector<16xf32>
      %swap3A_202 = arith.index_cast %scan3A_124 : i32 to index
      %swap3A_203 = arith.constant 80 : index
      %swap3A_204 = tpu.vector_load %arg8[%swap3A_202, %swap3A_203] {strides = array<i32>} : memref<80x128xf32, #tpu.memory_space<vmem>>, vector<1x16xf32>,
      %swap3A_205 = vector.shape_cast %swap3A_204 : vector<1x16xf32> to vector<16xf32>
      %swap3A_206 = vector.shape_cast %add3A_201 : vector<16xf32> to vector<1x16xf32>
      tpu.vector_store %arg8[%swap3A_202, %swap3A_203], %swap3A_206 {add = true, strides = array<i32>} : memref<80x128xf32, #tpu.memory_space<vmem>>, vector<1x16xf32>,
      %get3A_207 = arith.index_cast %scan3A_124 : i32 to index
      %get3A_208 = arith.constant 96 : index
      %get3A_209 = tpu.vector_load %arg11[%get3A_207, %get3A_208] {strides = array<i32>} : memref<80x128xf32, #tpu.memory_space<vmem>>, vector<1x16xf32>,
      %get3A_210 = vector.shape_cast %get3A_209 : vector<1x16xf32> to vector<16xf32>
      %get3A_211 = arith.index_cast %scan3A_124 : i32 to index
      %get3A_212 = arith.constant 96 : index
      %get3A_213 = tpu.vector_load %arg14[%get3A_211, %get3A_212] {strides = array<i32>} : memref<80x128xf32, #tpu.memory_space<vmem>>, vector<1x16xf32>,
      %get3A_214 = vector.shape_cast %get3A_213 : vector<1x16xf32> to vector<16xf32>
      %add3A_215 = arith.addf %get3A_210, %get3A_214 : vector<16xf32>
      %swap3A_216 = arith.index_cast %scan3A_124 : i32 to index
      %swap3A_217 = arith.constant 96 : index
      %swap3A_218 = tpu.vector_load %arg8[%swap3A_216, %swap3A_217] {strides = array<i32>} : memref<80x128xf32, #tpu.memory_space<vmem>>, vector<1x16xf32>,
      %swap3A_219 = vector.shape_cast %swap3A_218 : vector<1x16xf32> to vector<16xf32>
      %swap3A_220 = vector.shape_cast %add3A_215 : vector<16xf32> to vector<1x16xf32>
      tpu.vector_store %arg8[%swap3A_216, %swap3A_217], %swap3A_220 {add = true, strides = array<i32>} : memref<80x128xf32, #tpu.memory_space<vmem>>, vector<1x16xf32>,
      %get3A_221 = arith.index_cast %scan3A_124 : i32 to index
      %get3A_222 = arith.constant 112 : index
      %get3A_223 = tpu.vector_load %arg11[%get3A_221, %get3A_222] {strides = array<i32>} : memref<80x128xf32, #tpu.memory_space<vmem>>, vector<1x16xf32>,
      %get3A_224 = vector.shape_cast %get3A_223 : vector<1x16xf32> to vector<16xf32>
      %get3A_225 = arith.index_cast %scan3A_124 : i32 to index
      %get3A_226 = arith.constant 112 : index
      %get3A_227 = tpu.vector_load %arg14[%get3A_225, %get3A_226] {strides = array<i32>} : memref<80x128xf32, #tpu.memory_space<vmem>>, vector<1x16xf32>,
      %get3A_228 = vector.shape_cast %get3A_227 : vector<1x16xf32> to vector<16xf32>
      %add3A_229 = arith.addf %get3A_224, %get3A_228 : vector<16xf32>
      %swap3A_230 = arith.index_cast %scan3A_124 : i32 to index
      %swap3A_231 = arith.constant 112 : index
      %swap3A_232 = tpu.vector_load %arg8[%swap3A_230, %swap3A_231] {strides = array<i32>} : memref<80x128xf32, #tpu.memory_space<vmem>>, vector<1x16xf32>,
      %swap3A_233 = vector.shape_cast %swap3A_232 : vector<1x16xf32> to vector<16xf32>
      %swap3A_234 = vector.shape_cast %add3A_229 : vector<16xf32> to vector<1x16xf32>
      tpu.vector_store %arg8[%swap3A_230, %swap3A_231], %swap3A_234 {add = true, strides = array<i32>} : memref<80x128xf32, #tpu.memory_space<vmem>>, vector<1x16xf32>,
    }
    %scan3A_91 = arith.constant 80 : i32
    %mul3A_92 = arith.constant 10000 : i32
    %mul3A_93 = arith.muli %add3A, %mul3A_92 : i32
    %add3A_94 = arith.constant 9840 : i32
    %add3A_95 = arith.addi %mul3A_93, %add3A_94 : i32
    "tpu.region"() ({
      %run_scoped3A = tpu.sem_alloc : memref<!tpu.dma_semaphore, #tpu.memory_space<semaphore_mem>>
      %dma_start3A_124 = arith.constant 0 : i32
      %dma_start3A_125 = tpu.memref_slice %arg7[%add3A_95, %dma_start3A_124] : memref<320000x128xf32, #tpu.memory_space<hbm>> -> memref<80x128xf32, #tpu.memory_space<hbm>>
      %dma_start3A_126 = arith.constant 0 : i32
      %dma_start3A_127 = tpu.memref_slice %arg7[%add3A_95, %dma_start3A_126] : memref<320000x128xf32, #tpu.memory_space<hbm>> -> memref<80x128xf32, #tpu.memory_space<hbm>>
      tpu.enqueue_dma source(%arg8 : memref<80x128xf32, #tpu.memory_space<vmem>>) target(%dma_start3A_127 : memref<80x128xf32, #tpu.memory_space<hbm>>) target_semaphore(%run_scoped3A : memref<!tpu.dma_semaphore, #tpu.memory_space<semaphore_mem>>)
      %dma_wait3A_128 = arith.constant 0 : i32
      %dma_wait3A_129 = tpu.memref_slice %arg7[%add3A_95, %dma_wait3A_128] : memref<320000x128xf32, #tpu.memory_space<hbm>> -> memref<80x128xf32, #tpu.memory_space<hbm>>
      %dma_wait3A_130 = arith.constant 0 : i32
      %dma_wait3A_131 = tpu.memref_slice %arg7[%add3A_95, %dma_wait3A_130] : memref<320000x128xf32, #tpu.memory_space<hbm>> -> memref<80x128xf32, #tpu.memory_space<hbm>>
      tpu.wait_dma2 semaphore(%run_scoped3A : memref<!tpu.dma_semaphore, #tpu.memory_space<semaphore_mem>>) src(%arg8 : memref<80x128xf32, #tpu.memory_space<vmem>>) dst(%dma_wait3A_131 : memref<80x128xf32, #tpu.memory_space<hbm>>)
      tpu.yield
    }) : () -> ()
    %dma_wait3A_96 = arith.constant 0 : i32
    %dma_wait3A_97 = arith.constant 0 : i32
    %dma_wait3A_98 = tpu.memref_slice %arg5[%dma_wait3A_96, %dma_wait3A_97] : memref<10000x128xf32, #tpu.memory_space<hbm>> -> memref<80x128xf32, #tpu.memory_space<hbm>>
    %dma_wait3A_99 = arith.constant 0 : i32
    %dma_wait3A_100 = arith.constant 0 : i32
    %dma_wait3A_101 = tpu.memref_slice %arg5[%dma_wait3A_99, %dma_wait3A_100] : memref<10000x128xf32, #tpu.memory_space<hbm>> -> memref<80x128xf32, #tpu.memory_space<hbm>>
    tpu.wait_dma2 semaphore(%arg33 : memref<!tpu.dma_semaphore, #tpu.memory_space<semaphore_mem>>) src(%dma_wait3A_101 : memref<80x128xf32, #tpu.memory_space<hbm>>) dst(%arg12 : memref<80x128xf32, #tpu.memory_space<vmem>>)
    %dma_wait3A_102 = arith.constant 0 : i32
    %dma_wait3A_103 = arith.constant 0 : i32
    %dma_wait3A_104 = tpu.memref_slice %arg6[%dma_wait3A_102, %dma_wait3A_103] : memref<10000x128xf32, #tpu.memory_space<hbm>> -> memref<80x128xf32, #tpu.memory_space<hbm>>
    %dma_wait3A_105 = arith.constant 0 : i32
    %dma_wait3A_106 = arith.constant 0 : i32
    %dma_wait3A_107 = tpu.memref_slice %arg6[%dma_wait3A_105, %dma_wait3A_106] : memref<10000x128xf32, #tpu.memory_space<hbm>> -> memref<80x128xf32, #tpu.memory_space<hbm>>
    tpu.wait_dma2 semaphore(%arg36 : memref<!tpu.dma_semaphore, #tpu.memory_space<semaphore_mem>>) src(%dma_wait3A_107 : memref<80x128xf32, #tpu.memory_space<hbm>>) dst(%arg15 : memref<80x128xf32, #tpu.memory_space<vmem>>)
    %dma_wait3A_108 = arith.constant 0 : i32
    %dma_wait3A_109 = arith.constant 0 : i32
    %dma_wait3A_110 = tpu.memref_slice %arg2[%dma_wait3A_108, %dma_wait3A_109] : memref<320000x128xf32, #tpu.memory_space<hbm>> -> memref<80x128xf32, #tpu.memory_space<hbm>>
    %dma_wait3A_111 = arith.constant 0 : i32
    %dma_wait3A_112 = arith.constant 0 : i32
    %dma_wait3A_113 = tpu.memref_slice %arg2[%dma_wait3A_111, %dma_wait3A_112] : memref<320000x128xf32, #tpu.memory_space<hbm>> -> memref<80x128xf32, #tpu.memory_space<hbm>>
    tpu.wait_dma2 semaphore(%arg24 : memref<!tpu.dma_semaphore, #tpu.memory_space<semaphore_mem>>) src(%dma_wait3A_113 : memref<80x128xf32, #tpu.memory_space<hbm>>) dst(%arg9 : memref<80x128xf32, #tpu.memory_space<vmem>>)
    %scan3A_114 = arith.constant 0 : i32
    %scan3A_115 = arith.constant 0 : i32
    %scan3A_116 = arith.constant 80 : i32
    %scan3A_117 = arith.addi %scan3A_115, %scan3A_116 : i32
    %scan3A_118 = arith.constant 1 : i32
    scf.for %scan3A_124 = %scan3A_115 to %scan3A_117 step %scan3A_118  : i32 {
      %get3A = arith.index_cast %scan3A_124 : i32 to index
      %get3A_125 = arith.constant 0 : index
      %get3A_126 = tpu.vector_load %arg12[%get3A, %get3A_125] {strides = array<i32>} : memref<80x128xf32, #tpu.memory_space<vmem>>, vector<1x16xf32>,
      %get3A_127 = vector.shape_cast %get3A_126 : vector<1x16xf32> to vector<16xf32>
      %get3A_128 = arith.index_cast %scan3A_124 : i32 to index
      %get3A_129 = arith.constant 0 : index
      %get3A_130 = tpu.vector_load %arg15[%get3A_128, %get3A_129] {strides = array<i32>} : memref<80x128xf32, #tpu.memory_space<vmem>>, vector<1x16xf32>,
      %get3A_131 = vector.shape_cast %get3A_130 : vector<1x16xf32> to vector<16xf32>
      %add3A_132 = arith.addf %get3A_127, %get3A_131 : vector<16xf32>
      %swap3A = arith.index_cast %scan3A_124 : i32 to index
      %swap3A_133 = arith.constant 0 : index
      %swap3A_134 = tpu.vector_load %arg9[%swap3A, %swap3A_133] {strides = array<i32>} : memref<80x128xf32, #tpu.memory_space<vmem>>, vector<1x16xf32>,
      %swap3A_135 = vector.shape_cast %swap3A_134 : vector<1x16xf32> to vector<16xf32>
      %swap3A_136 = vector.shape_cast %add3A_132 : vector<16xf32> to vector<1x16xf32>
      tpu.vector_store %arg9[%swap3A, %swap3A_133], %swap3A_136 {add = true, strides = array<i32>} : memref<80x128xf32, #tpu.memory_space<vmem>>, vector<1x16xf32>,
      %get3A_137 = arith.index_cast %scan3A_124 : i32 to index
      %get3A_138 = arith.constant 16 : index
      %get3A_139 = tpu.vector_load %arg12[%get3A_137, %get3A_138] {strides = array<i32>} : memref<80x128xf32, #tpu.memory_space<vmem>>, vector<1x16xf32>,
      %get3A_140 = vector.shape_cast %get3A_139 : vector<1x16xf32> to vector<16xf32>
      %get3A_141 = arith.index_cast %scan3A_124 : i32 to index
      %get3A_142 = arith.constant 16 : index
      %get3A_143 = tpu.vector_load %arg15[%get3A_141, %get3A_142] {strides = array<i32>} : memref<80x128xf32, #tpu.memory_space<vmem>>, vector<1x16xf32>,
      %get3A_144 = vector.shape_cast %get3A_143 : vector<1x16xf32> to vector<16xf32>
      %add3A_145 = arith.addf %get3A_140, %get3A_144 : vector<16xf32>
      %swap3A_146 = arith.index_cast %scan3A_124 : i32 to index
      %swap3A_147 = arith.constant 16 : index
      %swap3A_148 = tpu.vector_load %arg9[%swap3A_146, %swap3A_147] {strides = array<i32>} : memref<80x128xf32, #tpu.memory_space<vmem>>, vector<1x16xf32>,
      %swap3A_149 = vector.shape_cast %swap3A_148 : vector<1x16xf32> to vector<16xf32>
      %swap3A_150 = vector.shape_cast %add3A_145 : vector<16xf32> to vector<1x16xf32>
      tpu.vector_store %arg9[%swap3A_146, %swap3A_147], %swap3A_150 {add = true, strides = array<i32>} : memref<80x128xf32, #tpu.memory_space<vmem>>, vector<1x16xf32>,
      %get3A_151 = arith.index_cast %scan3A_124 : i32 to index
      %get3A_152 = arith.constant 32 : index
      %get3A_153 = tpu.vector_load %arg12[%get3A_151, %get3A_152] {strides = array<i32>} : memref<80x128xf32, #tpu.memory_space<vmem>>, vector<1x16xf32>,
      %get3A_154 = vector.shape_cast %get3A_153 : vector<1x16xf32> to vector<16xf32>
      %get3A_155 = arith.index_cast %scan3A_124 : i32 to index
      %get3A_156 = arith.constant 32 : index
      %get3A_157 = tpu.vector_load %arg15[%get3A_155, %get3A_156] {strides = array<i32>} : memref<80x128xf32, #tpu.memory_space<vmem>>, vector<1x16xf32>,
      %get3A_158 = vector.shape_cast %get3A_157 : vector<1x16xf32> to vector<16xf32>
      %add3A_159 = arith.addf %get3A_154, %get3A_158 : vector<16xf32>
      %swap3A_160 = arith.index_cast %scan3A_124 : i32 to index
      %swap3A_161 = arith.constant 32 : index
      %swap3A_162 = tpu.vector_load %arg9[%swap3A_160, %swap3A_161] {strides = array<i32>} : memref<80x128xf32, #tpu.memory_space<vmem>>, vector<1x16xf32>,
      %swap3A_163 = vector.shape_cast %swap3A_162 : vector<1x16xf32> to vector<16xf32>
      %swap3A_164 = vector.shape_cast %add3A_159 : vector<16xf32> to vector<1x16xf32>
      tpu.vector_store %arg9[%swap3A_160, %swap3A_161], %swap3A_164 {add = true, strides = array<i32>} : memref<80x128xf32, #tpu.memory_space<vmem>>, vector<1x16xf32>,
      %get3A_165 = arith.index_cast %scan3A_124 : i32 to index
      %get3A_166 = arith.constant 48 : index
      %get3A_167 = tpu.vector_load %arg12[%get3A_165, %get3A_166] {strides = array<i32>} : memref<80x128xf32, #tpu.memory_space<vmem>>, vector<1x16xf32>,
      %get3A_168 = vector.shape_cast %get3A_167 : vector<1x16xf32> to vector<16xf32>
      %get3A_169 = arith.index_cast %scan3A_124 : i32 to index
      %get3A_170 = arith.constant 48 : index
      %get3A_171 = tpu.vector_load %arg15[%get3A_169, %get3A_170] {strides = array<i32>} : memref<80x128xf32, #tpu.memory_space<vmem>>, vector<1x16xf32>,
      %get3A_172 = vector.shape_cast %get3A_171 : vector<1x16xf32> to vector<16xf32>
      %add3A_173 = arith.addf %get3A_168, %get3A_172 : vector<16xf32>
      %swap3A_174 = arith.index_cast %scan3A_124 : i32 to index
      %swap3A_175 = arith.constant 48 : index
      %swap3A_176 = tpu.vector_load %arg9[%swap3A_174, %swap3A_175] {strides = array<i32>} : memref<80x128xf32, #tpu.memory_space<vmem>>, vector<1x16xf32>,
      %swap3A_177 = vector.shape_cast %swap3A_176 : vector<1x16xf32> to vector<16xf32>
      %swap3A_178 = vector.shape_cast %add3A_173 : vector<16xf32> to vector<1x16xf32>
      tpu.vector_store %arg9[%swap3A_174, %swap3A_175], %swap3A_178 {add = true, strides = array<i32>} : memref<80x128xf32, #tpu.memory_space<vmem>>, vector<1x16xf32>,
      %get3A_179 = arith.index_cast %scan3A_124 : i32 to index
      %get3A_180 = arith.constant 64 : index
      %get3A_181 = tpu.vector_load %arg12[%get3A_179, %get3A_180] {strides = array<i32>} : memref<80x128xf32, #tpu.memory_space<vmem>>, vector<1x16xf32>,
      %get3A_182 = vector.shape_cast %get3A_181 : vector<1x16xf32> to vector<16xf32>
      %get3A_183 = arith.index_cast %scan3A_124 : i32 to index
      %get3A_184 = arith.constant 64 : index
      %get3A_185 = tpu.vector_load %arg15[%get3A_183, %get3A_184] {strides = array<i32>} : memref<80x128xf32, #tpu.memory_space<vmem>>, vector<1x16xf32>,
      %get3A_186 = vector.shape_cast %get3A_185 : vector<1x16xf32> to vector<16xf32>
      %add3A_187 = arith.addf %get3A_182, %get3A_186 : vector<16xf32>
      %swap3A_188 = arith.index_cast %scan3A_124 : i32 to index
      %swap3A_189 = arith.constant 64 : index
      %swap3A_190 = tpu.vector_load %arg9[%swap3A_188, %swap3A_189] {strides = array<i32>} : memref<80x128xf32, #tpu.memory_space<vmem>>, vector<1x16xf32>,
      %swap3A_191 = vector.shape_cast %swap3A_190 : vector<1x16xf32> to vector<16xf32>
      %swap3A_192 = vector.shape_cast %add3A_187 : vector<16xf32> to vector<1x16xf32>
      tpu.vector_store %arg9[%swap3A_188, %swap3A_189], %swap3A_192 {add = true, strides = array<i32>} : memref<80x128xf32, #tpu.memory_space<vmem>>, vector<1x16xf32>,
      %get3A_193 = arith.index_cast %scan3A_124 : i32 to index
      %get3A_194 = arith.constant 80 : index
      %get3A_195 = tpu.vector_load %arg12[%get3A_193, %get3A_194] {strides = array<i32>} : memref<80x128xf32, #tpu.memory_space<vmem>>, vector<1x16xf32>,
      %get3A_196 = vector.shape_cast %get3A_195 : vector<1x16xf32> to vector<16xf32>
      %get3A_197 = arith.index_cast %scan3A_124 : i32 to index
      %get3A_198 = arith.constant 80 : index
      %get3A_199 = tpu.vector_load %arg15[%get3A_197, %get3A_198] {strides = array<i32>} : memref<80x128xf32, #tpu.memory_space<vmem>>, vector<1x16xf32>,
      %get3A_200 = vector.shape_cast %get3A_199 : vector<1x16xf32> to vector<16xf32>
      %add3A_201 = arith.addf %get3A_196, %get3A_200 : vector<16xf32>
      %swap3A_202 = arith.index_cast %scan3A_124 : i32 to index
      %swap3A_203 = arith.constant 80 : index
      %swap3A_204 = tpu.vector_load %arg9[%swap3A_202, %swap3A_203] {strides = array<i32>} : memref<80x128xf32, #tpu.memory_space<vmem>>, vector<1x16xf32>,
      %swap3A_205 = vector.shape_cast %swap3A_204 : vector<1x16xf32> to vector<16xf32>
      %swap3A_206 = vector.shape_cast %add3A_201 : vector<16xf32> to vector<1x16xf32>
      tpu.vector_store %arg9[%swap3A_202, %swap3A_203], %swap3A_206 {add = true, strides = array<i32>} : memref<80x128xf32, #tpu.memory_space<vmem>>, vector<1x16xf32>,
      %get3A_207 = arith.index_cast %scan3A_124 : i32 to index
      %get3A_208 = arith.constant 96 : index
      %get3A_209 = tpu.vector_load %arg12[%get3A_207, %get3A_208] {strides = array<i32>} : memref<80x128xf32, #tpu.memory_space<vmem>>, vector<1x16xf32>,
      %get3A_210 = vector.shape_cast %get3A_209 : vector<1x16xf32> to vector<16xf32>
      %get3A_211 = arith.index_cast %scan3A_124 : i32 to index
      %get3A_212 = arith.constant 96 : index
      %get3A_213 = tpu.vector_load %arg15[%get3A_211, %get3A_212] {strides = array<i32>} : memref<80x128xf32, #tpu.memory_space<vmem>>, vector<1x16xf32>,
      %get3A_214 = vector.shape_cast %get3A_213 : vector<1x16xf32> to vector<16xf32>
      %add3A_215 = arith.addf %get3A_210, %get3A_214 : vector<16xf32>
      %swap3A_216 = arith.index_cast %scan3A_124 : i32 to index
      %swap3A_217 = arith.constant 96 : index
      %swap3A_218 = tpu.vector_load %arg9[%swap3A_216, %swap3A_217] {strides = array<i32>} : memref<80x128xf32, #tpu.memory_space<vmem>>, vector<1x16xf32>,
      %swap3A_219 = vector.shape_cast %swap3A_218 : vector<1x16xf32> to vector<16xf32>
      %swap3A_220 = vector.shape_cast %add3A_215 : vector<16xf32> to vector<1x16xf32>
      tpu.vector_store %arg9[%swap3A_216, %swap3A_217], %swap3A_220 {add = true, strides = array<i32>} : memref<80x128xf32, #tpu.memory_space<vmem>>, vector<1x16xf32>,
      %get3A_221 = arith.index_cast %scan3A_124 : i32 to index
      %get3A_222 = arith.constant 112 : index
      %get3A_223 = tpu.vector_load %arg12[%get3A_221, %get3A_222] {strides = array<i32>} : memref<80x128xf32, #tpu.memory_space<vmem>>, vector<1x16xf32>,
      %get3A_224 = vector.shape_cast %get3A_223 : vector<1x16xf32> to vector<16xf32>
      %get3A_225 = arith.index_cast %scan3A_124 : i32 to index
      %get3A_226 = arith.constant 112 : index
      %get3A_227 = tpu.vector_load %arg15[%get3A_225, %get3A_226] {strides = array<i32>} : memref<80x128xf32, #tpu.memory_space<vmem>>, vector<1x16xf32>,
      %get3A_228 = vector.shape_cast %get3A_227 : vector<1x16xf32> to vector<16xf32>
      %add3A_229 = arith.addf %get3A_224, %get3A_228 : vector<16xf32>
      %swap3A_230 = arith.index_cast %scan3A_124 : i32 to index
      %swap3A_231 = arith.constant 112 : index
      %swap3A_232 = tpu.vector_load %arg9[%swap3A_230, %swap3A_231] {strides = array<i32>} : memref<80x128xf32, #tpu.memory_space<vmem>>, vector<1x16xf32>,
      %swap3A_233 = vector.shape_cast %swap3A_232 : vector<1x16xf32> to vector<16xf32>
      %swap3A_234 = vector.shape_cast %add3A_229 : vector<16xf32> to vector<1x16xf32>
      tpu.vector_store %arg9[%swap3A_230, %swap3A_231], %swap3A_234 {add = true, strides = array<i32>} : memref<80x128xf32, #tpu.memory_space<vmem>>, vector<1x16xf32>,
    }
    %scan3A_119 = arith.constant 80 : i32
    %mul3A_120 = arith.constant 10000 : i32
    %mul3A_121 = arith.muli %add3A, %mul3A_120 : i32
    %add3A_122 = arith.constant 9920 : i32
    %add3A_123 = arith.addi %mul3A_121, %add3A_122 : i32
    "tpu.region"() ({
      %run_scoped3A = tpu.sem_alloc : memref<!tpu.dma_semaphore, #tpu.memory_space<semaphore_mem>>
      %dma_start3A_124 = arith.constant 0 : i32
      %dma_start3A_125 = tpu.memref_slice %arg7[%add3A_123, %dma_start3A_124] : memref<320000x128xf32, #tpu.memory_space<hbm>> -> memref<80x128xf32, #tpu.memory_space<hbm>>
      %dma_start3A_126 = arith.constant 0 : i32
      %dma_start3A_127 = tpu.memref_slice %arg7[%add3A_123, %dma_start3A_126] : memref<320000x128xf32, #tpu.memory_space<hbm>> -> memref<80x128xf32, #tpu.memory_space<hbm>>
      tpu.enqueue_dma source(%arg9 : memref<80x128xf32, #tpu.memory_space<vmem>>) target(%dma_start3A_127 : memref<80x128xf32, #tpu.memory_space<hbm>>) target_semaphore(%run_scoped3A : memref<!tpu.dma_semaphore, #tpu.memory_space<semaphore_mem>>)
      %dma_wait3A_128 = arith.constant 0 : i32
      %dma_wait3A_129 = tpu.memref_slice %arg7[%add3A_123, %dma_wait3A_128] : memref<320000x128xf32, #tpu.memory_space<hbm>> -> memref<80x128xf32, #tpu.memory_space<hbm>>
      %dma_wait3A_130 = arith.constant 0 : i32
      %dma_wait3A_131 = tpu.memref_slice %arg7[%add3A_123, %dma_wait3A_130] : memref<320000x128xf32, #tpu.memory_space<hbm>> -> memref<80x128xf32, #tpu.memory_space<hbm>>
      tpu.wait_dma2 semaphore(%run_scoped3A : memref<!tpu.dma_semaphore, #tpu.memory_space<semaphore_mem>>) src(%arg9 : memref<80x128xf32, #tpu.memory_space<vmem>>) dst(%dma_wait3A_131 : memref<80x128xf32, #tpu.memory_space<hbm>>)
      tpu.yield
    }) : () -> ()
    return
  }
}

#map = affine_map<(d0, d1) -> (0, 0)>
#map1 = affine_map<(d0, d1) -> (0)>
module attributes {stable_mosaic.version = 14 : i64} {
  func.func @_pool_body(%arg0: i32, %arg1: i32, %arg2: memref<320000x128xf32, #tpu.memory_space<hbm>>, %arg3: memref<640000xi32, #tpu.memory_space<hbm>>, %arg4: memref<640x128xf32, #tpu.memory_space<hbm>>, %arg5: memref<10240x128xf32, #tpu.memory_space<hbm>>, %arg6: memref<10240x128xf32, #tpu.memory_space<hbm>>, %arg7: memref<10240x128xf32, #tpu.memory_space<vmem_shared>>, %arg8: memref<160x128xf32, #tpu.memory_space<vmem>>, %arg9: memref<160x128xf32, #tpu.memory_space<vmem>>, %arg10: memref<80xi32, #tpu.memory_space<vmem>>, %arg11: memref<80xi32, #tpu.memory_space<vmem>>, %arg12: memref<80xi32, #tpu.memory_space<vmem>>, %arg13: memref<80xi32, #tpu.memory_space<vmem>>, %arg14: memref<!tpu.dma_semaphore, #tpu.memory_space<semaphore_mem>>, %arg15: memref<!tpu.dma_semaphore, #tpu.memory_space<semaphore_mem>>, %arg16: memref<!tpu.dma_semaphore, #tpu.memory_space<semaphore_mem>>, %arg17: memref<!tpu.dma_semaphore, #tpu.memory_space<semaphore_mem>>, %arg18: memref<!tpu.dma_semaphore, #tpu.memory_space<semaphore_mem>>, %arg19: memref<!tpu.dma_semaphore, #tpu.memory_space<semaphore_mem>>, %arg20: memref<!tpu.dma_semaphore, #tpu.memory_space<semaphore_mem>>, %arg21: memref<!tpu.dma_semaphore, #tpu.memory_space<semaphore_mem>>) attributes {dimension_semantics = [#tpu.dimension_semantics<core_parallel>, #tpu.dimension_semantics<subcore_parallel>], iteration_bounds = array<i64: 2, 16>, scalar_prefetch = 0 : i64, scratch_operands = 15 : i64, tpu.core_type = #tpu.core_type<sc_vector_subcore>, window_params = [{transform_indices = #map}, {transform_indices = #map1}, {transform_indices = #map}, {transform_indices = #map}, {transform_indices = #map}]} {
    %mul3A = arith.constant 640 : i32
    %mul3A_0 = arith.muli %arg1, %mul3A : i32
    "tpu.region"() ({
      %run_scoped3A = tpu.sem_alloc : memref<!tpu.dma_semaphore, #tpu.memory_space<semaphore_mem>>
      %dma_start3A_79 = arith.constant 0 : i32
      %dma_start3A_80 = tpu.memref_slice %arg7[%mul3A_0, %dma_start3A_79] : memref<10240x128xf32, #tpu.memory_space<vmem_shared>> -> memref<640x128xf32, #tpu.memory_space<vmem_shared>>
      tpu.enqueue_dma source(%arg4 : memref<640x128xf32, #tpu.memory_space<hbm>>) target(%dma_start3A_80 : memref<640x128xf32, #tpu.memory_space<vmem_shared>>) target_semaphore(%run_scoped3A : memref<!tpu.dma_semaphore, #tpu.memory_space<semaphore_mem>>)
      %dma_wait3A_81 = arith.constant 0 : i32
      %dma_wait3A_82 = tpu.memref_slice %arg7[%mul3A_0, %dma_wait3A_81] : memref<10240x128xf32, #tpu.memory_space<vmem_shared>> -> memref<640x128xf32, #tpu.memory_space<vmem_shared>>
      tpu.wait_dma2 semaphore(%run_scoped3A : memref<!tpu.dma_semaphore, #tpu.memory_space<semaphore_mem>>) src(%arg4 : memref<640x128xf32, #tpu.memory_space<hbm>>) dst(%dma_wait3A_82 : memref<640x128xf32, #tpu.memory_space<vmem_shared>>)
      tpu.yield
    }) : () -> ()
    %barrier3A = arith.constant 0 : index
    tpu.barrier barrier_id(%barrier3A)
    %mul3A_1 = arith.constant 20000 : i32
    %mul3A_2 = arith.muli %arg1, %mul3A_1 : i32
    %add3A = arith.constant 0 : i32
    %add3A_3 = arith.addi %mul3A_2, %add3A : i32
    %dma_start3A = arith.constant 0 : i32
    %dma_start3A_4 = tpu.memref_slice %arg2[%add3A_3, %dma_start3A] : memref<320000x128xf32, #tpu.memory_space<hbm>> -> memref<160x128xf32, #tpu.memory_space<hbm>>
    %dma_start3A_5 = arith.constant 0 : i32
    %dma_start3A_6 = tpu.memref_slice %arg2[%add3A_3, %dma_start3A_5] : memref<320000x128xf32, #tpu.memory_space<hbm>> -> memref<160x128xf32, #tpu.memory_space<hbm>>
    tpu.enqueue_dma source(%dma_start3A_6 : memref<160x128xf32, #tpu.memory_space<hbm>>) target(%arg8 : memref<160x128xf32, #tpu.memory_space<vmem>>) target_semaphore(%arg14 : memref<!tpu.dma_semaphore, #tpu.memory_space<semaphore_mem>>)
    %mul3A_7 = arith.constant 320000 : i32
    %mul3A_8 = arith.muli %arg0, %mul3A_7 : i32
    %add3A_9 = arith.addi %mul3A_8, %add3A_3 : i32
    %dma_start3A_10 = tpu.memref_slice %arg3[%add3A_9] : memref<640000xi32, #tpu.memory_space<hbm>> -> memref<80xi32, #tpu.memory_space<hbm>>
    %dma_start3A_11 = tpu.memref_slice %arg3[%add3A_9] : memref<640000xi32, #tpu.memory_space<hbm>> -> memref<80xi32, #tpu.memory_space<hbm>>
    tpu.enqueue_dma source(%dma_start3A_11 : memref<80xi32, #tpu.memory_space<hbm>>) target(%arg10 : memref<80xi32, #tpu.memory_space<vmem>>) target_semaphore(%arg16 : memref<!tpu.dma_semaphore, #tpu.memory_space<semaphore_mem>>)
    %mul3A_12 = arith.constant 320000 : i32
    %mul3A_13 = arith.muli %arg0, %mul3A_12 : i32
    %add3A_14 = arith.addi %mul3A_13, %add3A_3 : i32
    %add3A_15 = arith.constant 80 : i32
    %add3A_16 = arith.addi %add3A_14, %add3A_15 : i32
    %dma_start3A_17 = tpu.memref_slice %arg3[%add3A_16] : memref<640000xi32, #tpu.memory_space<hbm>> -> memref<80xi32, #tpu.memory_space<hbm>>
    %dma_start3A_18 = tpu.memref_slice %arg3[%add3A_16] : memref<640000xi32, #tpu.memory_space<hbm>> -> memref<80xi32, #tpu.memory_space<hbm>>
    tpu.enqueue_dma source(%dma_start3A_18 : memref<80xi32, #tpu.memory_space<hbm>>) target(%arg12 : memref<80xi32, #tpu.memory_space<vmem>>) target_semaphore(%arg18 : memref<!tpu.dma_semaphore, #tpu.memory_space<semaphore_mem>>)
    %mul3A_19 = arith.constant 20000 : i32
    %mul3A_20 = arith.muli %arg1, %mul3A_19 : i32
    %add3A_21 = arith.constant 160 : i32
    %add3A_22 = arith.addi %mul3A_20, %add3A_21 : i32
    %dma_start3A_23 = arith.constant 0 : i32
    %dma_start3A_24 = tpu.memref_slice %arg2[%add3A_22, %dma_start3A_23] : memref<320000x128xf32, #tpu.memory_space<hbm>> -> memref<160x128xf32, #tpu.memory_space<hbm>>
    %dma_start3A_25 = arith.constant 0 : i32
    %dma_start3A_26 = tpu.memref_slice %arg2[%add3A_22, %dma_start3A_25] : memref<320000x128xf32, #tpu.memory_space<hbm>> -> memref<160x128xf32, #tpu.memory_space<hbm>>
    tpu.enqueue_dma source(%dma_start3A_26 : memref<160x128xf32, #tpu.memory_space<hbm>>) target(%arg9 : memref<160x128xf32, #tpu.memory_space<vmem>>) target_semaphore(%arg15 : memref<!tpu.dma_semaphore, #tpu.memory_space<semaphore_mem>>)
    %mul3A_27 = arith.constant 320000 : i32
    %mul3A_28 = arith.muli %arg0, %mul3A_27 : i32
    %add3A_29 = arith.addi %mul3A_28, %add3A_22 : i32
    %dma_start3A_30 = tpu.memref_slice %arg3[%add3A_29] : memref<640000xi32, #tpu.memory_space<hbm>> -> memref<80xi32, #tpu.memory_space<hbm>>
    %dma_start3A_31 = tpu.memref_slice %arg3[%add3A_29] : memref<640000xi32, #tpu.memory_space<hbm>> -> memref<80xi32, #tpu.memory_space<hbm>>
    tpu.enqueue_dma source(%dma_start3A_31 : memref<80xi32, #tpu.memory_space<hbm>>) target(%arg11 : memref<80xi32, #tpu.memory_space<vmem>>) target_semaphore(%arg17 : memref<!tpu.dma_semaphore, #tpu.memory_space<semaphore_mem>>)
    %mul3A_32 = arith.constant 320000 : i32
    %mul3A_33 = arith.muli %arg0, %mul3A_32 : i32
    %add3A_34 = arith.addi %mul3A_33, %add3A_22 : i32
    %add3A_35 = arith.constant 80 : i32
    %add3A_36 = arith.addi %add3A_34, %add3A_35 : i32
    %dma_start3A_37 = tpu.memref_slice %arg3[%add3A_36] : memref<640000xi32, #tpu.memory_space<hbm>> -> memref<80xi32, #tpu.memory_space<hbm>>
    %dma_start3A_38 = tpu.memref_slice %arg3[%add3A_36] : memref<640000xi32, #tpu.memory_space<hbm>> -> memref<80xi32, #tpu.memory_space<hbm>>
    tpu.enqueue_dma source(%dma_start3A_38 : memref<80xi32, #tpu.memory_space<hbm>>) target(%arg13 : memref<80xi32, #tpu.memory_space<vmem>>) target_semaphore(%arg19 : memref<!tpu.dma_semaphore, #tpu.memory_space<semaphore_mem>>)
    %scan3A = arith.constant 0 : i32
    %scan3A_39 = arith.constant 0 : i32
    %scan3A_40 = arith.constant 62 : i32
    %scan3A_41 = arith.addi %scan3A_39, %scan3A_40 : i32
    %scan3A_42 = arith.constant 1 : i32
    scf.for %scan3A_79 = %scan3A_39 to %scan3A_41 step %scan3A_42  : i32 {
      %mul3A_80 = arith.constant 2 : i32
      %mul3A_81 = arith.muli %scan3A_79, %mul3A_80 : i32
      %add3A_82 = arith.constant 0 : i32
      %add3A_83 = arith.addi %mul3A_81, %add3A_82 : i32
      %dma_wait3A_84 = arith.constant 0 : i32
      %dma_wait3A_85 = arith.constant 0 : i32
      %dma_wait3A_86 = tpu.memref_slice %arg2[%dma_wait3A_84, %dma_wait3A_85] : memref<320000x128xf32, #tpu.memory_space<hbm>> -> memref<160x128xf32, #tpu.memory_space<hbm>>
      %dma_wait3A_87 = arith.constant 0 : i32
      %dma_wait3A_88 = arith.constant 0 : i32
      %dma_wait3A_89 = tpu.memref_slice %arg2[%dma_wait3A_87, %dma_wait3A_88] : memref<320000x128xf32, #tpu.memory_space<hbm>> -> memref<160x128xf32, #tpu.memory_space<hbm>>
      tpu.wait_dma2 semaphore(%arg14 : memref<!tpu.dma_semaphore, #tpu.memory_space<semaphore_mem>>) src(%dma_wait3A_89 : memref<160x128xf32, #tpu.memory_space<hbm>>) dst(%arg8 : memref<160x128xf32, #tpu.memory_space<vmem>>)
      %dma_wait3A_90 = arith.constant 0 : i32
      %dma_wait3A_91 = tpu.memref_slice %arg3[%dma_wait3A_90] : memref<640000xi32, #tpu.memory_space<hbm>> -> memref<80xi32, #tpu.memory_space<hbm>>
      %dma_wait3A_92 = arith.constant 0 : i32
      %dma_wait3A_93 = tpu.memref_slice %arg3[%dma_wait3A_92] : memref<640000xi32, #tpu.memory_space<hbm>> -> memref<80xi32, #tpu.memory_space<hbm>>
      tpu.wait_dma2 semaphore(%arg16 : memref<!tpu.dma_semaphore, #tpu.memory_space<semaphore_mem>>) src(%dma_wait3A_93 : memref<80xi32, #tpu.memory_space<hbm>>) dst(%arg10 : memref<80xi32, #tpu.memory_space<vmem>>)
      %dma_wait3A_94 = arith.constant 0 : i32
      %dma_wait3A_95 = tpu.memref_slice %arg3[%dma_wait3A_94] : memref<640000xi32, #tpu.memory_space<hbm>> -> memref<80xi32, #tpu.memory_space<hbm>>
      %dma_wait3A_96 = arith.constant 0 : i32
      %dma_wait3A_97 = tpu.memref_slice %arg3[%dma_wait3A_96] : memref<640000xi32, #tpu.memory_space<hbm>> -> memref<80xi32, #tpu.memory_space<hbm>>
      tpu.wait_dma2 semaphore(%arg18 : memref<!tpu.dma_semaphore, #tpu.memory_space<semaphore_mem>>) src(%dma_wait3A_97 : memref<80xi32, #tpu.memory_space<hbm>>) dst(%arg12 : memref<80xi32, #tpu.memory_space<vmem>>)
      %dma_start3A_98 = arith.constant 0 : i32
      %dma_start3A_99 = arith.constant 0 : i32
      %dma_start3A_100 = tpu.memref_slice %arg8[%dma_start3A_98, %dma_start3A_99] : memref<160x128xf32, #tpu.memory_space<vmem>> -> memref<80x128xf32, #tpu.memory_space<vmem>>
      %dma_start3A_101 = arith.constant 0 : i32
      %dma_start3A_102 = arith.constant 0 : i32
      %dma_start3A_103 = tpu.memref_slice %arg7[%dma_start3A_101, %dma_start3A_102] : memref<10240x128xf32, #tpu.memory_space<vmem_shared>> -> memref<10240x128xf32, #tpu.memory_space<vmem_shared>>
      tpu.enqueue_indirect_dma source(%dma_start3A_100 : memref<80x128xf32, #tpu.memory_space<vmem>>) target(%dma_start3A_103 : memref<10240x128xf32, #tpu.memory_space<vmem_shared>>) offsets(%arg10 : memref<80xi32, #tpu.memory_space<vmem>>) semaphore(%arg20 : memref<!tpu.dma_semaphore, #tpu.memory_space<semaphore_mem>>) {add = true}
      "tpu.region"() ({
        %run_scoped3A = tpu.sem_alloc : memref<!tpu.dma_semaphore, #tpu.memory_space<semaphore_mem>>
        %dma_start3A_153 = arith.constant 80 : i32
        %dma_start3A_154 = arith.constant 0 : i32
        %dma_start3A_155 = tpu.memref_slice %arg8[%dma_start3A_153, %dma_start3A_154] : memref<160x128xf32, #tpu.memory_space<vmem>> -> memref<80x128xf32, #tpu.memory_space<vmem>>
        %dma_start3A_156 = arith.constant 0 : i32
        %dma_start3A_157 = arith.constant 0 : i32
        %dma_start3A_158 = tpu.memref_slice %arg7[%dma_start3A_156, %dma_start3A_157] : memref<10240x128xf32, #tpu.memory_space<vmem_shared>> -> memref<10240x128xf32, #tpu.memory_space<vmem_shared>>
        tpu.enqueue_indirect_dma source(%dma_start3A_155 : memref<80x128xf32, #tpu.memory_space<vmem>>) target(%dma_start3A_158 : memref<10240x128xf32, #tpu.memory_space<vmem_shared>>) offsets(%arg12 : memref<80xi32, #tpu.memory_space<vmem>>) semaphore(%run_scoped3A : memref<!tpu.dma_semaphore, #tpu.memory_space<semaphore_mem>>) {add = true}
        %dma_wait3A_159 = arith.constant 80 : i32
        %dma_wait3A_160 = arith.constant 0 : i32
        %dma_wait3A_161 = tpu.memref_slice %arg8[%dma_wait3A_159, %dma_wait3A_160] : memref<160x128xf32, #tpu.memory_space<vmem>> -> memref<80x128xf32, #tpu.memory_space<vmem>>
        %dma_wait3A_162 = arith.constant 0 : i32
        %dma_wait3A_163 = arith.constant 0 : i32
        %dma_wait3A_164 = tpu.memref_slice %arg7[%dma_wait3A_162, %dma_wait3A_163] : memref<10240x128xf32, #tpu.memory_space<vmem_shared>> -> memref<10240x128xf32, #tpu.memory_space<vmem_shared>>
        tpu.wait_indirect_dma semaphore(%run_scoped3A : memref<!tpu.dma_semaphore, #tpu.memory_space<semaphore_mem>>) src(%dma_wait3A_161 : memref<80x128xf32, #tpu.memory_space<vmem>>) dst(%dma_wait3A_164 : memref<10240x128xf32, #tpu.memory_space<vmem_shared>>)
        tpu.yield
      }) : () -> ()
      %dma_wait3A_104 = arith.constant 0 : i32
      %dma_wait3A_105 = arith.constant 0 : i32
      %dma_wait3A_106 = tpu.memref_slice %arg8[%dma_wait3A_104, %dma_wait3A_105] : memref<160x128xf32, #tpu.memory_space<vmem>> -> memref<80x128xf32, #tpu.memory_space<vmem>>
      %dma_wait3A_107 = arith.constant 0 : i32
      %dma_wait3A_108 = arith.constant 0 : i32
      %dma_wait3A_109 = tpu.memref_slice %arg7[%dma_wait3A_107, %dma_wait3A_108] : memref<10240x128xf32, #tpu.memory_space<vmem_shared>> -> memref<10240x128xf32, #tpu.memory_space<vmem_shared>>
      tpu.wait_indirect_dma semaphore(%arg20 : memref<!tpu.dma_semaphore, #tpu.memory_space<semaphore_mem>>) src(%dma_wait3A_106 : memref<80x128xf32, #tpu.memory_space<vmem>>) dst(%dma_wait3A_109 : memref<10240x128xf32, #tpu.memory_space<vmem_shared>>)
      %add3A_110 = arith.constant 2 : i32
      %add3A_111 = arith.addi %add3A_83, %add3A_110 : i32
      %lt3A = arith.constant 125 : i32
      %lt3A_112 = arith.cmpi slt, %add3A_111, %lt3A : i32
      %convert_element_type3A_113 = arith.extui %lt3A_112 : i1 to i32
      %cond3A_114 = arith.constant 0 : i32
      %cond3A_115 = arith.cmpi ne, %convert_element_type3A_113, %cond3A_114 : i32
      scf.if %cond3A_115 {
        %add3A_153 = arith.constant 2 : i32
        %add3A_154 = arith.addi %add3A_83, %add3A_153 : i32
        %mul3A_155 = arith.constant 20000 : i32
        %mul3A_156 = arith.muli %arg1, %mul3A_155 : i32
        %mul3A_157 = arith.constant 160 : i32
        %mul3A_158 = arith.muli %add3A_154, %mul3A_157 : i32
        %add3A_159 = arith.addi %mul3A_156, %mul3A_158 : i32
        %dma_start3A_160 = arith.constant 0 : i32
        %dma_start3A_161 = tpu.memref_slice %arg2[%add3A_159, %dma_start3A_160] : memref<320000x128xf32, #tpu.memory_space<hbm>> -> memref<160x128xf32, #tpu.memory_space<hbm>>
        %dma_start3A_162 = arith.constant 0 : i32
        %dma_start3A_163 = tpu.memref_slice %arg2[%add3A_159, %dma_start3A_162] : memref<320000x128xf32, #tpu.memory_space<hbm>> -> memref<160x128xf32, #tpu.memory_space<hbm>>
        tpu.enqueue_dma source(%dma_start3A_163 : memref<160x128xf32, #tpu.memory_space<hbm>>) target(%arg8 : memref<160x128xf32, #tpu.memory_space<vmem>>) target_semaphore(%arg14 : memref<!tpu.dma_semaphore, #tpu.memory_space<semaphore_mem>>)
        %mul3A_164 = arith.constant 320000 : i32
        %mul3A_165 = arith.muli %arg0, %mul3A_164 : i32
        %add3A_166 = arith.addi %mul3A_165, %add3A_159 : i32
        %dma_start3A_167 = tpu.memref_slice %arg3[%add3A_166] : memref<640000xi32, #tpu.memory_space<hbm>> -> memref<80xi32, #tpu.memory_space<hbm>>
        %dma_start3A_168 = tpu.memref_slice %arg3[%add3A_166] : memref<640000xi32, #tpu.memory_space<hbm>> -> memref<80xi32, #tpu.memory_space<hbm>>
        tpu.enqueue_dma source(%dma_start3A_168 : memref<80xi32, #tpu.memory_space<hbm>>) target(%arg10 : memref<80xi32, #tpu.memory_space<vmem>>) target_semaphore(%arg16 : memref<!tpu.dma_semaphore, #tpu.memory_space<semaphore_mem>>)
        %mul3A_169 = arith.constant 320000 : i32
        %mul3A_170 = arith.muli %arg0, %mul3A_169 : i32
        %add3A_171 = arith.addi %mul3A_170, %add3A_159 : i32
        %add3A_172 = arith.constant 80 : i32
        %add3A_173 = arith.addi %add3A_171, %add3A_172 : i32
        %dma_start3A_174 = tpu.memref_slice %arg3[%add3A_173] : memref<640000xi32, #tpu.memory_space<hbm>> -> memref<80xi32, #tpu.memory_space<hbm>>
        %dma_start3A_175 = tpu.memref_slice %arg3[%add3A_173] : memref<640000xi32, #tpu.memory_space<hbm>> -> memref<80xi32, #tpu.memory_space<hbm>>
        tpu.enqueue_dma source(%dma_start3A_175 : memref<80xi32, #tpu.memory_space<hbm>>) target(%arg12 : memref<80xi32, #tpu.memory_space<vmem>>) target_semaphore(%arg18 : memref<!tpu.dma_semaphore, #tpu.memory_space<semaphore_mem>>)
      } else {
      }
      %mul3A_116 = arith.constant 2 : i32
      %mul3A_117 = arith.muli %scan3A_79, %mul3A_116 : i32
      %add3A_118 = arith.constant 1 : i32
      %add3A_119 = arith.addi %mul3A_117, %add3A_118 : i32
      %dma_wait3A_120 = arith.constant 0 : i32
      %dma_wait3A_121 = arith.constant 0 : i32
      %dma_wait3A_122 = tpu.memref_slice %arg2[%dma_wait3A_120, %dma_wait3A_121] : memref<320000x128xf32, #tpu.memory_space<hbm>> -> memref<160x128xf32, #tpu.memory_space<hbm>>
      %dma_wait3A_123 = arith.constant 0 : i32
      %dma_wait3A_124 = arith.constant 0 : i32
      %dma_wait3A_125 = tpu.memref_slice %arg2[%dma_wait3A_123, %dma_wait3A_124] : memref<320000x128xf32, #tpu.memory_space<hbm>> -> memref<160x128xf32, #tpu.memory_space<hbm>>
      tpu.wait_dma2 semaphore(%arg15 : memref<!tpu.dma_semaphore, #tpu.memory_space<semaphore_mem>>) src(%dma_wait3A_125 : memref<160x128xf32, #tpu.memory_space<hbm>>) dst(%arg9 : memref<160x128xf32, #tpu.memory_space<vmem>>)
      %dma_wait3A_126 = arith.constant 0 : i32
      %dma_wait3A_127 = tpu.memref_slice %arg3[%dma_wait3A_126] : memref<640000xi32, #tpu.memory_space<hbm>> -> memref<80xi32, #tpu.memory_space<hbm>>
      %dma_wait3A_128 = arith.constant 0 : i32
      %dma_wait3A_129 = tpu.memref_slice %arg3[%dma_wait3A_128] : memref<640000xi32, #tpu.memory_space<hbm>> -> memref<80xi32, #tpu.memory_space<hbm>>
      tpu.wait_dma2 semaphore(%arg17 : memref<!tpu.dma_semaphore, #tpu.memory_space<semaphore_mem>>) src(%dma_wait3A_129 : memref<80xi32, #tpu.memory_space<hbm>>) dst(%arg11 : memref<80xi32, #tpu.memory_space<vmem>>)
      %dma_wait3A_130 = arith.constant 0 : i32
      %dma_wait3A_131 = tpu.memref_slice %arg3[%dma_wait3A_130] : memref<640000xi32, #tpu.memory_space<hbm>> -> memref<80xi32, #tpu.memory_space<hbm>>
      %dma_wait3A_132 = arith.constant 0 : i32
      %dma_wait3A_133 = tpu.memref_slice %arg3[%dma_wait3A_132] : memref<640000xi32, #tpu.memory_space<hbm>> -> memref<80xi32, #tpu.memory_space<hbm>>
      tpu.wait_dma2 semaphore(%arg19 : memref<!tpu.dma_semaphore, #tpu.memory_space<semaphore_mem>>) src(%dma_wait3A_133 : memref<80xi32, #tpu.memory_space<hbm>>) dst(%arg13 : memref<80xi32, #tpu.memory_space<vmem>>)
      %dma_start3A_134 = arith.constant 0 : i32
      %dma_start3A_135 = arith.constant 0 : i32
      %dma_start3A_136 = tpu.memref_slice %arg9[%dma_start3A_134, %dma_start3A_135] : memref<160x128xf32, #tpu.memory_space<vmem>> -> memref<80x128xf32, #tpu.memory_space<vmem>>
      %dma_start3A_137 = arith.constant 0 : i32
      %dma_start3A_138 = arith.constant 0 : i32
      %dma_start3A_139 = tpu.memref_slice %arg7[%dma_start3A_137, %dma_start3A_138] : memref<10240x128xf32, #tpu.memory_space<vmem_shared>> -> memref<10240x128xf32, #tpu.memory_space<vmem_shared>>
      tpu.enqueue_indirect_dma source(%dma_start3A_136 : memref<80x128xf32, #tpu.memory_space<vmem>>) target(%dma_start3A_139 : memref<10240x128xf32, #tpu.memory_space<vmem_shared>>) offsets(%arg11 : memref<80xi32, #tpu.memory_space<vmem>>) semaphore(%arg21 : memref<!tpu.dma_semaphore, #tpu.memory_space<semaphore_mem>>) {add = true}
      "tpu.region"() ({
        %run_scoped3A = tpu.sem_alloc : memref<!tpu.dma_semaphore, #tpu.memory_space<semaphore_mem>>
        %dma_start3A_153 = arith.constant 80 : i32
        %dma_start3A_154 = arith.constant 0 : i32
        %dma_start3A_155 = tpu.memref_slice %arg9[%dma_start3A_153, %dma_start3A_154] : memref<160x128xf32, #tpu.memory_space<vmem>> -> memref<80x128xf32, #tpu.memory_space<vmem>>
        %dma_start3A_156 = arith.constant 0 : i32
        %dma_start3A_157 = arith.constant 0 : i32
        %dma_start3A_158 = tpu.memref_slice %arg7[%dma_start3A_156, %dma_start3A_157] : memref<10240x128xf32, #tpu.memory_space<vmem_shared>> -> memref<10240x128xf32, #tpu.memory_space<vmem_shared>>
        tpu.enqueue_indirect_dma source(%dma_start3A_155 : memref<80x128xf32, #tpu.memory_space<vmem>>) target(%dma_start3A_158 : memref<10240x128xf32, #tpu.memory_space<vmem_shared>>) offsets(%arg13 : memref<80xi32, #tpu.memory_space<vmem>>) semaphore(%run_scoped3A : memref<!tpu.dma_semaphore, #tpu.memory_space<semaphore_mem>>) {add = true}
        %dma_wait3A_159 = arith.constant 80 : i32
        %dma_wait3A_160 = arith.constant 0 : i32
        %dma_wait3A_161 = tpu.memref_slice %arg9[%dma_wait3A_159, %dma_wait3A_160] : memref<160x128xf32, #tpu.memory_space<vmem>> -> memref<80x128xf32, #tpu.memory_space<vmem>>
        %dma_wait3A_162 = arith.constant 0 : i32
        %dma_wait3A_163 = arith.constant 0 : i32
        %dma_wait3A_164 = tpu.memref_slice %arg7[%dma_wait3A_162, %dma_wait3A_163] : memref<10240x128xf32, #tpu.memory_space<vmem_shared>> -> memref<10240x128xf32, #tpu.memory_space<vmem_shared>>
        tpu.wait_indirect_dma semaphore(%run_scoped3A : memref<!tpu.dma_semaphore, #tpu.memory_space<semaphore_mem>>) src(%dma_wait3A_161 : memref<80x128xf32, #tpu.memory_space<vmem>>) dst(%dma_wait3A_164 : memref<10240x128xf32, #tpu.memory_space<vmem_shared>>)
        tpu.yield
      }) : () -> ()
      %dma_wait3A_140 = arith.constant 0 : i32
      %dma_wait3A_141 = arith.constant 0 : i32
      %dma_wait3A_142 = tpu.memref_slice %arg9[%dma_wait3A_140, %dma_wait3A_141] : memref<160x128xf32, #tpu.memory_space<vmem>> -> memref<80x128xf32, #tpu.memory_space<vmem>>
      %dma_wait3A_143 = arith.constant 0 : i32
      %dma_wait3A_144 = arith.constant 0 : i32
      %dma_wait3A_145 = tpu.memref_slice %arg7[%dma_wait3A_143, %dma_wait3A_144] : memref<10240x128xf32, #tpu.memory_space<vmem_shared>> -> memref<10240x128xf32, #tpu.memory_space<vmem_shared>>
      tpu.wait_indirect_dma semaphore(%arg21 : memref<!tpu.dma_semaphore, #tpu.memory_space<semaphore_mem>>) src(%dma_wait3A_142 : memref<80x128xf32, #tpu.memory_space<vmem>>) dst(%dma_wait3A_145 : memref<10240x128xf32, #tpu.memory_space<vmem_shared>>)
      %add3A_146 = arith.constant 2 : i32
      %add3A_147 = arith.addi %add3A_119, %add3A_146 : i32
      %lt3A_148 = arith.constant 125 : i32
      %lt3A_149 = arith.cmpi slt, %add3A_147, %lt3A_148 : i32
      %convert_element_type3A_150 = arith.extui %lt3A_149 : i1 to i32
      %cond3A_151 = arith.constant 0 : i32
      %cond3A_152 = arith.cmpi ne, %convert_element_type3A_150, %cond3A_151 : i32
      scf.if %cond3A_152 {
        %add3A_153 = arith.constant 2 : i32
        %add3A_154 = arith.addi %add3A_119, %add3A_153 : i32
        %mul3A_155 = arith.constant 20000 : i32
        %mul3A_156 = arith.muli %arg1, %mul3A_155 : i32
        %mul3A_157 = arith.constant 160 : i32
        %mul3A_158 = arith.muli %add3A_154, %mul3A_157 : i32
        %add3A_159 = arith.addi %mul3A_156, %mul3A_158 : i32
        %dma_start3A_160 = arith.constant 0 : i32
        %dma_start3A_161 = tpu.memref_slice %arg2[%add3A_159, %dma_start3A_160] : memref<320000x128xf32, #tpu.memory_space<hbm>> -> memref<160x128xf32, #tpu.memory_space<hbm>>
        %dma_start3A_162 = arith.constant 0 : i32
        %dma_start3A_163 = tpu.memref_slice %arg2[%add3A_159, %dma_start3A_162] : memref<320000x128xf32, #tpu.memory_space<hbm>> -> memref<160x128xf32, #tpu.memory_space<hbm>>
        tpu.enqueue_dma source(%dma_start3A_163 : memref<160x128xf32, #tpu.memory_space<hbm>>) target(%arg9 : memref<160x128xf32, #tpu.memory_space<vmem>>) target_semaphore(%arg15 : memref<!tpu.dma_semaphore, #tpu.memory_space<semaphore_mem>>)
        %mul3A_164 = arith.constant 320000 : i32
        %mul3A_165 = arith.muli %arg0, %mul3A_164 : i32
        %add3A_166 = arith.addi %mul3A_165, %add3A_159 : i32
        %dma_start3A_167 = tpu.memref_slice %arg3[%add3A_166] : memref<640000xi32, #tpu.memory_space<hbm>> -> memref<80xi32, #tpu.memory_space<hbm>>
        %dma_start3A_168 = tpu.memref_slice %arg3[%add3A_166] : memref<640000xi32, #tpu.memory_space<hbm>> -> memref<80xi32, #tpu.memory_space<hbm>>
        tpu.enqueue_dma source(%dma_start3A_168 : memref<80xi32, #tpu.memory_space<hbm>>) target(%arg11 : memref<80xi32, #tpu.memory_space<vmem>>) target_semaphore(%arg17 : memref<!tpu.dma_semaphore, #tpu.memory_space<semaphore_mem>>)
        %mul3A_169 = arith.constant 320000 : i32
        %mul3A_170 = arith.muli %arg0, %mul3A_169 : i32
        %add3A_171 = arith.addi %mul3A_170, %add3A_159 : i32
        %add3A_172 = arith.constant 80 : i32
        %add3A_173 = arith.addi %add3A_171, %add3A_172 : i32
        %dma_start3A_174 = tpu.memref_slice %arg3[%add3A_173] : memref<640000xi32, #tpu.memory_space<hbm>> -> memref<80xi32, #tpu.memory_space<hbm>>
        %dma_start3A_175 = tpu.memref_slice %arg3[%add3A_173] : memref<640000xi32, #tpu.memory_space<hbm>> -> memref<80xi32, #tpu.memory_space<hbm>>
        tpu.enqueue_dma source(%dma_start3A_175 : memref<80xi32, #tpu.memory_space<hbm>>) target(%arg13 : memref<80xi32, #tpu.memory_space<vmem>>) target_semaphore(%arg19 : memref<!tpu.dma_semaphore, #tpu.memory_space<semaphore_mem>>)
      } else {
      }
    }
    %scan3A_43 = arith.constant 62 : i32
    %dma_wait3A = arith.constant 0 : i32
    %dma_wait3A_44 = arith.constant 0 : i32
    %dma_wait3A_45 = tpu.memref_slice %arg2[%dma_wait3A, %dma_wait3A_44] : memref<320000x128xf32, #tpu.memory_space<hbm>> -> memref<160x128xf32, #tpu.memory_space<hbm>>
    %dma_wait3A_46 = arith.constant 0 : i32
    %dma_wait3A_47 = arith.constant 0 : i32
    %dma_wait3A_48 = tpu.memref_slice %arg2[%dma_wait3A_46, %dma_wait3A_47] : memref<320000x128xf32, #tpu.memory_space<hbm>> -> memref<160x128xf32, #tpu.memory_space<hbm>>
    tpu.wait_dma2 semaphore(%arg14 : memref<!tpu.dma_semaphore, #tpu.memory_space<semaphore_mem>>) src(%dma_wait3A_48 : memref<160x128xf32, #tpu.memory_space<hbm>>) dst(%arg8 : memref<160x128xf32, #tpu.memory_space<vmem>>)
    %dma_wait3A_49 = arith.constant 0 : i32
    %dma_wait3A_50 = tpu.memref_slice %arg3[%dma_wait3A_49] : memref<640000xi32, #tpu.memory_space<hbm>> -> memref<80xi32, #tpu.memory_space<hbm>>
    %dma_wait3A_51 = arith.constant 0 : i32
    %dma_wait3A_52 = tpu.memref_slice %arg3[%dma_wait3A_51] : memref<640000xi32, #tpu.memory_space<hbm>> -> memref<80xi32, #tpu.memory_space<hbm>>
    tpu.wait_dma2 semaphore(%arg16 : memref<!tpu.dma_semaphore, #tpu.memory_space<semaphore_mem>>) src(%dma_wait3A_52 : memref<80xi32, #tpu.memory_space<hbm>>) dst(%arg10 : memref<80xi32, #tpu.memory_space<vmem>>)
    %dma_wait3A_53 = arith.constant 0 : i32
    %dma_wait3A_54 = tpu.memref_slice %arg3[%dma_wait3A_53] : memref<640000xi32, #tpu.memory_space<hbm>> -> memref<80xi32, #tpu.memory_space<hbm>>
    %dma_wait3A_55 = arith.constant 0 : i32
    %dma_wait3A_56 = tpu.memref_slice %arg3[%dma_wait3A_55] : memref<640000xi32, #tpu.memory_space<hbm>> -> memref<80xi32, #tpu.memory_space<hbm>>
    tpu.wait_dma2 semaphore(%arg18 : memref<!tpu.dma_semaphore, #tpu.memory_space<semaphore_mem>>) src(%dma_wait3A_56 : memref<80xi32, #tpu.memory_space<hbm>>) dst(%arg12 : memref<80xi32, #tpu.memory_space<vmem>>)
    %dma_start3A_57 = arith.constant 0 : i32
    %dma_start3A_58 = arith.constant 0 : i32
    %dma_start3A_59 = tpu.memref_slice %arg8[%dma_start3A_57, %dma_start3A_58] : memref<160x128xf32, #tpu.memory_space<vmem>> -> memref<80x128xf32, #tpu.memory_space<vmem>>
    %dma_start3A_60 = arith.constant 0 : i32
    %dma_start3A_61 = arith.constant 0 : i32
    %dma_start3A_62 = tpu.memref_slice %arg7[%dma_start3A_60, %dma_start3A_61] : memref<10240x128xf32, #tpu.memory_space<vmem_shared>> -> memref<10240x128xf32, #tpu.memory_space<vmem_shared>>
    tpu.enqueue_indirect_dma source(%dma_start3A_59 : memref<80x128xf32, #tpu.memory_space<vmem>>) target(%dma_start3A_62 : memref<10240x128xf32, #tpu.memory_space<vmem_shared>>) offsets(%arg10 : memref<80xi32, #tpu.memory_space<vmem>>) semaphore(%arg20 : memref<!tpu.dma_semaphore, #tpu.memory_space<semaphore_mem>>) {add = true}
    "tpu.region"() ({
      %run_scoped3A = tpu.sem_alloc : memref<!tpu.dma_semaphore, #tpu.memory_space<semaphore_mem>>
      %dma_start3A_79 = arith.constant 80 : i32
      %dma_start3A_80 = arith.constant 0 : i32
      %dma_start3A_81 = tpu.memref_slice %arg8[%dma_start3A_79, %dma_start3A_80] : memref<160x128xf32, #tpu.memory_space<vmem>> -> memref<80x128xf32, #tpu.memory_space<vmem>>
      %dma_start3A_82 = arith.constant 0 : i32
      %dma_start3A_83 = arith.constant 0 : i32
      %dma_start3A_84 = tpu.memref_slice %arg7[%dma_start3A_82, %dma_start3A_83] : memref<10240x128xf32, #tpu.memory_space<vmem_shared>> -> memref<10240x128xf32, #tpu.memory_space<vmem_shared>>
      tpu.enqueue_indirect_dma source(%dma_start3A_81 : memref<80x128xf32, #tpu.memory_space<vmem>>) target(%dma_start3A_84 : memref<10240x128xf32, #tpu.memory_space<vmem_shared>>) offsets(%arg12 : memref<80xi32, #tpu.memory_space<vmem>>) semaphore(%run_scoped3A : memref<!tpu.dma_semaphore, #tpu.memory_space<semaphore_mem>>) {add = true}
      %dma_wait3A_85 = arith.constant 80 : i32
      %dma_wait3A_86 = arith.constant 0 : i32
      %dma_wait3A_87 = tpu.memref_slice %arg8[%dma_wait3A_85, %dma_wait3A_86] : memref<160x128xf32, #tpu.memory_space<vmem>> -> memref<80x128xf32, #tpu.memory_space<vmem>>
      %dma_wait3A_88 = arith.constant 0 : i32
      %dma_wait3A_89 = arith.constant 0 : i32
      %dma_wait3A_90 = tpu.memref_slice %arg7[%dma_wait3A_88, %dma_wait3A_89] : memref<10240x128xf32, #tpu.memory_space<vmem_shared>> -> memref<10240x128xf32, #tpu.memory_space<vmem_shared>>
      tpu.wait_indirect_dma semaphore(%run_scoped3A : memref<!tpu.dma_semaphore, #tpu.memory_space<semaphore_mem>>) src(%dma_wait3A_87 : memref<80x128xf32, #tpu.memory_space<vmem>>) dst(%dma_wait3A_90 : memref<10240x128xf32, #tpu.memory_space<vmem_shared>>)
      tpu.yield
    }) : () -> ()
    %dma_wait3A_63 = arith.constant 0 : i32
    %dma_wait3A_64 = arith.constant 0 : i32
    %dma_wait3A_65 = tpu.memref_slice %arg8[%dma_wait3A_63, %dma_wait3A_64] : memref<160x128xf32, #tpu.memory_space<vmem>> -> memref<80x128xf32, #tpu.memory_space<vmem>>
    %dma_wait3A_66 = arith.constant 0 : i32
    %dma_wait3A_67 = arith.constant 0 : i32
    %dma_wait3A_68 = tpu.memref_slice %arg7[%dma_wait3A_66, %dma_wait3A_67] : memref<10240x128xf32, #tpu.memory_space<vmem_shared>> -> memref<10240x128xf32, #tpu.memory_space<vmem_shared>>
    tpu.wait_indirect_dma semaphore(%arg20 : memref<!tpu.dma_semaphore, #tpu.memory_space<semaphore_mem>>) src(%dma_wait3A_65 : memref<80x128xf32, #tpu.memory_space<vmem>>) dst(%dma_wait3A_68 : memref<10240x128xf32, #tpu.memory_space<vmem_shared>>)
    %barrier3A_69 = arith.constant 0 : index
    tpu.barrier barrier_id(%barrier3A_69)
    %mul3A_70 = arith.constant 640 : i32
    %mul3A_71 = arith.muli %arg1, %mul3A_70 : i32
    %eq3A = arith.constant 0 : i32
    %eq3A_72 = arith.cmpi eq, %arg0, %eq3A : i32
    %convert_element_type3A = arith.extui %eq3A_72 : i1 to i32
    %cond3A = arith.constant 0 : i32
    %cond3A_73 = arith.cmpi ne, %convert_element_type3A, %cond3A : i32
    scf.if %cond3A_73 {
      "tpu.region"() ({
        %run_scoped3A = tpu.sem_alloc : memref<!tpu.dma_semaphore, #tpu.memory_space<semaphore_mem>>
        %dma_start3A_79 = arith.constant 0 : i32
        %dma_start3A_80 = tpu.memref_slice %arg5[%mul3A_71, %dma_start3A_79] : memref<10240x128xf32, #tpu.memory_space<hbm>> -> memref<640x128xf32, #tpu.memory_space<hbm>>
        %dma_start3A_81 = arith.constant 0 : i32
        %dma_start3A_82 = tpu.memref_slice %arg7[%mul3A_71, %dma_start3A_81] : memref<10240x128xf32, #tpu.memory_space<vmem_shared>> -> memref<640x128xf32, #tpu.memory_space<vmem_shared>>
        tpu.enqueue_dma source(%dma_start3A_82 : memref<640x128xf32, #tpu.memory_space<vmem_shared>>) target(%dma_start3A_80 : memref<640x128xf32, #tpu.memory_space<hbm>>) target_semaphore(%run_scoped3A : memref<!tpu.dma_semaphore, #tpu.memory_space<semaphore_mem>>)
        %dma_wait3A_83 = arith.constant 0 : i32
        %dma_wait3A_84 = tpu.memref_slice %arg5[%mul3A_71, %dma_wait3A_83] : memref<10240x128xf32, #tpu.memory_space<hbm>> -> memref<640x128xf32, #tpu.memory_space<hbm>>
        %dma_wait3A_85 = arith.constant 0 : i32
        %dma_wait3A_86 = tpu.memref_slice %arg7[%mul3A_71, %dma_wait3A_85] : memref<10240x128xf32, #tpu.memory_space<vmem_shared>> -> memref<640x128xf32, #tpu.memory_space<vmem_shared>>
        tpu.wait_dma2 semaphore(%run_scoped3A : memref<!tpu.dma_semaphore, #tpu.memory_space<semaphore_mem>>) src(%dma_wait3A_86 : memref<640x128xf32, #tpu.memory_space<vmem_shared>>) dst(%dma_wait3A_84 : memref<640x128xf32, #tpu.memory_space<hbm>>)
        tpu.yield
      }) : () -> ()
    } else {
    }
    %eq3A_74 = arith.constant 1 : i32
    %eq3A_75 = arith.cmpi eq, %arg0, %eq3A_74 : i32
    %convert_element_type3A_76 = arith.extui %eq3A_75 : i1 to i32
    %cond3A_77 = arith.constant 0 : i32
    %cond3A_78 = arith.cmpi ne, %convert_element_type3A_76, %cond3A_77 : i32
    scf.if %cond3A_78 {
      "tpu.region"() ({
        %run_scoped3A = tpu.sem_alloc : memref<!tpu.dma_semaphore, #tpu.memory_space<semaphore_mem>>
        %dma_start3A_79 = arith.constant 0 : i32
        %dma_start3A_80 = tpu.memref_slice %arg6[%mul3A_71, %dma_start3A_79] : memref<10240x128xf32, #tpu.memory_space<hbm>> -> memref<640x128xf32, #tpu.memory_space<hbm>>
        %dma_start3A_81 = arith.constant 0 : i32
        %dma_start3A_82 = tpu.memref_slice %arg7[%mul3A_71, %dma_start3A_81] : memref<10240x128xf32, #tpu.memory_space<vmem_shared>> -> memref<640x128xf32, #tpu.memory_space<vmem_shared>>
        tpu.enqueue_dma source(%dma_start3A_82 : memref<640x128xf32, #tpu.memory_space<vmem_shared>>) target(%dma_start3A_80 : memref<640x128xf32, #tpu.memory_space<hbm>>) target_semaphore(%run_scoped3A : memref<!tpu.dma_semaphore, #tpu.memory_space<semaphore_mem>>)
        %dma_wait3A_83 = arith.constant 0 : i32
        %dma_wait3A_84 = tpu.memref_slice %arg6[%mul3A_71, %dma_wait3A_83] : memref<10240x128xf32, #tpu.memory_space<hbm>> -> memref<640x128xf32, #tpu.memory_space<hbm>>
        %dma_wait3A_85 = arith.constant 0 : i32
        %dma_wait3A_86 = tpu.memref_slice %arg7[%mul3A_71, %dma_wait3A_85] : memref<10240x128xf32, #tpu.memory_space<vmem_shared>> -> memref<640x128xf32, #tpu.memory_space<vmem_shared>>
        tpu.wait_dma2 semaphore(%run_scoped3A : memref<!tpu.dma_semaphore, #tpu.memory_space<semaphore_mem>>) src(%dma_wait3A_86 : memref<640x128xf32, #tpu.memory_space<vmem_shared>>) dst(%dma_wait3A_84 : memref<640x128xf32, #tpu.memory_space<hbm>>)
        tpu.yield
      }) : () -> ()
    } else {
    }
    return
  }
}

module attributes {stable_mosaic.version = 14 : i64} {
  func.func @_mm_body(%arg0: i32, %arg1: memref<2560x128xf32, #tpu.memory_space<vmem>>, %arg2: memref<128x128xf32, #tpu.memory_space<vmem>>, %arg3: memref<2560x128xf32, #tpu.memory_space<vmem>>) attributes {dimension_semantics = [#tpu.dimension_semantics<arbitrary>], iteration_bounds = array<i64: 125>, scalar_prefetch = 0 : i64, scratch_operands = 0 : i64, tpu.core_type = #tpu.core_type<tc>, window_params = [{transform_indices = @transform_0, window_bounds = array<i64: 2560, 128>}, {pipeline_mode = #tpu.pipeline_mode<synchronous>, transform_indices = @transform_1, window_bounds = array<i64: 128, 128>}, {transform_indices = @transform_2, window_bounds = array<i64: 2560, 128>}]} {
    %get3A = arith.constant 0 : index
    %get3A_0 = arith.constant 0 : index
    %get3A_1 = vector.load %arg1[%get3A, %get3A_0] : memref<2560x128xf32, #tpu.memory_space<vmem>>, vector<2560x128xf32>
    %get3A_2 = arith.constant 0 : index
    %get3A_3 = arith.constant 0 : index
    %get3A_4 = vector.load %arg2[%get3A_2, %get3A_3] : memref<128x128xf32, #tpu.memory_space<vmem>>, vector<128x128xf32>
    %dot_general3A = arith.constant dense<0.000000e+00> : vector<2560x128xf32>
    %dot_general3A_5 = tpu.matmul %get3A_1, %get3A_4, %dot_general3A {dimension_numbers = #tpu.dot_dimension_numbers<[1], [0], [0], [1], [0, 0, 1, 1], [], []>, transpose_lhs_hint = false} : vector<2560x128xf32>, vector<128x128xf32>, vector<2560x128xf32> -> vector<2560x128xf32>
    %swap3A = arith.constant 0 : index
    %swap3A_6 = arith.constant 0 : index
    %swap3A_7 = vector.load %arg3[%swap3A, %swap3A_6] : memref<2560x128xf32, #tpu.memory_space<vmem>>, vector<2560x128xf32>
    tpu.vector_store %arg3[%swap3A, %swap3A_6], %dot_general3A_5 {strides = array<i32>} : memref<2560x128xf32, #tpu.memory_space<vmem>>, vector<2560x128xf32>,
    return
  }
  func.func @transform_0(%arg0: i32) -> (i32, i32) {
    %c0_i32 = arith.constant 0 : i32
    %c0_i32_0 = arith.constant 0 : i32
    return %arg0, %c0_i32 : i32, i32
  }
  func.func @transform_1(%arg0: i32) -> (i32, i32) {
    %c0_i32 = arith.constant 0 : i32
    %c0_i32_0 = arith.constant 0 : i32
    %c0_i32_1 = arith.constant 0 : i32
    return %c0_i32, %c0_i32_0 : i32, i32
  }
  func.func @transform_2(%arg0: i32) -> (i32, i32) {
    %c0_i32 = arith.constant 0 : i32
    %c0_i32_0 = arith.constant 0 : i32
    return %arg0, %c0_i32 : i32, i32
  }
}

module attributes {stable_mosaic.version = 14 : i64} {
  func.func @_tables_body(%arg0: memref<10240x128xf32, #tpu.memory_space<vmem>>, %arg1: memref<10240x128xf32, #tpu.memory_space<vmem>>, %arg2: memref<10000x1xf32, #tpu.memory_space<vmem>>, %arg3: memref<10000x1xf32, #tpu.memory_space<vmem>>, %arg4: memref<1x1xf32, #tpu.memory_space<vmem>>, %arg5: memref<128x128xf32, #tpu.memory_space<vmem>>, %arg6: memref<128x128xf32, #tpu.memory_space<vmem>>, %arg7: memref<128x128xf32, #tpu.memory_space<vmem>>, %arg8: memref<10000x128xf32, #tpu.memory_space<vmem>>, %arg9: memref<10000x128xf32, #tpu.memory_space<vmem>>) attributes {dimension_semantics = [], scalar_prefetch = 0 : i64, scratch_operands = 0 : i64, tpu.core_type = #tpu.core_type<tc>} {
    %get3A = arith.constant 0 : index
    %get3A_0 = arith.constant 0 : index
    %get3A_1 = vector.load %arg0[%get3A, %get3A_0] : memref<10240x128xf32, #tpu.memory_space<vmem>>, vector<10240x128xf32>
    %slice3A = vector.extract_strided_slice %get3A_1 {offsets = [0, 0], sizes = [10000, 128], strides = [1, 1]} : vector<10240x128xf32> to vector<10000x128xf32>
    %get3A_2 = arith.constant 0 : index
    %get3A_3 = arith.constant 0 : index
    %get3A_4 = vector.load %arg1[%get3A_2, %get3A_3] : memref<10240x128xf32, #tpu.memory_space<vmem>>, vector<10240x128xf32>
    %slice3A_5 = vector.extract_strided_slice %get3A_4 {offsets = [0, 0], sizes = [10000, 128], strides = [1, 1]} : vector<10240x128xf32> to vector<10000x128xf32>
    %reduce_sum3A = arith.constant dense<0.000000e+00> : vector<128xf32>
    %reduce_sum3A_6 = vector.multi_reduction <add>, %slice3A, %reduce_sum3A [0] : vector<10000x128xf32> to vector<128xf32>
    %broadcast_in_dim3A = vector.shape_cast %reduce_sum3A_6 : vector<128xf32> to vector<1x128xf32>
    %get3A_7 = arith.constant 0 : index
    %get3A_8 = arith.constant 0 : index
    %get3A_9 = vector.load %arg4[%get3A_7, %get3A_8] : memref<1x1xf32, #tpu.memory_space<vmem>>, vector<1x1xf32>
    %div3A = vector.broadcast %get3A_9 : vector<1x1xf32> to vector<1x128xf32>
    %div3A_10 = arith.divf %broadcast_in_dim3A, %div3A : vector<1x128xf32>
    %get3A_11 = arith.constant 0 : index
    %get3A_12 = arith.constant 0 : index
    %get3A_13 = vector.load %arg7[%get3A_11, %get3A_12] : memref<128x128xf32, #tpu.memory_space<vmem>>, vector<128x128xf32>
    %dot_general3A = arith.constant dense<0.000000e+00> : vector<1x128xf32>
    %dot_general3A_14 = tpu.matmul %div3A_10, %get3A_13, %dot_general3A {dimension_numbers = #tpu.dot_dimension_numbers<[1], [0], [0], [1], [0, 0, 1, 1], [], []>, transpose_lhs_hint = false} : vector<1x128xf32>, vector<128x128xf32>, vector<1x128xf32> -> vector<1x128xf32>
    %get3A_15 = arith.constant 0 : index
    %get3A_16 = arith.constant 0 : index
    %get3A_17 = vector.load %arg2[%get3A_15, %get3A_16] : memref<10000x1xf32, #tpu.memory_space<vmem>>, vector<10000x1xf32>
    %div3A_18 = vector.broadcast %get3A_17 : vector<10000x1xf32> to vector<10000x128xf32>
    %div3A_19 = arith.divf %slice3A, %div3A_18 : vector<10000x128xf32>
    %get3A_20 = arith.constant 0 : index
    %get3A_21 = arith.constant 0 : index
    %get3A_22 = vector.load %arg5[%get3A_20, %get3A_21] : memref<128x128xf32, #tpu.memory_space<vmem>>, vector<128x128xf32>
    %dot_general3A_23 = arith.constant dense<0.000000e+00> : vector<10000x128xf32>
    %dot_general3A_24 = tpu.matmul %div3A_19, %get3A_22, %dot_general3A_23 {dimension_numbers = #tpu.dot_dimension_numbers<[1], [0], [0], [1], [0, 0, 1, 1], [], []>, transpose_lhs_hint = false} : vector<10000x128xf32>, vector<128x128xf32>, vector<10000x128xf32> -> vector<10000x128xf32>
    %add3A = vector.broadcast %dot_general3A_14 : vector<1x128xf32> to vector<10000x128xf32>
    %add3A_25 = arith.addf %dot_general3A_24, %add3A : vector<10000x128xf32>
    %swap3A = arith.constant 0 : index
    %swap3A_26 = arith.constant 0 : index
    %swap3A_27 = vector.load %arg8[%swap3A, %swap3A_26] : memref<10000x128xf32, #tpu.memory_space<vmem>>, vector<10000x128xf32>
    tpu.vector_store %arg8[%swap3A, %swap3A_26], %add3A_25 {strides = array<i32>} : memref<10000x128xf32, #tpu.memory_space<vmem>>, vector<10000x128xf32>,
    %get3A_28 = arith.constant 0 : index
    %get3A_29 = arith.constant 0 : index
    %get3A_30 = vector.load %arg3[%get3A_28, %get3A_29] : memref<10000x1xf32, #tpu.memory_space<vmem>>, vector<10000x1xf32>
    %div3A_31 = vector.broadcast %get3A_30 : vector<10000x1xf32> to vector<10000x128xf32>
    %div3A_32 = arith.divf %slice3A_5, %div3A_31 : vector<10000x128xf32>
    %get3A_33 = arith.constant 0 : index
    %get3A_34 = arith.constant 0 : index
    %get3A_35 = vector.load %arg6[%get3A_33, %get3A_34] : memref<128x128xf32, #tpu.memory_space<vmem>>, vector<128x128xf32>
    %dot_general3A_36 = arith.constant dense<0.000000e+00> : vector<10000x128xf32>
    %dot_general3A_37 = tpu.matmul %div3A_32, %get3A_35, %dot_general3A_36 {dimension_numbers = #tpu.dot_dimension_numbers<[1], [0], [0], [1], [0, 0, 1, 1], [], []>, transpose_lhs_hint = false} : vector<10000x128xf32>, vector<128x128xf32>, vector<10000x128xf32> -> vector<10000x128xf32>
    %swap3A_38 = arith.constant 0 : index
    %swap3A_39 = arith.constant 0 : index
    %swap3A_40 = vector.load %arg9[%swap3A_38, %swap3A_39] : memref<10000x128xf32, #tpu.memory_space<vmem>>, vector<10000x128xf32>
    tpu.vector_store %arg9[%swap3A_38, %swap3A_39], %dot_general3A_37 {strides = array<i32>} : memref<10000x128xf32, #tpu.memory_space<vmem>>, vector<10000x128xf32>,
    return
  }
}

</mosaic_0001>

<sc_bundles>
// kernel: kernel.6.cloned.1.call-start
scs
__scs_entry_jumppad:
0x0: {  	(pc) =	sbr.rel $0x88, $3  }
0x1: {  	(tag) =	ssettag $0x0;
	lr =	simm.s32 $0x1  }
0x2: {  	[smem:$0x3F9A] =	sst lr;
	_ =	strace $0xD0000000  }
0x3: {  	_ = 	snop  }
0x4: {  	_ = 	snop  }
0x5: {  	_ = 	snop  }
0x6: {  	_ = 	snop  }
0x7: {  	_ = 	snop  }
__scs_overlays_trampoline_lowered:
0x8: {  	[smem:$0x3FA9] =	sst s0  }
0x9: {  	[smem:$0x3FAA] =	sst s1  }
0xa: {  	[smem:$0x3FAB] =	sst s2  }
0xb: {  	[smem:$0x3FAC] =	sst s3  }
0xc: {  	[smem:$0x3FAD] =	sst s4  }
0xd: {  	[smem:$0x3FAE] =	sst s5  }
0xe: {  	[smem:$0x3FAF] =	sst s6  }
0xf: {  	[smem:$0x3FB0] =	sst s7  }
0x10: {  	[smem:$0x3FB1] =	sst s8  }
0x11: {  	[smem:$0x3FB2] =	sst s9;
	s0 =	simm.s32 @!p0 $0x0  }
0x12: {  	s1 =	sld [smem:$0x3F98];
	s0 =	simm.s32 @p0 $0x1  }
0x13: {  	[smem:$0x3FB3] =	sst s0;
	s0 =	simm.s32 @!p1 $0x0  }
0x14: {  	s2 =	sld [smem:$0x3F97];
	s0 =	simm.s32 @p1 $0x1  }
0x15: {  	[smem:$0x3FB4] =	sst s0;
	s0 =	simm.s32 @!p2 $0x0  }
0x16: {  	s3 =	sld [smem:$0x3FDB];
	s0 =	simm.s32 @p2 $0x1  }
0x17: {  	s4 =	simm.s32 $0x1BF5;
	[smem:$0x3FB6] =	sst s0  }
0x18: {  	s0 =	sld [smem:$0x3F99];
	_ =	swait.ge [sflag:s4], $0x0  }
0x19: {  	s7 =	sld [smem:$0x3F9A]  }
0x1a: {  	s8 =	sadd.s32 $0xFFFFE003, lr  }
0x1b: {  	s9 =	sadd.s32 $0xFFFFFEF7, lr;
	s5 =	simm.s32 $0xFFFFFFFF;
	p2 =	slt.u32 s8, $0xFFFFF086  }
0x1c: {  	p1 =	slt.u32 s9, $0xF7A;
	s5 =	simm.s32 @!p2 $0x0  }
0x1d: {  	s5 =	simm.s32 @p1 $0x1;
	p0 =	seq.s32 s7, s2  }
0x1e: {  	s7 =	smul.u32 @!p0 $0xF7A, s2;
	p2 =	seq.s32 @!p0 s5, $0x0  }
0x1f: {  	s9 =	smul.u32 $0xF7A, s1;
	s8 =	simm.s32 @!p0 $0x1BF5;
	p2 =	por !p2, p0  }
0x20: {  	[sflag:s8] =	ssyncset.s32 @!p0 $0xFFFFF086;
	s6 =	sadd.s32 @!p0 s3, s7;
	s7 =	simm.s32 @!p0 $0x108  }
0x21: {  	s3 =	sadd.s32 s3, s9;
	s6 =	sadd.s32 @!p0 $0x88, s6;
	s7 =	simm.s32 @p2 $0x1082  }
0x22: {  	[simem:s7], [sflag:s8] =	dma.local @!p0 [hbm:s6], $0xF7A  }
0x23: {  	s9 =	sor.u32 $0xD0000000, s2;
	s6 =	simm.s32 $0x108;
	_ =	swait.ge @!p0 [sflag:s8], $0x0  }
0x24: {  	s3 =	sadd.s32 $0x88, s3;
	s6 =	simm.s32 @!p1 $0x1082;
	[sflag:s4] =	ssyncset.s32 $0xFFFFF086  }
0x25: {  	[simem:s6], [sflag:s4] =	dma.local [hbm:s3], $0xF7A  }
0x26: {  	[smem:$0x3F9A] =	sst s1;
	(tag) =	ssettag s2;
	_ =	strace s9  }
0x27: {  	s1 =	sld [smem:$0x3FAA]  }
0x28: {  	s2 =	sld [smem:$0x3FAB]  }
0x29: {  	s4 =	sld [smem:$0x3FAD]  }
0x2a: {  	p0 =	seq.s32 s5, $0x0;
	s5 =	sld [smem:$0x3FAE]  }
0x2b: {  	s6 =	sld [smem:$0x3FAF]  }
0x2c: {  	s7 =	sld [smem:$0x3FB0]  }
0x2d: {  	s3 =	simm.s32 $0x108;
	s8 =	sld [smem:$0x3FB1]  }
0x2e: {  	s3 =	simm.s32 @!p0 $0x1082;
	s9 =	sld [smem:$0x3FB2]  }
0x2f: {  	lr =	sadd.s32 s0, s3;
	s0 =	sld [smem:$0x3FA9]  }
0x30: {  	s3 =	sld [smem:$0x3FAC]  }
0x31: {  	[smem:$0x3FB5] =	sst s10  }
0x32: {  	s10 =	sld [smem:$0x3FB3];
	_ =	sdelay $0x3  }
0x33: {  	p0 =	seq.s32 s10, $0x1;
	s10 =	sld [smem:$0x3FB5];
	_ =	sdelay $0x3  }
0x34: {  	[smem:$0x3FB5] =	sst s10  }
0x35: {  	s10 =	sld [smem:$0x3FB4];
	_ =	sdelay $0x3  }
0x36: {  	p1 =	seq.s32 s10, $0x1;
	s10 =	sld [smem:$0x3FB5];
	_ =	sdelay $0x3  }
0x37: {  	[smem:$0x3FB5] =	sst s10  }
0x38: {  	s10 =	sld [smem:$0x3FB6]  }
0x39: {  	_ = 	snop;
	(pc) =	sbr.ind lr, $3  }
0x3a: {  	_ = 	snop  }
0x3b: {  	_ = 	snop  }
0x3c: {  	p2 =	seq.s32 s10, $0x1;
	s10 =	sld [smem:$0x3FB5]  }
0x3d: {  	_ =	shalt  }
0x3e: {  	_ =	shalt  }
0x3f: {  	_ =	shalt  }
0x40: {  	_ =	shalt  }
0x41: {  	_ =	shalt  }
0x42: {  	_ =	shalt  }
0x43: {  	_ =	shalt  }
0x44: {  	_ =	shalt  }
0x45: {  	_ =	shalt  }
0x46: {  	_ =	shalt  }
0x47: {  	_ =	shalt  }
0x48: {  	_ =	shalt  }
0x49: {  	_ =	shalt  }
0x4a: {  	_ =	shalt  }
0x4b: {  	_ =	shalt  }
0x4c: {  	_ =	shalt  }
0x4d: {  	_ =	shalt  }
0x4e: {  	_ =	shalt  }
0x4f: {  	_ =	shalt  }
0x50: {  	_ =	shalt  }
0x51: {  	_ =	shalt  }
0x52: {  	_ =	shalt  }
0x53: {  	_ =	shalt  }
0x54: {  	_ =	shalt  }
0x55: {  	_ =	shalt  }
0x56: {  	_ =	shalt  }
0x57: {  	_ =	shalt  }
0x58: {  	_ =	shalt  }
0x59: {  	_ =	shalt  }
0x5a: {  	_ =	shalt  }
0x5b: {  	_ =	shalt  }
0x5c: {  	_ =	shalt  }
0x5d: {  	_ =	shalt  }
0x5e: {  	_ =	shalt  }
0x5f: {  	_ =	shalt  }
0x60: {  	_ =	shalt  }
0x61: {  	_ =	shalt  }
0x62: {  	_ =	shalt  }
0x63: {  	_ =	shalt  }
0x64: {  	_ =	shalt  }
0x65: {  	_ =	shalt  }
0x66: {  	_ =	shalt  }
0x67: {  	_ =	shalt  }
0x68: {  	_ =	shalt  }
0x69: {  	_ =	shalt  }
0x6a: {  	_ =	shalt  }
0x6b: {  	_ =	shalt  }
0x6c: {  	_ =	shalt  }
0x6d: {  	_ =	shalt  }
0x6e: {  	_ =	shalt  }
0x6f: {  	_ =	shalt  }
0x70: {  	_ =	shalt  }
0x71: {  	_ =	shalt  }
0x72: {  	_ =	shalt  }
0x73: {  	_ =	shalt  }
0x74: {  	_ =	shalt  }
0x75: {  	_ =	shalt  }
0x76: {  	_ =	shalt  }
0x77: {  	_ =	shalt  }
0x78: {  	_ =	shalt  }
0x79: {  	_ =	shalt  }
0x7a: {  	_ =	shalt  }
0x7b: {  	_ =	shalt  }
0x7c: {  	_ =	shalt  }
0x7d: {  	_ =	shalt  }
0x7e: {  	_ =	shalt  }
0x7f: {  	_ =	shalt  }
0x80: {  	_ =	shalt  }
0x81: {  	_ =	shalt  }
0x82: {  	_ =	shalt  }
0x83: {  	_ =	shalt  }
0x84: {  	_ =	shalt  }
0x85: {  	_ =	shalt  }
0x86: {  	_ =	shalt  }
0x87: {  	_ =	shalt  }
.Lfunc_end0:
.L_simem_size_0:
called_computation_lowered:
.L_overlay_start_0:
0x88: {  	s2 =	sld [smem:$0x3FD9]  }
0x89: {  	s3 =	sld [smem:$0x3FFE];
	_ =	sdelay $0x1  }
0x8a: {  	s1 =	srdreg.scid  }
0x8b: {  	s0 =	sand.u32 $0x1, s1  }
0x8c: {  	s17 =	sshll.u32 s0, $0xA;
	s2 =	sadd.s32 s3, s2  }
0x8d: {  	s2 =	sadd.s32 s2, s17  }
0x8e: {  	[smem:$0x3FC1] =	sst s2  }
0x8f: {  	_ = 	snop  }
0x90: {  	s2 =	sld [smem:$0x3FC9]  }
0x91: {  	s18 =	sld [smem:$0x3FD0];
	(tm) =	ssettm $0x1  }
0x92: {  	s4 =	sld [smem:$0x3FFB];
	_ =	sdelay $0x3  }
0x93: {  	_ =	strace s4  }
0x94: {  	s4 =	sld [smem:$0x3FFC];
	_ =	sdelay $0x3  }
0x95: {  	_ =	strace s4  }
0x96: {  	s4 =	sld [smem:$0x3FFD];
	_ =	sdelay $0x3  }
0x97: {  	_ =	strace s4  }
0x98: {  	_ =	strace $0x8FFFFFFF  }
0x99: {  	s19 =	sld [smem:$0x3FDB];
	_ =	sdelay $0x1  }
0x9a: {  	s5 =	simm.s32 $_scs_section_size  }
0x9b: {  	s6 =	simm.s32 $_size__tile_overlayer_lowered;
	s7 =	simm.s32 $_tile_overlayer_lowered  }
0x9c: {  	s22 =	simm.s32 $0x1BFF;
	s21 =	sshll.u32 s7, $0x1;
	s4 =	sadd.s32 s5, s19  }
0x9d: {  	s8 =	simm.s32 $0x0;
	s20 =	sshll.u32 s6, $0x1;
	s6 =	sadd.s32 s21, s4  }
0x9e: {  	[timem:s8], [sflag:s22] =	dma.local [hbm:s6], s20  }
0x9f: {  	_ =	swait.ge [sflag:s22], s20  }
0xa0: {  	s5 =	ssub.s32 $0x0, s20;
	[sflag:s22] =	ssyncset.done $0x0  }
0xa1: {  	[sflag:s22] =	ssyncadd.s32 s5;
	_ =	sdelay $0x1  }
0xa2: {  	s23 =	simm.s32 $0x1B8B  }
0xa3: {  	_ =	swait.ge [sflag:s23], $0x1  }
0xa4: {  	[sflag:s23] =	ssyncset.done $0x0  }
0xa5: {  	s25 =	simm.s32 $0x1B8E;
	s24 =	sld [smem:$0x3FFE];
	[sflag:s23] =	ssyncadd.s32 $0xFFFFFFFF  }
0xa6: {  	s26 =	simm.s32 $execute0_lowered;
	[smem:$0x3FD2] =	sst s25  }
0xa7: {  	s6 =	sshll.u32 s26, $0x1;
	_ =	strace $0x80000046;
	[dreg:$0x1] =	wrdreg $0xFFFFFFFF  }
0xa8: {  	s28 =	simm.s32 $_size_execute0_lowered;
	s4 =	sadd.s32 s4, s6;
	[dreg:$0x0] =	wrdreg $0x0  }
0xa9: {  	s6 =	sshll.u32 s28, $0x1;
	[dreg:$0x2] =	wrdreg s4  }
0xaa: {  	[dreg:$0x3] =	wrdreg s6  }
0xab: {  	[dreg:$0x4] =	wrdreg $0xC0  }
0xac: {  	_ =	task [dreg:s8], $0x5FFFF  }
0xad: {  	[dreg:$0x1] =	wrdreg $0xFFFFFFFF  }
0xae: {  	[dreg:$0x0] =	wrdreg $0x60  }
0xaf: {  	[dreg:$0x2] =	wrdreg s2  }
0xb0: {  	[dreg:$0x3] =	wrdreg s24  }
0xb1: {  	[dreg:$0x4] =	wrdreg s18  }
0xb2: {  	[dreg:$0x5] =	wrdreg $0x0  }
0xb3: {  	[dreg:$0x6] =	wrdreg $0x9  }
0xb4: {  	_ =	task.clear_ibuf [dreg:s8], $0x7FFFF;
	_ =	strace $0x90000046  }
0xb5: {  	s29 =	simm.s32 $0x9;
	_ =	strace $0x80000048  }
0xb6: {  	_ =	swait.ge [sflag:s29], $0x1  }
0xb7: {  	[sflag:s29] =	ssyncadd.s32 $0xFFFFFFFF  }
0xb8: {  	_ =	strace $0x90000048  }
0xb9: {  	_ =	sfence  }
0xba: {  	s30 =	sld [smem:$0x0];
	_ =	sdelay $0x2  }
0xbb: {  	s31 =	sshll.u32 s1, $0xD;
	s1 =	sshrl.u32 s1, $0x2  }
0xbc: {  	s3 =	sand.u32 $0x4000, s31;
	s1 =	sadd.s32 s1, s30  }
0xbd: {  	s0 =	sor.u32 s3, s0;
	s1 =	sshll.u32 s1, $0x11  }
0xbe: {  	s0 =	sor.u32 s1, s0  }
0xbf: {  	s0 =	sadd.s32 $0x8F2B, s0  }
0xc0: {  	[sflag:s0] =	ssyncadd.remote.s32 $0x1  }
0xc1: {  	_ =	sfence.sel $0xFFFF  }
0xc2: {  	[dreg:$0x0] =	wrdreg $0xFFFFFFFF;
	(pc) =	sbr.abs _section_cstart, $3  }
0xc3: {  	[dreg:$0x1] =	wrdreg $0xFFFFFFFF  }
0xc4: {  	_ =	task.clear_ibuf [dreg:s8], $0x2FFFF;
	_ =	strace $0x9FFFFFFF  }
0xc5: {  	(tm) =	ssettm $0x7FFFFFFF  }
tec
execute0_lowered:
.L_overlay_start_1:
0x0: {  	(tag) =	ssettag $0x1  }
0x1: {  	s0 =	rddreg [dreg:$0x0]  }
0x2: {  	s2 =	rddreg [dreg:$0x1]  }
0x3: {  	s5 =	rddreg [dreg:$0x2]  }
0x4: {  	s1 =	rddreg [dreg:$0x3];
	s3 =	simm.s32 $0x0;
	s6 =	srdreg.scid  }
0x5: {  	s15 =	stileid.u32;
	s28 =	simm.s32 $0x1E180;
	s29 =	simm.s32 $0x1  }
0x6: {  	s30 =	simm.s32 $0x3;
	s31 =	simm.s32 $0x5;
	[smem:$0x7FF] =	sst s3  }
0x7: {  	s4 =	sadd.s32 $0x1A00, s2;
	s7 =	sand.u32 $0x1, s6;
	s12 =	smul.u32 $0x50000, s15  }
0x8: {  	s8 =	sadd.s32 $0x15400, s2;
	s9 =	smul.u32 $0x4E20, s15;
	s2 =	sadd.s32 $0x17C00, s2  }
0x9: {  	s14 =	sshll.u32 s15, $0x6;
	s16 =	smul.u32 $0x2800, s15;
	_ =	strace $0x80000047  }
0xa: {  	[dreg:$0x5] =	wrdreg s8;
	s13 =	ssub.s32 $0x2, s7;
	s11 =	smul.u32 $0x4E200, s7  }
0xb: {  	p0 =	seq.s32 s7, $0x1;
	s7 =	simm.s32 $0x4;
	s10 =	sshrl.u32 s13, $0x1  }
0xc: {  	s6 =	sshrl.u32 s12, $0x2;
	s12 =	smul.u32 $0x4E200, s15;
	s5 =	smov.u32 @p0 s2  }
0xd: {  	s2 =	simm.s32 $0x16800;
	s8 =	ssub.s32 s13, s10;
	s10 =	sadd.s32 s6, s1  }
0xe: {  	s13 =	sadd.s32 s9, s11;
	s6 =	sor.u32 $0x1C09, s14;
	s9 =	sadd.s32 $0xA0, s9  }
0xf: {  	s19 =	sadd.s32 s5, s16;
	s5 =	simm.s32 $0x7;
	s14 =	sshrl.u32 s13, $0x3  }
0x10: {  	s12 =	sadd.s32 s0, s12;
	s11 =	sadd.s32 s11, s9;
	s9 =	sshll.u32 s9, $0x4  }
0x11: {  	s18 =	smax.u32 s8, $0x1;
	[dreg:$0xd] =	wrdreg s19;
	s20 =	sadd.s32 $0x1E0, s13  }
0x12: {  	s22 =	sadd.s32 $0x230, s13;
	s24 =	sadd.s32 $0x190, s13;
	s25 =	sadd.s32 $0x140, s13  }
0x13: {  	s8 =	simm.s32 $0x6;
	s14 =	sadd.s32 s4, s14;
	[dreg:$0xc] =	wrdreg s18  }
0x14: {  	s11 =	sshrl.u32 s11, $0x3;
	s0 =	sadd.s32 s0, s9;
	[dreg:$0x6] =	wrdreg s12  }
0x15: {  	s21 =	sadd.s32 $0x1E00, s12;
	s23 =	sshrl.u32 s22, $0x3;
	[dreg:$0xf] =	wrdreg s25  }
0x16: {  	s26 =	sshrl.u32 s24, $0x3;
	s22 =	simm.s32 $0x14000;
	s24 =	simm.s32 $0x1E100  }
0x17: {  	s25 =	simm.s32 $0x19000;
	s9 =	simm.s32 $0x2;
	[dreg:$0x7] =	wrdreg s14  }
0x18: {  	s12 =	simm.s32 $0x8;
	s14 =	sadd.s32 $0xA, s14;
	[dreg:$0xa] =	wrdreg s0  }
0x19: {  	s11 =	sadd.s32 s4, s11;
	[dreg:$0xe] =	wrdreg s21;
	s0 =	sshrl.u32 s20, $0x3  }
.Ltmp0:
0x1a: {  	s19 =	sadd.s32 s26, s4;
	s20 =	sshrl.u32 s10, $0x3;
	(pc) =	sbr.rel .LBB2_1-.Ltmp0, $4  }
0x1b: {  	s21 =	simm.s32 $0x9;
	s26 =	simm.s32 $0x1E080;
	[dreg:$0x8] =	wrdreg s14  }
0x1c: {  	s10 =	simm.s32 $0x0;
	[dreg:$0x9] =	wrdreg s11;
	s17 =	sadd.s32 $0xA, s11  }
0x1d: {  	s16 =	sadd.s32 s0, s4;
	s0 =	simm.s32 $0x50;
	s11 =	simm.s32 $0x1B800  }
0x1e: {  	[dreg:$0xb] =	wrdreg s17;
	s17 =	sadd.s32 s23, s4;
	s23 =	simm.s32 $0x1E000  }
.LBB2_4:
0x1f: {  	_ =	swait.ge [sflag:s29], $0x5000  }
0x20: {  	[sflag:s29] =	ssyncset.done $0x0  }
0x21: {  	[sflag:s29] =	ssyncadd.s32 $0xFFFFB000  }
0x22: {  	_ =	swait.ge [sflag:s30], $0x50  }
0x23: {  	[sflag:s30] =	ssyncset.done $0x0  }
0x24: {  	[sflag:s30] =	ssyncadd.s32 $0xFFFFFFB0  }
0x25: {  	_ =	swait.ge [sflag:s31], $0x50  }
0x26: {  	[sflag:s31] =	ssyncset.done $0x0  }
0x27: {  	[sflag:s31] =	ssyncadd.s32 $0xFFFFFFB0  }
0x28: {  	[spmem:s1] =	stream.indirect.scatter.add.f32 [tilespmem:s22], [sflag:$0x7], $0x80, s23, s0, $0xb8;
	[tilespmem:$0x1E200] =	vst v63  }
0x29: {  	_ = 	snop  }
0x2a: {  	[spmem:s1] =	stream.indirect.scatter.add.f32 [tilespmem:s2], [sflag:$0x9], $0x80, s24, s0, $0xb8;
	[tilespmem:$0x1E200] =	vst v63  }
0x2b: {  	_ =	swait.ge [sflag:s21], $0x2800  }
0x2c: {  	[sflag:s21] =	ssyncset.done $0x0  }
0x2d: {  	[sflag:s21] =	ssyncadd.s32 $0xFFFFD800  }
0x2e: {  	_ =	swait.ge [sflag:s5], $0x2800  }
0x2f: {  	[sflag:s5] =	ssyncset.done $0x0  }
0x30: {  	[sflag:s5] =	ssyncadd.s32 $0xFFFFD800  }
0x31: {  	[bflag:$0x0] =	sbarrier.arrive $0xFFFF  }
0x32: {  	s13 =	rddreg [dreg:$0xd]  }
0x33: {  	[hbm:s13], [sflag:s6] =	dma.local [spmem:s20], $0x2800  }
0x34: {  	_ =	swait.ge [sflag:s21], $0x2800  }
0x35: {  	s10 =	sadd.s32 $0x1, s10;
	s18 =	rddreg [dreg:$0xc]  }
0x36: {  	p0 =	sne.s32 s10, s18  }
.Ltmp1:
0x37: {  	_ = 	snop;
	(pc) =	sbr.rel @!p0 .LBB2_5-.Ltmp1, $3  }
0x38: {  	_ =	sdelay $0x1  }
0x39: {  	[sflag:s21] =	ssyncset.done $0x0  }
0x3a: {  	[sflag:s21] =	ssyncadd.s32 $0xFFFFD800  }
.LBB2_1:
0x3b: {  	s13 =	rddreg [dreg:$0x5]  }
0x3c: {  	[spmem:s20], [sflag:s6] =	dma.local [hbm:s13], $0x2800  }
0x3d: {  	_ =	swait.ge [sflag:s21], $0x2800  }
0x3e: {  	[sflag:s21] =	ssyncset.done $0x0  }
0x3f: {  	[sflag:s21] =	ssyncadd.s32 $0xFFFFD800  }
0x40: {  	[bflag:$0x0] =	sbarrier.arrive $0xFFFF  }
0x41: {  	s14 =	rddreg [dreg:$0x6]  }
0x42: {  	s15 =	rddreg [dreg:$0x7]  }
0x43: {  	[tilespmem:s22], [sflag:$0x1] =	stream.linear.gather [hbm4b:s14+s3], $0x5000, $0x38;
	[tilespmem:$0x1E200] =	vst v63  }
0x44: {  	s18 =	rddreg [dreg:$0x8]  }
0x45: {  	[tilespmem:s23], [sflag:$0x3] =	stream.linear.gather [hbm4b:s15+s3], $0x50, $0x38;
	[tilespmem:$0x1E200] =	vst v63  }
0x46: {  	s14 =	rddreg [dreg:$0xa]  }
0x47: {  	[tilespmem:s24], [sflag:$0x5] =	stream.linear.gather [hbm4b:s18+s3], $0x50, $0x38;
	[tilespmem:$0x1E200] =	vst v63  }
0x48: {  	s15 =	rddreg [dreg:$0x9]  }
0x49: {  	[tilespmem:s25], [sflag:$0x2] =	stream.linear.gather [hbm4b:s14+s3], $0x5000, $0x38;
	[tilespmem:$0x1E200] =	vst v63  }
0x4a: {  	s18 =	rddreg [dreg:$0xb]  }
0x4b: {  	[tilespmem:s26], [sflag:$0x4] =	stream.linear.gather [hbm4b:s15+s3], $0x50, $0x38;
	[tilespmem:$0x1E200] =	vst v63  }
0x4c: {  	s15 =	rddreg [dreg:$0xe]  }
0x4d: {  	[tilespmem:s28], [sflag:$0x6] =	stream.linear.gather [hbm4b:s18+s3], $0x50, $0x38;
	[tilespmem:$0x1E200] =	vst v63  }
0x4e: {  	s14 =	simm.s32 $0x0;
	s18 =	rddreg [dreg:$0xf]  }
.LBB2_2:
0x4f: {  	_ =	swait.ge [sflag:s29], $0x5000  }
0x50: {  	[sflag:s29] =	ssyncset.done $0x0  }
0x51: {  	[sflag:s29] =	ssyncadd.s32 $0xFFFFB000  }
0x52: {  	_ =	swait.ge [sflag:s30], $0x50  }
0x53: {  	[sflag:s30] =	ssyncset.done $0x0  }
0x54: {  	[sflag:s30] =	ssyncadd.s32 $0xFFFFFFB0  }
0x55: {  	_ =	swait.ge [sflag:s31], $0x50  }
0x56: {  	[sflag:s31] =	ssyncset.done $0x0  }
0x57: {  	[sflag:s31] =	ssyncadd.s32 $0xFFFFFFB0  }
0x58: {  	[spmem:s1] =	stream.indirect.scatter.add.f32 [tilespmem:s22], [sflag:$0x7], $0x80, s23, s0, $0xb8;
	[tilespmem:$0x1E200] =	vst v63  }
0x59: {  	_ = 	snop  }
0x5a: {  	[spmem:s1] =	stream.indirect.scatter.add.f32 [tilespmem:s2], [sflag:$0x9], $0x80, s24, s0, $0xb8;
	[tilespmem:$0x1E200] =	vst v63  }
0x5b: {  	_ =	swait.ge [sflag:s21], $0x2800  }
0x5c: {  	[sflag:s21] =	ssyncset.done $0x0  }
0x5d: {  	[sflag:s21] =	ssyncadd.s32 $0xFFFFD800  }
0x5e: {  	_ =	swait.ge [sflag:s5], $0x2800  }
0x5f: {  	[sflag:s5] =	ssyncset.done $0x0  }
0x60: {  	s13 =	sadd.s32 $0xFFFFF600, s15;
	[sflag:s5] =	ssyncadd.s32 $0xFFFFD800  }
0x61: {  	[tilespmem:s22], [sflag:$0x1] =	stream.linear.gather [hbm4b:s13+s3], $0x5000, $0x38;
	[tilespmem:$0x1E200] =	vst v63  }
0x62: {  	s13 =	sshrl.u32 s18, $0x3  }
0x63: {  	s13 =	sadd.s32 s4, s13  }
0x64: {  	[tilespmem:s23], [sflag:$0x3] =	stream.linear.gather [hbm4b:s13+s3], $0x50, $0x38;
	[tilespmem:$0x1E200] =	vst v63  }
0x65: {  	s13 =	sadd.s32 s14, s19  }
0x66: {  	[tilespmem:s24], [sflag:$0x5] =	stream.linear.gather [hbm4b:s13+s3], $0x50, $0x38;
	[tilespmem:$0x1E200] =	vst v63  }
0x67: {  	_ =	swait.ge [sflag:s9], $0x5000  }
0x68: {  	[sflag:s9] =	ssyncset.done $0x0  }
0x69: {  	[sflag:s9] =	ssyncadd.s32 $0xFFFFB000  }
0x6a: {  	_ =	swait.ge [sflag:s7], $0x50  }
0x6b: {  	[sflag:s7] =	ssyncset.done $0x0  }
0x6c: {  	[sflag:s7] =	ssyncadd.s32 $0xFFFFFFB0  }
0x6d: {  	_ =	swait.ge [sflag:s8], $0x50  }
0x6e: {  	[sflag:s8] =	ssyncset.done $0x0  }
0x6f: {  	[sflag:s8] =	ssyncadd.s32 $0xFFFFFFB0  }
0x70: {  	[spmem:s1] =	stream.indirect.scatter.add.f32 [tilespmem:s25], [sflag:$0x8], $0x80, s26, s0, $0xb8;
	[tilespmem:$0x1E200] =	vst v63  }
0x71: {  	_ = 	snop  }
0x72: {  	[spmem:s1] =	stream.indirect.scatter.add.f32 [tilespmem:s11], [sflag:$0x9], $0x80, s28, s0, $0xb8;
	[tilespmem:$0x1E200] =	vst v63  }
0x73: {  	p0 =	seq.s32 s14, $0x988;
	_ =	swait.ge [sflag:s21], $0x2800  }
.Ltmp2:
0x74: {  	[sflag:s21] =	ssyncset.done $0x0;
	(pc) =	sbr.rel @p0 .LBB2_4-.Ltmp2, $4  }
0x75: {  	[sflag:s21] =	ssyncadd.s32 $0xFFFFD800  }
0x76: {  	_ =	swait.ge [sflag:s12], $0x2800  }
0x77: {  	[sflag:s12] =	ssyncset.done $0x0  }
0x78: {  	[sflag:s12] =	ssyncadd.s32 $0xFFFFD800  }
0x79: {  	[tilespmem:s25], [sflag:$0x2] =	stream.linear.gather [hbm4b:s15+s3], $0x5000, $0x38;
	[tilespmem:$0x1E200] =	vst v63  }
.Ltmp3:
0x7a: {  	_ = 	snop;
	(pc) =	sbr.rel .LBB2_2-.Ltmp3, $4  }
0x7b: {  	s13 =	sadd.s32 s14, s16;
	s15 =	sadd.s32 $0x1400, s15  }
0x7c: {  	[tilespmem:s26], [sflag:$0x4] =	stream.linear.gather [hbm4b:s13+s3], $0x50, $0x38;
	[tilespmem:$0x1E200] =	vst v63  }
0x7d: {  	s18 =	sadd.s32 $0x140, s18;
	s13 =	sadd.s32 s14, s17;
	s14 =	sadd.s32 $0x28, s14  }
0x7e: {  	[tilespmem:s28], [sflag:$0x6] =	stream.linear.gather [hbm4b:s13+s3], $0x50, $0x38;
	[tilespmem:$0x1E200] =	vst v63  }
.LBB2_5:
0x7f: {  	_ =	sfence.sel $0x180000  }
0x80: {  	[bflag:$0x0] =	sbarrier.arrive $0xFFFF  }
0x81: {  	_ =	strace $0x90000047  }
0x82: {  	s0 =	stileid.u32;
	[bflag:$0x2] =	sbarrier.arrive $0xFFFF  }
0x83: {  	p0 =	sne.s32 s0, $0x0;
	s0 =	rddreg [dreg:$0x4]  }
0x84: {  	s0 =	sadd.s32 @!p0 $0x100000, s0  }
0x85: {  	[sflag:s0] =	ssyncadd.tile.s32 @!p0 $0x1;
	_ =	shalt  }
.Lfunc_end2:
_tile_overlayer_lowered:
.L_overlay_start_2:
0x86: {  	(tag) =	ssettag $0x2  }
0x87: {  	s0 =	rddreg [dreg:$0x0];
	s2 =	stileid.u32  }
0x88: {  	s1 =	rddreg [dreg:$0x1];
	p0 =	sne.s32 s2, $0x0  }
0x89: {  	s3 =	rddreg [dreg:$0x2];
	[bflag:$0x3] =	sbarrier.arrive $0xFFFF;
	s2 =	simm.s32 @!p0 $0x1C09  }
0x8a: {  	[timem:s3], [sflag:s2] =	dma.local @!p0 [hbm:s0], s1  }
0x8b: {  	s0 =	simm.s32 @!p0 $0x9  }
0x8c: {  	_ =	swait.ge @!p0 [sflag:s0], s1  }
0x8d: {  	s1 =	ssub.s32 @!p0 $0x0, s1;
	[sflag:s0] =	ssyncset.done @!p0 $0x0  }
0x8e: {  	[sflag:s0] =	ssyncadd.s32 @!p0 s1  }
0x8f: {  	[bflag:$0x3] =	sbarrier.arrive $0xFFFF  }
0x90: {  	_ =	shalt  }

// kernel: kernel.9.cloned.1.call-start
scs
__scs_entry_jumppad:
0x0: {  	(pc) =	sbr.rel $0x88, $3  }
0x1: {  	(tag) =	ssettag $0x0;
	lr =	simm.s32 $0x1  }
0x2: {  	[smem:$0x3F9A] =	sst lr;
	_ =	strace $0xD0000000  }
0x3: {  	_ = 	snop  }
0x4: {  	_ = 	snop  }
0x5: {  	_ = 	snop  }
0x6: {  	_ = 	snop  }
0x7: {  	_ = 	snop  }
__scs_overlays_trampoline_lowered:
0x8: {  	[smem:$0x3FA9] =	sst s0  }
0x9: {  	[smem:$0x3FAA] =	sst s1  }
0xa: {  	[smem:$0x3FAB] =	sst s2  }
0xb: {  	[smem:$0x3FAC] =	sst s3  }
0xc: {  	[smem:$0x3FAD] =	sst s4  }
0xd: {  	[smem:$0x3FAE] =	sst s5  }
0xe: {  	[smem:$0x3FAF] =	sst s6  }
0xf: {  	[smem:$0x3FB0] =	sst s7  }
0x10: {  	[smem:$0x3FB1] =	sst s8  }
0x11: {  	[smem:$0x3FB2] =	sst s9;
	s0 =	simm.s32 @!p0 $0x0  }
0x12: {  	s1 =	sld [smem:$0x3F98];
	s0 =	simm.s32 @p0 $0x1  }
0x13: {  	[smem:$0x3FB3] =	sst s0;
	s0 =	simm.s32 @!p1 $0x0  }
0x14: {  	s2 =	sld [smem:$0x3F97];
	s0 =	simm.s32 @p1 $0x1  }
0x15: {  	[smem:$0x3FB4] =	sst s0;
	s0 =	simm.s32 @!p2 $0x0  }
0x16: {  	s3 =	sld [smem:$0x3FDB];
	s0 =	simm.s32 @p2 $0x1  }
0x17: {  	s4 =	simm.s32 $0x1BF5;
	[smem:$0x3FB6] =	sst s0  }
0x18: {  	s0 =	sld [smem:$0x3F99];
	_ =	swait.ge [sflag:s4], $0x0  }
0x19: {  	s7 =	sld [smem:$0x3F9A]  }
0x1a: {  	s8 =	sadd.s32 $0xFFFFE003, lr  }
0x1b: {  	s9 =	sadd.s32 $0xFFFFFEF7, lr;
	s5 =	simm.s32 $0xFFFFFFFF;
	p2 =	slt.u32 s8, $0xFFFFF086  }
0x1c: {  	p1 =	slt.u32 s9, $0xF7A;
	s5 =	simm.s32 @!p2 $0x0  }
0x1d: {  	s5 =	simm.s32 @p1 $0x1;
	p0 =	seq.s32 s7, s2  }
0x1e: {  	s7 =	smul.u32 @!p0 $0xF7A, s2;
	p2 =	seq.s32 @!p0 s5, $0x0  }
0x1f: {  	s9 =	smul.u32 $0xF7A, s1;
	s8 =	simm.s32 @!p0 $0x1BF5;
	p2 =	por !p2, p0  }
0x20: {  	[sflag:s8] =	ssyncset.s32 @!p0 $0xFFFFF086;
	s6 =	sadd.s32 @!p0 s3, s7;
	s7 =	simm.s32 @!p0 $0x108  }
0x21: {  	s3 =	sadd.s32 s3, s9;
	s6 =	sadd.s32 @!p0 $0x88, s6;
	s7 =	simm.s32 @p2 $0x1082  }
0x22: {  	[simem:s7], [sflag:s8] =	dma.local @!p0 [hbm:s6], $0xF7A  }
0x23: {  	s9 =	sor.u32 $0xD0000000, s2;
	s6 =	simm.s32 $0x108;
	_ =	swait.ge @!p0 [sflag:s8], $0x0  }
0x24: {  	s3 =	sadd.s32 $0x88, s3;
	s6 =	simm.s32 @!p1 $0x1082;
	[sflag:s4] =	ssyncset.s32 $0xFFFFF086  }
0x25: {  	[simem:s6], [sflag:s4] =	dma.local [hbm:s3], $0xF7A  }
0x26: {  	[smem:$0x3F9A] =	sst s1;
	(tag) =	ssettag s2;
	_ =	strace s9  }
0x27: {  	s1 =	sld [smem:$0x3FAA]  }
0x28: {  	s2 =	sld [smem:$0x3FAB]  }
0x29: {  	s4 =	sld [smem:$0x3FAD]  }
0x2a: {  	p0 =	seq.s32 s5, $0x0;
	s5 =	sld [smem:$0x3FAE]  }
0x2b: {  	s6 =	sld [smem:$0x3FAF]  }
0x2c: {  	s7 =	sld [smem:$0x3FB0]  }
0x2d: {  	s3 =	simm.s32 $0x108;
	s8 =	sld [smem:$0x3FB1]  }
0x2e: {  	s3 =	simm.s32 @!p0 $0x1082;
	s9 =	sld [smem:$0x3FB2]  }
0x2f: {  	lr =	sadd.s32 s0, s3;
	s0 =	sld [smem:$0x3FA9]  }
0x30: {  	s3 =	sld [smem:$0x3FAC]  }
0x31: {  	[smem:$0x3FB5] =	sst s10  }
0x32: {  	s10 =	sld [smem:$0x3FB3];
	_ =	sdelay $0x3  }
0x33: {  	p0 =	seq.s32 s10, $0x1;
	s10 =	sld [smem:$0x3FB5];
	_ =	sdelay $0x3  }
0x34: {  	[smem:$0x3FB5] =	sst s10  }
0x35: {  	s10 =	sld [smem:$0x3FB4];
	_ =	sdelay $0x3  }
0x36: {  	p1 =	seq.s32 s10, $0x1;
	s10 =	sld [smem:$0x3FB5];
	_ =	sdelay $0x3  }
0x37: {  	[smem:$0x3FB5] =	sst s10  }
0x38: {  	s10 =	sld [smem:$0x3FB6]  }
0x39: {  	_ = 	snop;
	(pc) =	sbr.ind lr, $3  }
0x3a: {  	_ = 	snop  }
0x3b: {  	_ = 	snop  }
0x3c: {  	p2 =	seq.s32 s10, $0x1;
	s10 =	sld [smem:$0x3FB5]  }
0x3d: {  	_ =	shalt  }
0x3e: {  	_ =	shalt  }
0x3f: {  	_ =	shalt  }
0x40: {  	_ =	shalt  }
0x41: {  	_ =	shalt  }
0x42: {  	_ =	shalt  }
0x43: {  	_ =	shalt  }
0x44: {  	_ =	shalt  }
0x45: {  	_ =	shalt  }
0x46: {  	_ =	shalt  }
0x47: {  	_ =	shalt  }
0x48: {  	_ =	shalt  }
0x49: {  	_ =	shalt  }
0x4a: {  	_ =	shalt  }
0x4b: {  	_ =	shalt  }
0x4c: {  	_ =	shalt  }
0x4d: {  	_ =	shalt  }
0x4e: {  	_ =	shalt  }
0x4f: {  	_ =	shalt  }
0x50: {  	_ =	shalt  }
0x51: {  	_ =	shalt  }
0x52: {  	_ =	shalt  }
0x53: {  	_ =	shalt  }
0x54: {  	_ =	shalt  }
0x55: {  	_ =	shalt  }
0x56: {  	_ =	shalt  }
0x57: {  	_ =	shalt  }
0x58: {  	_ =	shalt  }
0x59: {  	_ =	shalt  }
0x5a: {  	_ =	shalt  }
0x5b: {  	_ =	shalt  }
0x5c: {  	_ =	shalt  }
0x5d: {  	_ =	shalt  }
0x5e: {  	_ =	shalt  }
0x5f: {  	_ =	shalt  }
0x60: {  	_ =	shalt  }
0x61: {  	_ =	shalt  }
0x62: {  	_ =	shalt  }
0x63: {  	_ =	shalt  }
0x64: {  	_ =	shalt  }
0x65: {  	_ =	shalt  }
0x66: {  	_ =	shalt  }
0x67: {  	_ =	shalt  }
0x68: {  	_ =	shalt  }
0x69: {  	_ =	shalt  }
0x6a: {  	_ =	shalt  }
0x6b: {  	_ =	shalt  }
0x6c: {  	_ =	shalt  }
0x6d: {  	_ =	shalt  }
0x6e: {  	_ =	shalt  }
0x6f: {  	_ =	shalt  }
0x70: {  	_ =	shalt  }
0x71: {  	_ =	shalt  }
0x72: {  	_ =	shalt  }
0x73: {  	_ =	shalt  }
0x74: {  	_ =	shalt  }
0x75: {  	_ =	shalt  }
0x76: {  	_ =	shalt  }
0x77: {  	_ =	shalt  }
0x78: {  	_ =	shalt  }
0x79: {  	_ =	shalt  }
0x7a: {  	_ =	shalt  }
0x7b: {  	_ =	shalt  }
0x7c: {  	_ =	shalt  }
0x7d: {  	_ =	shalt  }
0x7e: {  	_ =	shalt  }
0x7f: {  	_ =	shalt  }
0x80: {  	_ =	shalt  }
0x81: {  	_ =	shalt  }
0x82: {  	_ =	shalt  }
0x83: {  	_ =	shalt  }
0x84: {  	_ =	shalt  }
0x85: {  	_ =	shalt  }
0x86: {  	_ =	shalt  }
0x87: {  	_ =	shalt  }
.Lfunc_end0:
.L_simem_size_0:
called_computation.1_lowered:
.L_overlay_start_0:
0x88: {  	s2 =	sld [smem:$0x3FD9]  }
0x89: {  	s3 =	sld [smem:$0x3FFE];
	_ =	sdelay $0x1  }
0x8a: {  	s1 =	srdreg.scid  }
0x8b: {  	s0 =	sand.u32 $0x1, s1  }
0x8c: {  	s17 =	sshll.u32 s0, $0xA;
	s2 =	sadd.s32 s3, s2  }
0x8d: {  	s2 =	sadd.s32 s2, s17  }
0x8e: {  	[smem:$0x3FC1] =	sst s2  }
0x8f: {  	_ = 	snop  }
0x90: {  	s2 =	sld [smem:$0x3FC8]  }
0x91: {  	s18 =	sld [smem:$0x3FC6]  }
0x92: {  	s4 =	sld [smem:$0x3FD0];
	(tm) =	ssettm $0x1  }
0x93: {  	s5 =	sld [smem:$0x3FFB];
	_ =	sdelay $0x3  }
0x94: {  	_ =	strace s5  }
0x95: {  	s5 =	sld [smem:$0x3FFC];
	_ =	sdelay $0x3  }
0x96: {  	_ =	strace s5  }
0x97: {  	s5 =	sld [smem:$0x3FFD];
	_ =	sdelay $0x3  }
0x98: {  	_ =	strace s5  }
0x99: {  	_ =	strace $0x8FFFFFFF  }
0x9a: {  	s19 =	sld [smem:$0x3FDB];
	_ =	sdelay $0x1  }
0x9b: {  	s6 =	simm.s32 $_scs_section_size  }
0x9c: {  	s7 =	simm.s32 $_size__tile_overlayer_lowered;
	s8 =	simm.s32 $_tile_overlayer_lowered  }
0x9d: {  	s22 =	simm.s32 $0x1BFF;
	s21 =	sshll.u32 s8, $0x1;
	s5 =	sadd.s32 s6, s19  }
0x9e: {  	s9 =	simm.s32 $0x0;
	s20 =	sshll.u32 s7, $0x1;
	s7 =	sadd.s32 s21, s5  }
0x9f: {  	[timem:s9], [sflag:s22] =	dma.local [hbm:s7], s20  }
0xa0: {  	_ =	swait.ge [sflag:s22], s20  }
0xa1: {  	s6 =	ssub.s32 $0x0, s20;
	[sflag:s22] =	ssyncset.done $0x0  }
0xa2: {  	[sflag:s22] =	ssyncadd.s32 s6;
	_ =	sdelay $0x1  }
0xa3: {  	s23 =	simm.s32 $0x1B8B  }
0xa4: {  	_ =	swait.ge [sflag:s23], $0x1  }
0xa5: {  	[sflag:s23] =	ssyncset.done $0x0  }
0xa6: {  	s25 =	simm.s32 $0x1B8E;
	s24 =	sld [smem:$0x3FFE];
	[sflag:s23] =	ssyncadd.s32 $0xFFFFFFFF  }
0xa7: {  	s26 =	simm.s32 $execute0_lowered;
	[smem:$0x3FD2] =	sst s25  }
0xa8: {  	s7 =	sshll.u32 s26, $0x1;
	_ =	strace $0x80000049;
	[dreg:$0x1] =	wrdreg $0xFFFFFFFF  }
0xa9: {  	s28 =	simm.s32 $_size_execute0_lowered;
	s5 =	sadd.s32 s5, s7;
	[dreg:$0x0] =	wrdreg $0x0  }
0xaa: {  	s7 =	sshll.u32 s28, $0x1;
	[dreg:$0x2] =	wrdreg s5  }
0xab: {  	[dreg:$0x3] =	wrdreg s7  }
0xac: {  	[dreg:$0x4] =	wrdreg $0xC0  }
0xad: {  	_ =	task [dreg:s9], $0x5FFFF  }
0xae: {  	[dreg:$0x1] =	wrdreg $0xFFFFFFFF  }
0xaf: {  	[dreg:$0x0] =	wrdreg $0x60  }
0xb0: {  	[dreg:$0x2] =	wrdreg s24  }
0xb1: {  	[dreg:$0x3] =	wrdreg s2  }
0xb2: {  	[dreg:$0x4] =	wrdreg s18  }
0xb3: {  	[dreg:$0x5] =	wrdreg s4  }
0xb4: {  	[dreg:$0x6] =	wrdreg $0x9  }
0xb5: {  	_ =	task.clear_ibuf [dreg:s9], $0x7FFFF;
	_ =	strace $0x90000049  }
0xb6: {  	s29 =	simm.s32 $0x9;
	_ =	strace $0x8000004B  }
0xb7: {  	_ =	swait.ge [sflag:s29], $0x1  }
0xb8: {  	[sflag:s29] =	ssyncadd.s32 $0xFFFFFFFF  }
0xb9: {  	_ =	strace $0x9000004B  }
0xba: {  	_ =	sfence  }
0xbb: {  	s30 =	sld [smem:$0x0];
	_ =	sdelay $0x2  }
0xbc: {  	s31 =	sshll.u32 s1, $0xD;
	s1 =	sshrl.u32 s1, $0x2  }
0xbd: {  	s3 =	sand.u32 $0x4000, s31;
	s1 =	sadd.s32 s1, s30  }
0xbe: {  	s0 =	sor.u32 s3, s0;
	s1 =	sshll.u32 s1, $0x11  }
0xbf: {  	s0 =	sor.u32 s1, s0  }
0xc0: {  	s0 =	sadd.s32 $0x8F2B, s0  }
0xc1: {  	[sflag:s0] =	ssyncadd.remote.s32 $0x1  }
0xc2: {  	_ =	sfence.sel $0xFFFF  }
0xc3: {  	[dreg:$0x0] =	wrdreg $0xFFFFFFFF;
	(pc) =	sbr.abs _section_cstart, $3  }
0xc4: {  	[dreg:$0x1] =	wrdreg $0xFFFFFFFF  }
0xc5: {  	_ =	task.clear_ibuf [dreg:s9], $0x2FFFF;
	_ =	strace $0x9FFFFFFF  }
0xc6: {  	(tm) =	ssettm $0x7FFFFFFF  }
0xc7: {  	_ =	shalt  }
tec
execute0_lowered:
.L_overlay_start_1:
0x0: {  	(tag) =	ssettag $0x1  }
0x1: {  	s0 =	rddreg [dreg:$0x0]  }
0x2: {  	s1 =	rddreg [dreg:$0x1]  }
0x3: {  	s3 =	rddreg [dreg:$0x2]  }
0x4: {  	s4 =	rddreg [dreg:$0x3]  }
0x5: {  	s2 =	srdreg.scid;
	s5 =	stileid.u32  }
0x6: {  	s21 =	simm.s32 $0x0;
	s2 =	sand.u32 $0x1, s2;
	s5 =	sshll.u32 s5, $0x1  }
0x7: {  	s31 =	simm.s32 $0x16800;
	[smem:$0x7FF] =	sst s21;
	s5 =	sor.u32 s2, s5  }
0x8: {  	s6 =	sadd.s32 $0x3FE00, s0;
	s8 =	sadd.s32 $0x1A00, s0;
	s11 =	smul.u32 $0x2710, s5  }
0x9: {  	s9 =	sadd.s32 $0x521E00, s0;
	s13 =	ssub.s32 $0x2, s2;
	s10 =	smul.u32 $0x27100, s5  }
0xa: {  	_ =	strace $0x8000004A;
	s2 =	sshrl.u32 s13, $0x1;
	s5 =	smul.u32 $0x138800, s5  }
0xb: {  	s0 =	ssub.s32 s13, s2;
	s13 =	simm.s32 $0x4;
	s7 =	sshrl.u32 s11, $0x3  }
0xc: {  	s12 =	sadd.s32 $0x50, s11;
	s16 =	sadd.s32 s6, s10;
	s19 =	sadd.s32 $0xA0, s11  }
0xd: {  	s25 =	sshrl.u32 s5, $0x3;
	s26 =	sadd.s32 $0xF0, s11;
	[dreg:$0x5] =	wrdreg s11  }
0xe: {  	s28 =	sadd.s32 $0x140, s11;
	s0 =	smax.u32 s0, $0x1;
	[dreg:$0x9] =	wrdreg s16  }
0xf: {  	s30 =	sadd.s32 $0x190, s11;
	s10 =	simm.s32 $0x1;
	[dreg:$0x7] =	wrdreg s12  }
0x10: {  	s5 =	simm.s32 $0x2;
	s11 =	simm.s32 $0xF;
	[dreg:$0xc] =	wrdreg s19  }
0x11: {  	s14 =	sadd.s32 s1, s7;
	s15 =	sadd.s32 s3, s7;
	[dreg:$0x11] =	wrdreg s26  }
0x12: {  	s17 =	sshrl.u32 s12, $0x3;
	s20 =	sshll.u32 s12, $0x4;
	[dreg:$0x12] =	wrdreg s28  }
0x13: {  	s22 =	sshrl.u32 s19, $0x3;
	s24 =	sshll.u32 s19, $0x4;
	[dreg:$0x15] =	wrdreg s0  }
0x14: {  	[dreg:$0x16] =	wrdreg s30;
	s0 =	simm.s32 $0x2800;
	s19 =	simm.s32 $0x5  }
0x15: {  	s12 =	simm.s32 $0x10;
	s16 =	simm.s32 $0x3;
	[dreg:$0x6] =	wrdreg s14  }
0x16: {  	[dreg:$0x8] =	wrdreg s15;
	s18 =	sadd.s32 s1, s17;
	s2 =	sadd.s32 s3, s17  }
0x17: {  	s23 =	sadd.s32 s1, s22;
	s7 =	sadd.s32 s3, s22;
	[dreg:$0xa] =	wrdreg s18  }
0x18: {  	s14 =	simm.s32 $0x7;
	s15 =	simm.s32 $0x50;
	[dreg:$0xb] =	wrdreg s2  }
0x19: {  	s17 =	simm.s32 $0x6;
	s1 =	simm.s32 $0x0;
	[dreg:$0xe] =	wrdreg s23  }
0x1a: {  	s2 =	sadd.s32 s6, s20;
	[dreg:$0xf] =	wrdreg s7;
	s20 =	simm.s32 $0x8  }
0x1b: {  	s18 =	simm.s32 $0x9;
	[dreg:$0xd] =	wrdreg s2;
	s2 =	sadd.s32 s6, s24  }
0x1c: {  	s23 =	simm.s32 $0xB;
	[dreg:$0x10] =	wrdreg s2;
	s2 =	sadd.s32 s4, s25  }
0x1d: {  	s7 =	simm.s32 $0xC;
	s24 =	simm.s32 $0xE;
	s29 =	sadd.s32 $0x26700, s2  }
0x1e: {  	s25 =	simm.s32 $0xA;
	s2 =	sadd.s32 $0x26C00, s2;
	[dreg:$0x13] =	wrdreg s29  }
0x1f: {  	s4 =	simm.s32 $0x16A00;
	[dreg:$0x14] =	wrdreg s2;
	s2 =	simm.s32 $0xD  }
.LBB2_1:
0x20: {  	[dreg:$0x17] =	wrdreg s1  }
0x21: {  	s22 =	rddreg [dreg:$0x6];
	s26 =	simm.s32 $0x16800  }
0x22: {  	[tilespmem:s26], [sflag:$0x4] =	stream.linear.gather [hbm4b:s22+s21], $0x50, $0x38;
	[tilespmem:$0x16B00] =	vst v63  }
0x23: {  	s3 =	rddreg [dreg:$0x8];
	s28 =	simm.s32 $0x16980  }
0x24: {  	[tilespmem:s28], [sflag:$0x7] =	stream.linear.gather [hbm4b:s3+s21], $0x50, $0x38;
	[tilespmem:$0x16B00] =	vst v63  }
0x25: {  	s29 =	rddreg [dreg:$0x9]  }
0x26: {  	[tilespmem:s21], [sflag:$0x1] =	stream.linear.gather [hbm4b:s29+s21], $0x2800, $0x38;
	[tilespmem:$0x16B00] =	vst v63  }
0x27: {  	s30 =	rddreg [dreg:$0xa];
	s29 =	simm.s32 $0x16880  }
0x28: {  	[tilespmem:s29], [sflag:$0x5] =	stream.linear.gather [hbm4b:s30+s21], $0x50, $0x38;
	[tilespmem:$0x16B00] =	vst v63  }
0x29: {  	s1 =	rddreg [dreg:$0xb];
	s30 =	simm.s32 $0x16A00  }
0x2a: {  	[tilespmem:s30], [sflag:$0x8] =	stream.linear.gather [hbm4b:s1+s21], $0x50, $0x38;
	[tilespmem:$0x16B00] =	vst v63  }
0x2b: {  	s3 =	rddreg [dreg:$0xd]  }
0x2c: {  	[tilespmem:s0], [sflag:$0x2] =	stream.linear.gather [hbm4b:s3+s21], $0x2800, $0x38;
	[tilespmem:$0x16B00] =	vst v63  }
0x2d: {  	s1 =	rddreg [dreg:$0xe];
	s3 =	simm.s32 $0x16900  }
0x2e: {  	[tilespmem:s3], [sflag:$0x6] =	stream.linear.gather [hbm4b:s1+s21], $0x50, $0x38;
	[tilespmem:$0x16B00] =	vst v63  }
0x2f: {  	s1 =	rddreg [dreg:$0xf];
	s3 =	simm.s32 $0x16A80  }
0x30: {  	[tilespmem:s3], [sflag:$0x9] =	stream.linear.gather [hbm4b:s1+s21], $0x50, $0x38;
	[tilespmem:$0x16B00] =	vst v63  }
0x31: {  	s1 =	rddreg [dreg:$0x10];
	s3 =	simm.s32 $0x5000  }
0x32: {  	[tilespmem:s3], [sflag:$0x3] =	stream.linear.gather [hbm4b:s1+s21], $0x2800, $0x38;
	[tilespmem:$0x16B00] =	vst v63  }
0x33: {  	_ =	swait.ge [sflag:s13], $0x50  }
0x34: {  	[sflag:s13] =	ssyncset.done $0x0  }
0x35: {  	[sflag:s13] =	ssyncadd.s32 $0xFFFFFFB0  }
0x36: {  	_ =	swait.ge [sflag:s14], $0x50  }
0x37: {  	[sflag:s14] =	ssyncset.done $0x0  }
0x38: {  	s22 =	simm.s32 $0x7800;
	[sflag:s14] =	ssyncadd.s32 $0xFFFFFFB0  }
0x39: {  	[tilespmem:s22], [sflag:$0xA] =	stream.indirect.gather [hbm4b:s8+s15], $0x80, s26, s15, $0xb8;
	[tilespmem:$0x16B00] =	vst v63  }
0x3a: {  	s26 =	simm.s32 $0xF000  }
0x3b: {  	[tilespmem:s26], [sflag:$0xD] =	stream.indirect.gather [hbm4b:s9+s15], $0x80, s28, s15, $0xb8;
	[tilespmem:$0x16B00] =	vst v63  }
0x3c: {  	_ =	swait.ge [sflag:s19], $0x50  }
0x3d: {  	[sflag:s19] =	ssyncset.done $0x0  }
0x3e: {  	[sflag:s19] =	ssyncadd.s32 $0xFFFFFFB0  }
0x3f: {  	_ =	swait.ge [sflag:s20], $0x50  }
0x40: {  	[sflag:s20] =	ssyncset.done $0x0  }
0x41: {  	s0 =	simm.s32 $0x16980;
	s3 =	simm.s32 $0xA000;
	[sflag:s20] =	ssyncadd.s32 $0xFFFFFFB0  }
0x42: {  	[tilespmem:s3], [sflag:$0xB] =	stream.indirect.gather [hbm4b:s8+s15], $0x80, s29, s15, $0xb8;
	[tilespmem:$0x16B00] =	vst v63  }
0x43: {  	s1 =	simm.s32 $0x16880;
	s21 =	simm.s32 $0x0;
	s29 =	simm.s32 $0x11800  }
0x44: {  	[tilespmem:s29], [sflag:$0xE] =	stream.indirect.gather [hbm4b:s9+s15], $0x80, s30, s15, $0xb8;
	[tilespmem:$0x16B00] =	vst v63  }
.LBB2_2:
0x45: {  	_ =	swait.ge [sflag:s25], $0x2800  }
0x46: {  	[sflag:s25] =	ssyncset.done $0x0  }
0x47: {  	[sflag:s25] =	ssyncadd.s32 $0xFFFFD800  }
0x48: {  	_ =	swait.ge [sflag:s2], $0x2800  }
0x49: {  	[sflag:s2] =	ssyncset.done $0x0  }
0x4a: {  	[sflag:s2] =	ssyncadd.s32 $0xFFFFD800  }
0x4b: {  	_ =	swait.ge [sflag:s10], $0x2800  }
0x4c: {  	[sflag:s10] =	ssyncset.done $0x0  }
0x4d: {  	s26 =	simm.s32 $0x0;
	[sflag:s10] =	ssyncadd.s32 $0xFFFFD800  }
0x4e: {  	s22 =	simm.s32 $0x200;
	v0 =	vld [tilespmem:s26+$0x7870]  }
.LBB2_3:
0x4f: {  	p0 =	sne.s32 s22, $0x9E00;
	v1 =	vld [tilespmem:s26+$0xF070]  }
0x50: {  	v2 =	vld [tilespmem:s26+$0x7800]  }
0x51: {  	v3 =	vld [tilespmem:s26+$0xF000]  }
0x52: {  	v4 =	vld [tilespmem:s26+$0x7810]  }
0x53: {  	v5 =	vld [tilespmem:s26+$0xF010]  }
0x54: {  	v6 =	vld [tilespmem:s26+$0x7820];
	v0 =	vadd.f32 v1, v0  }
0x55: {  	v1 =	vld [tilespmem:s26+$0xF020]  }
0x56: {  	v2 =	vadd.f32 v3, v2;
	[tilespmem:s26+$0x70] =	vst.add.f32.msk $0xffff, v0  }
0x57: {  	v0 =	vld [tilespmem:s26+$0x7830]  }
0x58: {  	v3 =	vadd.f32 v5, v4;
	v4 =	vld [tilespmem:s26+$0xF030]  }
0x59: {  	v5 =	vld [tilespmem:s26+$0x7840]  }
0x5a: {  	v1 =	vadd.f32 v1, v6;
	v6 =	vld [tilespmem:s26+$0xF040]  }
0x5b: {  	v7 =	vld [tilespmem:s26+$0x7850]  }
0x5c: {  	v8 =	vld [tilespmem:s26+$0xF050]  }
0x5d: {  	v0 =	vadd.f32 v4, v0;
	v4 =	vld [tilespmem:s26+$0x7860]  }
0x5e: {  	v9 =	vld [tilespmem:s26+$0xF060]  }
0x5f: {  	[tilespmem:s26+$0x0] =	vst.add.f32.msk $0xffff, v2;
	v2 =	vadd.f32 v6, v5  }
0x60: {  	[tilespmem:s26+$0x10] =	vst.add.f32.msk $0xffff, v3  }
0x61: {  	[tilespmem:s26+$0x20] =	vst.add.f32.msk $0xffff, v1;
	v1 =	vadd.f32 v8, v7  }
.Ltmp0:
0x62: {  	[tilespmem:s26+$0x30] =	vst.add.f32.msk $0xffff, v0;
	(pc) =	sbr.rel @p0 .LBB2_3-.Ltmp0, $4  }
0x63: {  	[tilespmem:s26+$0x40] =	vst.add.f32.msk $0xffff, v2;
	v0 =	vadd.f32 v9, v4  }
0x64: {  	[tilespmem:s26+$0x50] =	vst.add.f32.msk $0xffff, v1  }
0x65: {  	[tilespmem:s26+$0x60] =	vst.add.f32.msk $0xffff, v0;
	s26 =	sshra.s32 s22, $0x2  }
0x66: {  	s22 =	sadd.s32 $0x200, s22;
	v0 =	vld [tilespmem:s26+$0x7870]  }
0x67: {  	v1 =	vld [tilespmem:s26+$0xF070]  }
0x68: {  	v2 =	vld [tilespmem:s26+$0x7800]  }
0x69: {  	v3 =	vld [tilespmem:s26+$0xF000]  }
0x6a: {  	v4 =	vld [tilespmem:s26+$0x7810]  }
0x6b: {  	v5 =	vld [tilespmem:s26+$0xF010]  }
0x6c: {  	v6 =	vld [tilespmem:s26+$0x7820]  }
0x6d: {  	v7 =	vld [tilespmem:s26+$0xF030]  }
0x6e: {  	v8 =	vld [tilespmem:s26+$0x7840]  }
0x6f: {  	v9 =	vld [tilespmem:s26+$0xF040]  }
0x70: {  	v10 =	vld [tilespmem:s26+$0x7850]  }
0x71: {  	v11 =	vld [tilespmem:s26+$0xF050];
	v0 =	vadd.f32 v1, v0  }
0x72: {  	v1 =	vld [tilespmem:s26+$0xF020]  }
0x73: {  	[tilespmem:s26+$0x70] =	vst.add.f32.msk $0xffff, v0  }
0x74: {  	v0 =	vld [tilespmem:s26+$0x7830]  }
0x75: {  	v63 =	vld [tilespmem:s26+$0xF060];
	v2 =	vadd.f32 v3, v2  }
0x76: {  	v3 =	vld [tilespmem:s26+$0x7860];
	v4 =	vadd.f32 v5, v4  }
0x77: {  	[tilespmem:s26+$0x0] =	vst.add.f32.msk $0xffff, v2;
	v2 =	vadd.f32 v9, v8  }
0x78: {  	[tilespmem:s26+$0x10] =	vst.add.f32.msk $0xffff, v4;
	v1 =	vadd.f32 v1, v6  }
0x79: {  	s22 =	smul.u32 $0xF0, s21;
	[tilespmem:s26+$0x40] =	vst.add.f32.msk $0xffff, v2;
	v0 =	vadd.f32 v7, v0  }
0x7a: {  	s28 =	rddreg [dreg:$0x5];
	[tilespmem:s26+$0x20] =	vst.add.f32.msk $0xffff, v1;
	v1 =	vadd.f32 v11, v10  }
0x7b: {  	s28 =	sadd.s32 s28, s22;
	[tilespmem:s26+$0x30] =	vst.add.f32.msk $0xffff, v0;
	v0 =	vadd.f32 v63, v3  }
0x7c: {  	s3 =	rddreg [dreg:$0x3];
	s28 =	sshll.u32 s28, $0x4;
	[tilespmem:s26+$0x50] =	vst.add.f32.msk $0xffff, v1  }
0x7d: {  	s29 =	sadd.s32 s3, s28;
	s28 =	simm.s32 $0x0;
	[tilespmem:s26+$0x60] =	vst.add.f32.msk $0xffff, v0  }
0x7e: {  	[hbm4b:s29+s28] =	stream.linear.scatter [tilespmem:s28], [sflag:$0x10], $0x2800, $0x38;
	[tilespmem:$0x16B00] =	vst v63  }
0x7f: {  	_ =	swait.ge [sflag:s12], $0x2800  }
0x80: {  	s30 =	rddreg [dreg:$0x11];
	[sflag:s12] =	ssyncset.done $0x0  }
0x81: {  	s26 =	sadd.s32 s22, s30;
	[sflag:s12] =	ssyncadd.s32 $0xFFFFD800  }
0x82: {  	s29 =	sshrl.u32 s26, $0x3;
	s30 =	rddreg [dreg:$0x1]  }
0x83: {  	s3 =	rddreg [dreg:$0x2];
	s30 =	sadd.s32 s30, s29  }
0x84: {  	[tilespmem:s31], [sflag:$0x4] =	stream.linear.gather [hbm4b:s30+s28], $0x50, $0x38;
	[tilespmem:$0x16B00] =	vst v63  }
0x85: {  	s26 =	sshll.u32 s26, $0x4;
	s29 =	sadd.s32 s3, s29  }
0x86: {  	[tilespmem:s0], [sflag:$0x7] =	stream.linear.gather [hbm4b:s29+s28], $0x50, $0x38;
	[tilespmem:$0x16B00] =	vst v63  }
0x87: {  	s26 =	sadd.s32 s6, s26  }
0x88: {  	[tilespmem:s28], [sflag:$0x1] =	stream.linear.gather [hbm4b:s26+s28], $0x2800, $0x38;
	[tilespmem:$0x16B00] =	vst v63  }
0x89: {  	_ =	swait.ge [sflag:s17], $0x50  }
0x8a: {  	[sflag:s17] =	ssyncset.done $0x0  }
0x8b: {  	[sflag:s17] =	ssyncadd.s32 $0xFFFFFFB0  }
0x8c: {  	_ =	swait.ge [sflag:s18], $0x50  }
0x8d: {  	[sflag:s18] =	ssyncset.done $0x0  }
0x8e: {  	s30 =	simm.s32 $0xC800;
	s29 =	simm.s32 $0x16900;
	[sflag:s18] =	ssyncadd.s32 $0xFFFFFFB0  }
0x8f: {  	[tilespmem:s30], [sflag:$0xC] =	stream.indirect.gather [hbm4b:s8+s15], $0x80, s29, s15, $0xb8;
	[tilespmem:$0x16B00] =	vst v63  }
0x90: {  	s29 =	simm.s32 $0x16A80;
	s30 =	simm.s32 $0x14000  }
0x91: {  	[tilespmem:s30], [sflag:$0xF] =	stream.indirect.gather [hbm4b:s9+s15], $0x80, s29, s15, $0xb8;
	[tilespmem:$0x16B00] =	vst v63  }
0x92: {  	_ =	swait.ge [sflag:s23], $0x2800  }
0x93: {  	[sflag:s23] =	ssyncset.done $0x0  }
0x94: {  	[sflag:s23] =	ssyncadd.s32 $0xFFFFD800  }
0x95: {  	_ =	swait.ge [sflag:s24], $0x2800  }
0x96: {  	[sflag:s24] =	ssyncset.done $0x0  }
0x97: {  	[sflag:s24] =	ssyncadd.s32 $0xFFFFD800  }
0x98: {  	_ =	swait.ge [sflag:s5], $0x2800  }
0x99: {  	[sflag:s5] =	ssyncset.done $0x0  }
0x9a: {  	s26 =	simm.s32 $0x0;
	[sflag:s5] =	ssyncadd.s32 $0xFFFFD800  }
0x9b: {  	s28 =	simm.s32 $0x200;
	v0 =	vld [tilespmem:s26+$0xA070]  }
.LBB2_5:
0x9c: {  	p0 =	sne.s32 s28, $0x9E00;
	v1 =	vld [tilespmem:s26+$0x11870]  }
0x9d: {  	v2 =	vld [tilespmem:s26+$0xA000]  }
0x9e: {  	v3 =	vld [tilespmem:s26+$0x11800]  }
0x9f: {  	v4 =	vld [tilespmem:s26+$0xA010]  }
0xa0: {  	v5 =	vld [tilespmem:s26+$0x11810]  }
0xa1: {  	v6 =	vld [tilespmem:s26+$0xA020];
	v0 =	vadd.f32 v1, v0  }
0xa2: {  	v1 =	vld [tilespmem:s26+$0x11820]  }
0xa3: {  	v2 =	vadd.f32 v3, v2;
	[tilespmem:s26+$0x2870] =	vst.add.f32.msk $0xffff, v0  }
0xa4: {  	v0 =	vld [tilespmem:s26+$0xA030]  }
0xa5: {  	v3 =	vadd.f32 v5, v4;
	v4 =	vld [tilespmem:s26+$0x11830]  }
0xa6: {  	v5 =	vld [tilespmem:s26+$0xA040]  }
0xa7: {  	v1 =	vadd.f32 v1, v6;
	v6 =	vld [tilespmem:s26+$0x11840]  }
0xa8: {  	v7 =	vld [tilespmem:s26+$0xA050]  }
0xa9: {  	v8 =	vld [tilespmem:s26+$0x11850]  }
0xaa: {  	v0 =	vadd.f32 v4, v0;
	v4 =	vld [tilespmem:s26+$0xA060]  }
0xab: {  	v9 =	vld [tilespmem:s26+$0x11860]  }
0xac: {  	[tilespmem:s26+$0x2800] =	vst.add.f32.msk $0xffff, v2;
	v2 =	vadd.f32 v6, v5  }
0xad: {  	[tilespmem:s26+$0x2810] =	vst.add.f32.msk $0xffff, v3  }
0xae: {  	[tilespmem:s26+$0x2820] =	vst.add.f32.msk $0xffff, v1;
	v1 =	vadd.f32 v8, v7  }
.Ltmp1:
0xaf: {  	[tilespmem:s26+$0x2830] =	vst.add.f32.msk $0xffff, v0;
	(pc) =	sbr.rel @p0 .LBB2_5-.Ltmp1, $4  }
0xb0: {  	[tilespmem:s26+$0x2840] =	vst.add.f32.msk $0xffff, v2;
	v0 =	vadd.f32 v9, v4  }
0xb1: {  	[tilespmem:s26+$0x2850] =	vst.add.f32.msk $0xffff, v1  }
0xb2: {  	[tilespmem:s26+$0x2860] =	vst.add.f32.msk $0xffff, v0;
	s26 =	sshra.s32 s28, $0x2  }
0xb3: {  	s28 =	sadd.s32 $0x200, s28;
	v0 =	vld [tilespmem:s26+$0xA070]  }
0xb4: {  	v1 =	vld [tilespmem:s26+$0x11870]  }
0xb5: {  	v2 =	vld [tilespmem:s26+$0xA000]  }
0xb6: {  	v3 =	vld [tilespmem:s26+$0x11800]  }
0xb7: {  	v4 =	vld [tilespmem:s26+$0xA010]  }
0xb8: {  	v5 =	vld [tilespmem:s26+$0x11810]  }
0xb9: {  	v6 =	vld [tilespmem:s26+$0xA020]  }
0xba: {  	v7 =	vld [tilespmem:s26+$0x11830]  }
0xbb: {  	v8 =	vld [tilespmem:s26+$0xA040]  }
0xbc: {  	v9 =	vld [tilespmem:s26+$0x11840]  }
0xbd: {  	v10 =	vld [tilespmem:s26+$0xA050]  }
0xbe: {  	v11 =	vld [tilespmem:s26+$0x11850];
	v0 =	vadd.f32 v1, v0  }
0xbf: {  	v1 =	vld [tilespmem:s26+$0x11820]  }
0xc0: {  	[tilespmem:s26+$0x2870] =	vst.add.f32.msk $0xffff, v0  }
0xc1: {  	v0 =	vld [tilespmem:s26+$0xA030]  }
0xc2: {  	v63 =	vld [tilespmem:s26+$0x11860];
	v2 =	vadd.f32 v3, v2  }
0xc3: {  	v3 =	vld [tilespmem:s26+$0xA060];
	v4 =	vadd.f32 v5, v4  }
0xc4: {  	[tilespmem:s26+$0x2800] =	vst.add.f32.msk $0xffff, v2;
	v2 =	vadd.f32 v9, v8  }
0xc5: {  	[tilespmem:s26+$0x2810] =	vst.add.f32.msk $0xffff, v4;
	v1 =	vadd.f32 v1, v6  }
0xc6: {  	[tilespmem:s26+$0x2840] =	vst.add.f32.msk $0xffff, v2;
	v0 =	vadd.f32 v7, v0  }
0xc7: {  	s28 =	rddreg [dreg:$0x7];
	[tilespmem:s26+$0x2820] =	vst.add.f32.msk $0xffff, v1;
	v1 =	vadd.f32 v11, v10  }
0xc8: {  	s28 =	sadd.s32 s22, s28;
	[tilespmem:s26+$0x2830] =	vst.add.f32.msk $0xffff, v0;
	v0 =	vadd.f32 v63, v3  }
0xc9: {  	s3 =	rddreg [dreg:$0x3];
	s28 =	sshll.u32 s28, $0x4;
	[tilespmem:s26+$0x2850] =	vst.add.f32.msk $0xffff, v1  }
0xca: {  	s29 =	sadd.s32 s3, s28;
	s28 =	simm.s32 $0x0;
	s3 =	simm.s32 $0x2800;
	[tilespmem:s26+$0x2860] =	vst.add.f32.msk $0xffff, v0  }
0xcb: {  	[hbm4b:s29+s28] =	stream.linear.scatter [tilespmem:s3], [sflag:$0x10], $0x2800, $0x38;
	[tilespmem:$0x16B00] =	vst v63  }
0xcc: {  	_ =	swait.ge [sflag:s12], $0x2800  }
0xcd: {  	s30 =	rddreg [dreg:$0x12];
	[sflag:s12] =	ssyncset.done $0x0  }
0xce: {  	s26 =	sadd.s32 s22, s30;
	[sflag:s12] =	ssyncadd.s32 $0xFFFFD800  }
0xcf: {  	s29 =	sshrl.u32 s26, $0x3;
	s30 =	rddreg [dreg:$0x1]  }
0xd0: {  	s30 =	sadd.s32 s30, s29  }
0xd1: {  	[tilespmem:s1], [sflag:$0x5] =	stream.linear.gather [hbm4b:s30+s28], $0x50, $0x38;
	[tilespmem:$0x16B00] =	vst v63  }
0xd2: {  	s30 =	rddreg [dreg:$0x2]  }
0xd3: {  	s26 =	sshll.u32 s26, $0x4;
	s29 =	sadd.s32 s30, s29  }
0xd4: {  	[tilespmem:s4], [sflag:$0x8] =	stream.linear.gather [hbm4b:s29+s28], $0x50, $0x38;
	[tilespmem:$0x16B00] =	vst v63  }
0xd5: {  	s26 =	sadd.s32 s6, s26  }
0xd6: {  	[tilespmem:s3], [sflag:$0x2] =	stream.linear.gather [hbm4b:s26+s28], $0x2800, $0x38;
	[tilespmem:$0x16B00] =	vst v63  }
0xd7: {  	_ =	swait.ge [sflag:s13], $0x50  }
0xd8: {  	[sflag:s13] =	ssyncset.done $0x0  }
0xd9: {  	[sflag:s13] =	ssyncadd.s32 $0xFFFFFFB0  }
0xda: {  	_ =	swait.ge [sflag:s14], $0x50  }
0xdb: {  	[sflag:s14] =	ssyncset.done $0x0  }
0xdc: {  	s29 =	simm.s32 $0x7800;
	[sflag:s14] =	ssyncadd.s32 $0xFFFFFFB0  }
0xdd: {  	[tilespmem:s29], [sflag:$0xA] =	stream.indirect.gather [hbm4b:s8+s15], $0x80, s31, s15, $0xb8;
	[tilespmem:$0x16B00] =	vst v63  }
0xde: {  	s30 =	simm.s32 $0xF000  }
0xdf: {  	[tilespmem:s30], [sflag:$0xD] =	stream.indirect.gather [hbm4b:s9+s15], $0x80, s0, s15, $0xb8;
	[tilespmem:$0x16B00] =	vst v63  }
0xe0: {  	_ =	swait.ge [sflag:s7], $0x2800  }
0xe1: {  	[sflag:s7] =	ssyncset.done $0x0  }
0xe2: {  	[sflag:s7] =	ssyncadd.s32 $0xFFFFD800  }
0xe3: {  	_ =	swait.ge [sflag:s11], $0x2800  }
0xe4: {  	[sflag:s11] =	ssyncset.done $0x0  }
0xe5: {  	[sflag:s11] =	ssyncadd.s32 $0xFFFFD800  }
0xe6: {  	_ =	swait.ge [sflag:s16], $0x2800  }
0xe7: {  	[sflag:s16] =	ssyncset.done $0x0  }
0xe8: {  	s26 =	simm.s32 $0x0;
	[sflag:s16] =	ssyncadd.s32 $0xFFFFD800  }
0xe9: {  	s28 =	simm.s32 $0x200;
	v0 =	vld [tilespmem:s26+$0xC870]  }
.LBB2_7:
0xea: {  	p0 =	sne.s32 s28, $0x9E00;
	v1 =	vld [tilespmem:s26+$0x14070]  }
0xeb: {  	v2 =	vld [tilespmem:s26+$0xC800]  }
0xec: {  	v3 =	vld [tilespmem:s26+$0x14000]  }
0xed: {  	v4 =	vld [tilespmem:s26+$0xC810]  }
0xee: {  	v5 =	vld [tilespmem:s26+$0x14010]  }
0xef: {  	v6 =	vld [tilespmem:s26+$0xC820];
	v0 =	vadd.f32 v1, v0  }
0xf0: {  	v1 =	vld [tilespmem:s26+$0x14020]  }
0xf1: {  	v2 =	vadd.f32 v3, v2;
	[tilespmem:s26+$0x5070] =	vst.add.f32.msk $0xffff, v0  }
0xf2: {  	v0 =	vld [tilespmem:s26+$0xC830]  }
0xf3: {  	v3 =	vadd.f32 v5, v4;
	v4 =	vld [tilespmem:s26+$0x14030]  }
0xf4: {  	v5 =	vld [tilespmem:s26+$0xC840]  }
0xf5: {  	v1 =	vadd.f32 v1, v6;
	v6 =	vld [tilespmem:s26+$0x14040]  }
0xf6: {  	v7 =	vld [tilespmem:s26+$0xC850]  }
0xf7: {  	v8 =	vld [tilespmem:s26+$0x14050]  }
0xf8: {  	v0 =	vadd.f32 v4, v0;
	v4 =	vld [tilespmem:s26+$0xC860]  }
0xf9: {  	v9 =	vld [tilespmem:s26+$0x14060]  }
0xfa: {  	[tilespmem:s26+$0x5000] =	vst.add.f32.msk $0xffff, v2;
	v2 =	vadd.f32 v6, v5  }
0xfb: {  	[tilespmem:s26+$0x5010] =	vst.add.f32.msk $0xffff, v3  }
0xfc: {  	[tilespmem:s26+$0x5020] =	vst.add.f32.msk $0xffff, v1;
	v1 =	vadd.f32 v8, v7  }
.Ltmp2:
0xfd: {  	[tilespmem:s26+$0x5030] =	vst.add.f32.msk $0xffff, v0;
	(pc) =	sbr.rel @p0 .LBB2_7-.Ltmp2, $4  }
0xfe: {  	[tilespmem:s26+$0x5040] =	vst.add.f32.msk $0xffff, v2;
	v0 =	vadd.f32 v9, v4  }
0xff: {  	[tilespmem:s26+$0x5050] =	vst.add.f32.msk $0xffff, v1  }
0x100: {  	[tilespmem:s26+$0x5060] =	vst.add.f32.msk $0xffff, v0;
	s26 =	sshra.s32 s28, $0x2  }
0x101: {  	s28 =	sadd.s32 $0x200, s28;
	v0 =	vld [tilespmem:s26+$0xC870]  }
0x102: {  	v1 =	vld [tilespmem:s26+$0x14070]  }
0x103: {  	v2 =	vld [tilespmem:s26+$0xC800]  }
0x104: {  	v3 =	vld [tilespmem:s26+$0x14000]  }
0x105: {  	v4 =	vld [tilespmem:s26+$0xC810]  }
0x106: {  	v5 =	vld [tilespmem:s26+$0x14010]  }
0x107: {  	v6 =	vld [tilespmem:s26+$0xC820]  }
0x108: {  	v57 =	vld [tilespmem:s26+$0x14020]  }
0x109: {  	v58 =	vld [tilespmem:s26+$0xC830]  }
0x10a: {  	v7 =	vld [tilespmem:s26+$0x14030]  }
0x10b: {  	v8 =	vld [tilespmem:s26+$0xC840]  }
0x10c: {  	v9 =	vld [tilespmem:s26+$0x14040]  }
0x10d: {  	v10 =	vld [tilespmem:s26+$0xC850]  }
0x10e: {  	v11 =	vld [tilespmem:s26+$0x14050]  }
0x10f: {  	v59 =	vld [tilespmem:s26+$0xC860];
	v0 =	vadd.f32 v1, v0  }
0x110: {  	v60 =	vld [tilespmem:s26+$0x14060];
	v2 =	vadd.f32 v3, v2  }
0x111: {  	v4 =	vadd.f32 v5, v4;
	[tilespmem:s26+$0x5070] =	vst.add.f32.msk $0xffff, v0  }
0x112: {  	v1 =	vadd.f32 v57, v6;
	[tilespmem:s26+$0x5000] =	vst.add.f32.msk $0xffff, v2  }
0x113: {  	v61 =	vadd.f32 v9, v8;
	[tilespmem:s26+$0x5010] =	vst.add.f32.msk $0xffff, v4  }
0x114: {  	v62 =	vadd.f32 v11, v10;
	[tilespmem:s26+$0x5020] =	vst.add.f32.msk $0xffff, v1  }
0x115: {  	s28 =	rddreg [dreg:$0xc];
	v63 =	vadd.f32 v60, v59;
	[tilespmem:s26+$0x5040] =	vst.add.f32.msk $0xffff, v61  }
0x116: {  	s28 =	sadd.s32 s22, s28;
	v0 =	vadd.f32 v7, v58;
	[tilespmem:s26+$0x5050] =	vst.add.f32.msk $0xffff, v62  }
0x117: {  	s3 =	rddreg [dreg:$0x3];
	s28 =	sshll.u32 s28, $0x4;
	[tilespmem:s26+$0x5060] =	vst.add.f32.msk $0xffff, v63  }
0x118: {  	s29 =	simm.s32 $0x0;
	s30 =	simm.s32 $0x5000;
	s3 =	sadd.s32 s3, s28;
	[tilespmem:s26+$0x5030] =	vst.add.f32.msk $0xffff, v0  }
0x119: {  	[hbm4b:s3+s29] =	stream.linear.scatter [tilespmem:s30], [sflag:$0x10], $0x2800, $0x38;
	[tilespmem:$0x16B00] =	vst v63  }
0x11a: {  	_ =	swait.ge [sflag:s12], $0x2800  }
0x11b: {  	p0 =	seq.s32 s21, $0x28;
	[sflag:s12] =	ssyncset.done $0x0;
	s26 =	rddreg [dreg:$0x16]  }
0x11c: {  	s22 =	sadd.s32 @!p0 s22, s26;
	[sflag:s12] =	ssyncadd.s32 $0xFFFFD800  }
0x11d: {  	s26 =	sshrl.u32 @!p0 s22, $0x3;
	s28 =	rddreg [dreg:$0x1]  }
0x11e: {  	s29 =	simm.s32 @!p0 $0x0;
	s30 =	simm.s32 @!p0 $0x16900;
	s28 =	sadd.s32 @!p0 s28, s26  }
0x11f: {  	[tilespmem:s30], [sflag:$0x6] =	stream.linear.gather @!p0 [hbm4b:s28+s29], $0x50, $0x38;
	[tilespmem:$0x16B00] =	vst v63  }
0x120: {  	s28 =	rddreg [dreg:$0x2]  }
0x121: {  	s22 =	sshll.u32 @!p0 s22, $0x4;
	s26 =	sadd.s32 @!p0 s28, s26;
	s28 =	simm.s32 @!p0 $0x16A80  }
0x122: {  	[tilespmem:s28], [sflag:$0x9] =	stream.linear.gather @!p0 [hbm4b:s26+s29], $0x50, $0x38;
	[tilespmem:$0x16B00] =	vst v63  }
0x123: {  	s22 =	sadd.s32 @!p0 s6, s22;
	s26 =	simm.s32 @!p0 $0x5000  }
0x124: {  	[tilespmem:s26], [sflag:$0x3] =	stream.linear.gather @!p0 [hbm4b:s22+s29], $0x2800, $0x38;
	[tilespmem:$0x16B00] =	vst v63  }
0x125: {  	_ =	swait.ge [sflag:s19], $0x50  }
0x126: {  	[sflag:s19] =	ssyncset.done $0x0  }
0x127: {  	s21 =	sadd.s32 $0x1, s21;
	[sflag:s19] =	ssyncadd.s32 $0xFFFFFFB0  }
0x128: {  	p0 =	sne.s32 s21, $0x29;
	_ =	swait.ge [sflag:s20], $0x50  }
.Ltmp3:
0x129: {  	[sflag:s20] =	ssyncset.done $0x0;
	(pc) =	sbr.rel @p0 .LBB2_2-.Ltmp3, $4  }
0x12a: {  	s29 =	simm.s32 $0xA000;
	[sflag:s20] =	ssyncadd.s32 $0xFFFFFFB0  }
0x12b: {  	[tilespmem:s29], [sflag:$0xB] =	stream.indirect.gather [hbm4b:s8+s15], $0x80, s1, s15, $0xb8;
	[tilespmem:$0x16B00] =	vst v63  }
0x12c: {  	s30 =	simm.s32 $0x11800  }
0x12d: {  	[tilespmem:s30], [sflag:$0xE] =	stream.indirect.gather [hbm4b:s9+s15], $0x80, s4, s15, $0xb8;
	[tilespmem:$0x16B00] =	vst v63  }
0x12e: {  	_ =	swait.ge [sflag:s25], $0x2800  }
0x12f: {  	[sflag:s25] =	ssyncset.done $0x0  }
0x130: {  	[sflag:s25] =	ssyncadd.s32 $0xFFFFD800  }
0x131: {  	_ =	swait.ge [sflag:s2], $0x2800  }
0x132: {  	[sflag:s2] =	ssyncset.done $0x0  }
0x133: {  	[sflag:s2] =	ssyncadd.s32 $0xFFFFD800  }
0x134: {  	_ =	swait.ge [sflag:s10], $0x2800  }
0x135: {  	[sflag:s10] =	ssyncset.done $0x0  }
0x136: {  	s21 =	simm.s32 $0x0;
	[sflag:s10] =	ssyncadd.s32 $0xFFFFD800  }
0x137: {  	s22 =	simm.s32 $0x200;
	v0 =	vld [tilespmem:s21+$0x7870]  }
.LBB2_10:
0x138: {  	p0 =	sne.s32 s22, $0x9E00;
	v1 =	vld [tilespmem:s21+$0xF070]  }
0x139: {  	v2 =	vld [tilespmem:s21+$0x7800]  }
0x13a: {  	v3 =	vld [tilespmem:s21+$0xF000]  }
0x13b: {  	v4 =	vld [tilespmem:s21+$0x7810]  }
0x13c: {  	v5 =	vld [tilespmem:s21+$0xF010]  }
0x13d: {  	v6 =	vld [tilespmem:s21+$0x7820];
	v0 =	vadd.f32 v1, v0  }
0x13e: {  	v1 =	vld [tilespmem:s21+$0xF020]  }
0x13f: {  	v2 =	vadd.f32 v3, v2;
	[tilespmem:s21+$0x70] =	vst.add.f32.msk $0xffff, v0  }
0x140: {  	v0 =	vld [tilespmem:s21+$0x7830]  }
0x141: {  	v3 =	vadd.f32 v5, v4;
	v4 =	vld [tilespmem:s21+$0xF030]  }
0x142: {  	v5 =	vld [tilespmem:s21+$0x7840]  }
0x143: {  	v1 =	vadd.f32 v1, v6;
	v6 =	vld [tilespmem:s21+$0xF040]  }
0x144: {  	v7 =	vld [tilespmem:s21+$0x7850]  }
0x145: {  	v8 =	vld [tilespmem:s21+$0xF050]  }
0x146: {  	v0 =	vadd.f32 v4, v0;
	v4 =	vld [tilespmem:s21+$0x7860]  }
0x147: {  	v9 =	vld [tilespmem:s21+$0xF060]  }
0x148: {  	[tilespmem:s21+$0x0] =	vst.add.f32.msk $0xffff, v2;
	v2 =	vadd.f32 v6, v5  }
0x149: {  	[tilespmem:s21+$0x10] =	vst.add.f32.msk $0xffff, v3  }
0x14a: {  	[tilespmem:s21+$0x20] =	vst.add.f32.msk $0xffff, v1;
	v1 =	vadd.f32 v8, v7  }
.Ltmp4:
0x14b: {  	[tilespmem:s21+$0x30] =	vst.add.f32.msk $0xffff, v0;
	(pc) =	sbr.rel @p0 .LBB2_10-.Ltmp4, $4  }
0x14c: {  	[tilespmem:s21+$0x40] =	vst.add.f32.msk $0xffff, v2;
	v0 =	vadd.f32 v9, v4  }
0x14d: {  	[tilespmem:s21+$0x50] =	vst.add.f32.msk $0xffff, v1  }
0x14e: {  	[tilespmem:s21+$0x60] =	vst.add.f32.msk $0xffff, v0;
	s21 =	sshra.s32 s22, $0x2  }
0x14f: {  	s22 =	sadd.s32 $0x200, s22;
	v0 =	vld [tilespmem:s21+$0x7870]  }
0x150: {  	v1 =	vld [tilespmem:s21+$0xF070]  }
0x151: {  	v2 =	vld [tilespmem:s21+$0x7800]  }
0x152: {  	v3 =	vld [tilespmem:s21+$0xF000]  }
0x153: {  	v4 =	vld [tilespmem:s21+$0x7810]  }
0x154: {  	v5 =	vld [tilespmem:s21+$0xF010]  }
0x155: {  	v6 =	vld [tilespmem:s21+$0x7820]  }
0x156: {  	v7 =	vld [tilespmem:s21+$0xF030]  }
0x157: {  	v8 =	vld [tilespmem:s21+$0x7840]  }
0x158: {  	v9 =	vld [tilespmem:s21+$0xF040]  }
0x159: {  	v10 =	vld [tilespmem:s21+$0x7850]  }
0x15a: {  	v11 =	vld [tilespmem:s21+$0xF050];
	v0 =	vadd.f32 v1, v0  }
0x15b: {  	v1 =	vld [tilespmem:s21+$0xF020]  }
0x15c: {  	[tilespmem:s21+$0x70] =	vst.add.f32.msk $0xffff, v0  }
0x15d: {  	v0 =	vld [tilespmem:s21+$0x7830]  }
0x15e: {  	v63 =	vld [tilespmem:s21+$0xF060];
	v2 =	vadd.f32 v3, v2  }
0x15f: {  	v3 =	vld [tilespmem:s21+$0x7860];
	v4 =	vadd.f32 v5, v4  }
0x160: {  	[tilespmem:s21+$0x0] =	vst.add.f32.msk $0xffff, v2;
	v2 =	vadd.f32 v9, v8  }
0x161: {  	[tilespmem:s21+$0x10] =	vst.add.f32.msk $0xffff, v4;
	v1 =	vadd.f32 v1, v6  }
0x162: {  	[tilespmem:s21+$0x40] =	vst.add.f32.msk $0xffff, v2;
	v0 =	vadd.f32 v7, v0  }
0x163: {  	[tilespmem:s21+$0x20] =	vst.add.f32.msk $0xffff, v1;
	v1 =	vadd.f32 v11, v10  }
0x164: {  	[tilespmem:s21+$0x30] =	vst.add.f32.msk $0xffff, v0;
	v0 =	vadd.f32 v63, v3  }
0x165: {  	[tilespmem:s21+$0x50] =	vst.add.f32.msk $0xffff, v1  }
0x166: {  	s30 =	simm.s32 $0x0;
	s22 =	rddreg [dreg:$0x13];
	[tilespmem:s21+$0x60] =	vst.add.f32.msk $0xffff, v0  }
0x167: {  	[hbm4b:s22+s30] =	stream.linear.scatter [tilespmem:s30], [sflag:$0x10], $0x2800, $0x38;
	[tilespmem:$0x16B00] =	vst v63  }
0x168: {  	_ =	swait.ge [sflag:s12], $0x2800  }
0x169: {  	[sflag:s12] =	ssyncset.done $0x0  }
0x16a: {  	[sflag:s12] =	ssyncadd.s32 $0xFFFFD800  }
0x16b: {  	_ =	swait.ge [sflag:s23], $0x2800  }
0x16c: {  	[sflag:s23] =	ssyncset.done $0x0  }
0x16d: {  	[sflag:s23] =	ssyncadd.s32 $0xFFFFD800  }
0x16e: {  	_ =	swait.ge [sflag:s24], $0x2800  }
0x16f: {  	[sflag:s24] =	ssyncset.done $0x0  }
0x170: {  	[sflag:s24] =	ssyncadd.s32 $0xFFFFD800  }
0x171: {  	_ =	swait.ge [sflag:s5], $0x2800  }
0x172: {  	[sflag:s5] =	ssyncset.done $0x0  }
0x173: {  	s21 =	simm.s32 $0x0;
	[sflag:s5] =	ssyncadd.s32 $0xFFFFD800  }
0x174: {  	s0 =	simm.s32 $0x2800;
	s22 =	simm.s32 $0x200;
	s1 =	rddreg [dreg:$0x17];
	v0 =	vld [tilespmem:s21+$0xA070]  }
.LBB2_12:
0x175: {  	p0 =	sne.s32 s22, $0x9E00;
	v1 =	vld [tilespmem:s21+$0x11870]  }
0x176: {  	v2 =	vld [tilespmem:s21+$0xA000]  }
0x177: {  	v3 =	vld [tilespmem:s21+$0x11800]  }
0x178: {  	v4 =	vld [tilespmem:s21+$0xA010]  }
0x179: {  	v5 =	vld [tilespmem:s21+$0x11810]  }
0x17a: {  	v6 =	vld [tilespmem:s21+$0xA020];
	v0 =	vadd.f32 v1, v0  }
0x17b: {  	v1 =	vld [tilespmem:s21+$0x11820]  }
0x17c: {  	v2 =	vadd.f32 v3, v2;
	[tilespmem:s21+$0x2870] =	vst.add.f32.msk $0xffff, v0  }
0x17d: {  	v0 =	vld [tilespmem:s21+$0xA030]  }
0x17e: {  	v3 =	vadd.f32 v5, v4;
	v4 =	vld [tilespmem:s21+$0x11830]  }
0x17f: {  	v5 =	vld [tilespmem:s21+$0xA040]  }
0x180: {  	v1 =	vadd.f32 v1, v6;
	v6 =	vld [tilespmem:s21+$0x11840]  }
0x181: {  	v7 =	vld [tilespmem:s21+$0xA050]  }
0x182: {  	v8 =	vld [tilespmem:s21+$0x11850]  }
0x183: {  	v0 =	vadd.f32 v4, v0;
	v4 =	vld [tilespmem:s21+$0xA060]  }
0x184: {  	v9 =	vld [tilespmem:s21+$0x11860]  }
0x185: {  	[tilespmem:s21+$0x2800] =	vst.add.f32.msk $0xffff, v2;
	v2 =	vadd.f32 v6, v5  }
0x186: {  	[tilespmem:s21+$0x2810] =	vst.add.f32.msk $0xffff, v3  }
0x187: {  	[tilespmem:s21+$0x2820] =	vst.add.f32.msk $0xffff, v1;
	v1 =	vadd.f32 v8, v7  }
.Ltmp5:
0x188: {  	[tilespmem:s21+$0x2830] =	vst.add.f32.msk $0xffff, v0;
	(pc) =	sbr.rel @p0 .LBB2_12-.Ltmp5, $4  }
0x189: {  	[tilespmem:s21+$0x2840] =	vst.add.f32.msk $0xffff, v2;
	v0 =	vadd.f32 v9, v4  }
0x18a: {  	[tilespmem:s21+$0x2850] =	vst.add.f32.msk $0xffff, v1  }
0x18b: {  	[tilespmem:s21+$0x2860] =	vst.add.f32.msk $0xffff, v0;
	s21 =	sshra.s32 s22, $0x2  }
0x18c: {  	s22 =	sadd.s32 $0x200, s22;
	v0 =	vld [tilespmem:s21+$0xA070]  }
0x18d: {  	v1 =	vld [tilespmem:s21+$0x11870]  }
0x18e: {  	v2 =	vld [tilespmem:s21+$0xA000]  }
0x18f: {  	v3 =	vld [tilespmem:s21+$0x11800]  }
0x190: {  	v4 =	vld [tilespmem:s21+$0xA010]  }
0x191: {  	v5 =	vld [tilespmem:s21+$0x11810]  }
0x192: {  	v6 =	vld [tilespmem:s21+$0xA020]  }
0x193: {  	v57 =	vld [tilespmem:s21+$0x11820]  }
0x194: {  	v58 =	vld [tilespmem:s21+$0xA030]  }
0x195: {  	v7 =	vld [tilespmem:s21+$0x11830]  }
0x196: {  	v8 =	vld [tilespmem:s21+$0xA040]  }
0x197: {  	v9 =	vld [tilespmem:s21+$0x11840]  }
0x198: {  	v10 =	vld [tilespmem:s21+$0xA050]  }
0x199: {  	v11 =	vld [tilespmem:s21+$0x11850]  }
0x19a: {  	v59 =	vld [tilespmem:s21+$0xA060];
	v0 =	vadd.f32 v1, v0  }
0x19b: {  	v60 =	vld [tilespmem:s21+$0x11860];
	v2 =	vadd.f32 v3, v2  }
0x19c: {  	v4 =	vadd.f32 v5, v4;
	[tilespmem:s21+$0x2870] =	vst.add.f32.msk $0xffff, v0  }
0x19d: {  	v1 =	vadd.f32 v57, v6;
	[tilespmem:s21+$0x2800] =	vst.add.f32.msk $0xffff, v2  }
0x19e: {  	v61 =	vadd.f32 v9, v8;
	[tilespmem:s21+$0x2810] =	vst.add.f32.msk $0xffff, v4  }
0x19f: {  	v62 =	vadd.f32 v11, v10;
	[tilespmem:s21+$0x2820] =	vst.add.f32.msk $0xffff, v1  }
0x1a0: {  	v63 =	vadd.f32 v60, v59;
	[tilespmem:s21+$0x2840] =	vst.add.f32.msk $0xffff, v61  }
0x1a1: {  	v0 =	vadd.f32 v7, v58;
	[tilespmem:s21+$0x2850] =	vst.add.f32.msk $0xffff, v62  }
0x1a2: {  	[tilespmem:s21+$0x2860] =	vst.add.f32.msk $0xffff, v63  }
0x1a3: {  	s22 =	rddreg [dreg:$0x14];
	[tilespmem:s21+$0x2830] =	vst.add.f32.msk $0xffff, v0;
	s21 =	simm.s32 $0x0  }
0x1a4: {  	[hbm4b:s22+s21] =	stream.linear.scatter [tilespmem:s0], [sflag:$0x10], $0x2800, $0x38;
	[tilespmem:$0x16B00] =	vst v63  }
0x1a5: {  	_ =	swait.ge [sflag:s12], $0x2800  }
0x1a6: {  	s1 =	sadd.s32 $0x1, s1;
	s30 =	rddreg [dreg:$0x15]  }
0x1a7: {  	p0 =	sne.s32 s1, s30  }
.Ltmp6:
0x1a8: {  	_ = 	snop;
	(pc) =	sbr.rel @p0 .LBB2_1-.Ltmp6, $3  }
0x1a9: {  	_ =	sdelay $0x1  }
0x1aa: {  	[sflag:s12] =	ssyncset.done $0x0  }
0x1ab: {  	[sflag:s12] =	ssyncadd.s32 $0xFFFFD800  }
0x1ac: {  	_ =	sfence.sel $0x180000  }
0x1ad: {  	[bflag:$0x0] =	sbarrier.arrive $0xFFFF  }
0x1ae: {  	_ =	strace $0x9000004A  }
0x1af: {  	s0 =	stileid.u32;
	[bflag:$0x2] =	sbarrier.arrive $0xFFFF  }
0x1b0: {  	p0 =	sne.s32 s0, $0x0;
	s0 =	rddreg [dreg:$0x4]  }
0x1b1: {  	s0 =	sadd.s32 @!p0 $0x100000, s0  }
0x1b2: {  	[sflag:s0] =	ssyncadd.tile.s32 @!p0 $0x1;
	_ =	shalt  }
.Lfunc_end2:
_tile_overlayer_lowered:
.L_overlay_start_2:
0x1b3: {  	(tag) =	ssettag $0x2  }
0x1b4: {  	s0 =	rddreg [dreg:$0x0];
	s2 =	stileid.u32  }
0x1b5: {  	s1 =	rddreg [dreg:$0x1];
	p0 =	sne.s32 s2, $0x0  }
0x1b6: {  	s3 =	rddreg [dreg:$0x2];
	[bflag:$0x3] =	sbarrier.arrive $0xFFFF;
	s2 =	simm.s32 @!p0 $0x1C10  }
0x1b7: {  	[timem:s3], [sflag:s2] =	dma.local @!p0 [hbm:s0], s1  }
0x1b8: {  	s0 =	simm.s32 @!p0 $0x10  }
0x1b9: {  	_ =	swait.ge @!p0 [sflag:s0], s1  }
0x1ba: {  	s1 =	ssub.s32 @!p0 $0x0, s1;
	[sflag:s0] =	ssyncset.done @!p0 $0x0  }
0x1bb: {  	[sflag:s0] =	ssyncadd.s32 @!p0 s1  }
0x1bc: {  	[bflag:$0x3] =	sbarrier.arrive $0xFFFF  }
0x1bd: {  	_ =	shalt  }

</sc_bundles>
